<compile_context>
chip_gen: v7x
topology: tpu7x:2x2x1
jax: 0.10.2.dev20260603
libtpu: 0.0.44.dev20260713+nightly
codegen_flags: <defaults>
</compile_context>

<pallas_src>
import functools

import jax
import jax.numpy as jnp
from jax import lax
from jax.experimental import pallas as pl
from jax.experimental.pallas import tpu as pltpu, tpu_sc as plsc

VOCAB = 1000000
D = 64
B = 4096 * 200
NC, NS = 2, 16
NW = NC * NS
B_PER_W = B // NW
CHUNK = 128
NCHUNK = B_PER_W // CHUNK
K = 4
G = NCHUNK // K
R = 3

_mesh = plsc.VectorSubcoreMesh(
    core_axis_name="c", subcore_axis_name="s", num_cores=NC, num_subcores=NS
)


@functools.partial(
    pl.kernel,
    out_type=jax.ShapeDtypeStruct((B, D), jnp.float32),
    mesh=_mesh,
    compiler_params=pltpu.CompilerParams(use_tc_tiling_on_sc=False),
)
def _emb_lookup(idx_hbm, table_hbm, out_hbm):
    wid = lax.axis_index("s") * NC + lax.axis_index("c")
    base = wid * B_PER_W

    def body(idx_v, rows_v, g0, g1, g2, s0, s1, s2):
        gsem = (g0, g1, g2)
        ssem = (s0, s1, s2)

        pltpu.sync_copy(idx_hbm.at[pl.ds(base, B_PER_W)], idx_v)

        def gather_desc(gi, r, b):
            idx_sl = idx_v.at[pl.ds((gi * K + b) * CHUNK, CHUNK)]
            return pltpu.make_async_copy(
                table_hbm.at[idx_sl], rows_v.at[r, b], gsem[r]
            )

        def store_desc(gi, r, b):
            out_sl = out_hbm.at[pl.ds(base + (gi * K + b) * CHUNK, CHUNK)]
            return pltpu.make_async_copy(rows_v.at[r, b], out_sl, ssem[r])

        def fire_g(gi, r):
            for b in range(K):
                gather_desc(gi, r, b).start()

        def drain_g(gi, r):
            for b in range(K):
                gather_desc(gi, r, b).wait()

        def fire_s(gi, r):
            for b in range(K):
                store_desc(gi, r, b).start()

        def drain_s(gi, r):
            for b in range(K):
                store_desc(gi, r, b).wait()

        fire_g(0, 0)
        fire_g(1, 1)
        drain_g(0, 0)
        fire_s(0, 0)
        fire_g(2, 2)
        drain_g(1, 1)
        fire_s(1, 1)

        @pl.loop(2, G - 3, step=3)
        def _steady(i):
            for p in range(3):
                g = i + p
                r = (2 + p) % R
                rn = (r + 1) % R
                drain_s(g - 2, rn)
                fire_g(g + 1, rn)
                drain_g(g, r)
                fire_s(g, r)

        drain_s(45, 0)
        fire_g(48, 0)
        drain_g(47, 2)
        fire_s(47, 2)

        drain_s(46, 1)
        fire_g(49, 1)
        drain_g(48, 0)
        fire_s(48, 0)

        drain_s(47, 2)
        drain_g(49, 1)
        fire_s(49, 1)

        drain_s(48, 0)
        drain_s(49, 1)

    pl.run_scoped(
        body,
        pltpu.VMEM((B_PER_W,), jnp.int32),
        pltpu.VMEM((R, K, CHUNK, D), jnp.float32),
        *([pltpu.SemaphoreType.DMA] * 6),
    )


def kernel(x, table):
    out = _emb_lookup(x.reshape(-1), table)
    return out.reshape(x.shape + (D,))

# --- scband reference (transcript-rebuilt; emitter-appended) ---
"""Pipeline reference for scband-embedding-24026047053902 (READ-ONLY COPY).

The authoritative reference and input builder live on the scoring server;
editing this copy changes nothing except your own understanding.
"""

import jax, jax.numpy as jnp
import numpy as np

VOCAB = 1000000
D_MODEL = 64

def setup_inputs(seed: int = 0) -> dict:
    key = jax.random.key(seed)
    k1, k2 = jax.random.split(key)
    x = jax.random.randint(k1, (4096, 200), 0, VOCAB, dtype=jnp.int64) if jax.config.jax_enable_x64 else jax.random.randint(k1, (4096, 200), 0, VOCAB, dtype=jnp.int32)
    table = jax.random.normal(k2, (VOCAB, D_MODEL), dtype=jnp.float32)
    return {"x": x, "table": table}

def reference(x, table):
    # nn.Embedding forward: simple row gather from the embedding table
    return jnp.take(table, x, axis=0)

if __name__ == "__main__":
    import jax
    _d = setup_inputs()
    print(jax.jit(kernel)(*tuple(_d.values())))

</pallas_src>

<mosaic_0001>
#map = affine_map<(d0, d1) -> (0)>
#map1 = affine_map<(d0, d1) -> (0, 0)>
module attributes {stable_mosaic.version = 14 : i64} {
  func.func @_emb_lookup(%arg0: i32, %arg1: i32, %arg2: memref<819200xi32, #tpu.memory_space<hbm>>, %arg3: memref<1000000x64xf32, #tpu.memory_space<hbm>>, %arg4: memref<819200x64xf32, #tpu.memory_space<hbm>>) attributes {dimension_semantics = [#tpu.dimension_semantics<core_parallel>, #tpu.dimension_semantics<subcore_parallel>], iteration_bounds = array<i64: 2, 16>, scalar_prefetch = 0 : i64, scratch_operands = 0 : i64, tpu.core_type = #tpu.core_type<sc_vector_subcore>, window_params = [{transform_indices = #map}, {transform_indices = #map1}, {transform_indices = #map1}]} {
    %mul3A = arith.constant 2 : i32
    %mul3A_0 = arith.muli %arg1, %mul3A : i32
    %add3A = arith.addi %mul3A_0, %arg0 : i32
    %mul3A_1 = arith.constant 25600 : i32
    %mul3A_2 = arith.muli %add3A, %mul3A_1 : i32
    "tpu.region"() ({
      %run_scoped3A = memref.alloca() : memref<25600xi32, #tpu.memory_space<vmem>>
      %run_scoped3A_3 = memref.alloca() : memref<3x4x128x64xf32, #tpu.memory_space<vmem>>
      %run_scoped3A_4 = tpu.sem_alloc : memref<!tpu.dma_semaphore, #tpu.memory_space<semaphore_mem>>
      %run_scoped3A_5 = tpu.sem_alloc : memref<!tpu.dma_semaphore, #tpu.memory_space<semaphore_mem>>
      %run_scoped3A_6 = tpu.sem_alloc : memref<!tpu.dma_semaphore, #tpu.memory_space<semaphore_mem>>
      %run_scoped3A_7 = tpu.sem_alloc : memref<!tpu.dma_semaphore, #tpu.memory_space<semaphore_mem>>
      %run_scoped3A_8 = tpu.sem_alloc : memref<!tpu.dma_semaphore, #tpu.memory_space<semaphore_mem>>
      %run_scoped3A_9 = tpu.sem_alloc : memref<!tpu.dma_semaphore, #tpu.memory_space<semaphore_mem>>
      "tpu.region"() ({
        %run_scoped3A_1092 = tpu.sem_alloc : memref<!tpu.dma_semaphore, #tpu.memory_space<semaphore_mem>>
        %dma_start3A_1093 = tpu.memref_slice %arg2[%mul3A_2] : memref<819200xi32, #tpu.memory_space<hbm>> -> memref<25600xi32, #tpu.memory_space<hbm>>
        %dma_start3A_1094 = tpu.memref_slice %arg2[%mul3A_2] : memref<819200xi32, #tpu.memory_space<hbm>> -> memref<25600xi32, #tpu.memory_space<hbm>>
        tpu.enqueue_dma source(%dma_start3A_1094 : memref<25600xi32, #tpu.memory_space<hbm>>) target(%run_scoped3A : memref<25600xi32, #tpu.memory_space<vmem>>) target_semaphore(%run_scoped3A_1092 : memref<!tpu.dma_semaphore, #tpu.memory_space<semaphore_mem>>)
        %dma_wait3A_1095 = tpu.memref_slice %arg2[%mul3A_2] : memref<819200xi32, #tpu.memory_space<hbm>> -> memref<25600xi32, #tpu.memory_space<hbm>>
        %dma_wait3A_1096 = tpu.memref_slice %arg2[%mul3A_2] : memref<819200xi32, #tpu.memory_space<hbm>> -> memref<25600xi32, #tpu.memory_space<hbm>>
        tpu.wait_dma2 semaphore(%run_scoped3A_1092 : memref<!tpu.dma_semaphore, #tpu.memory_space<semaphore_mem>>) src(%dma_wait3A_1096 : memref<25600xi32, #tpu.memory_space<hbm>>) dst(%run_scoped3A : memref<25600xi32, #tpu.memory_space<vmem>>)
        tpu.yield
      }) : () -> ()
      %dma_start3A = arith.constant 0 : i32
      %dma_start3A_10 = arith.constant 0 : i32
      %dma_start3A_11 = arith.constant 0 : i32
      %dma_start3A_12 = arith.constant 0 : i32
      %dma_start3A_13 = tpu.memref_slice %run_scoped3A_3[%dma_start3A, %dma_start3A_10, %dma_start3A_11, %dma_start3A_12] : memref<3x4x128x64xf32, #tpu.memory_space<vmem>> -> memref<1x1x128x64xf32, #tpu.memory_space<vmem>>
      %dma_start3A_14 = tpu.memref_squeeze %dma_start3A_13 : memref<1x1x128x64xf32, #tpu.memory_space<vmem>> -> memref<128x64xf32, #tpu.memory_space<vmem>>
      %dma_start3A_15 = arith.constant 0 : i32
      %dma_start3A_16 = tpu.memref_slice %run_scoped3A[%dma_start3A_15] : memref<25600xi32, #tpu.memory_space<vmem>> -> memref<128xi32, #tpu.memory_space<vmem>>
      %dma_start3A_17 = arith.constant 0 : i32
      %dma_start3A_18 = arith.constant 0 : i32
      %dma_start3A_19 = tpu.memref_slice %arg3[%dma_start3A_17, %dma_start3A_18] : memref<1000000x64xf32, #tpu.memory_space<hbm>> -> memref<1000000x64xf32, #tpu.memory_space<hbm>>
      tpu.enqueue_indirect_dma source(%dma_start3A_19 : memref<1000000x64xf32, #tpu.memory_space<hbm>>) target(%dma_start3A_14 : memref<128x64xf32, #tpu.memory_space<vmem>>) offsets(%dma_start3A_16 : memref<128xi32, #tpu.memory_space<vmem>>) semaphore(%run_scoped3A_4 : memref<!tpu.dma_semaphore, #tpu.memory_space<semaphore_mem>>)
      %dma_start3A_20 = arith.constant 0 : i32
      %dma_start3A_21 = arith.constant 1 : i32
      %dma_start3A_22 = arith.constant 0 : i32
      %dma_start3A_23 = arith.constant 0 : i32
      %dma_start3A_24 = tpu.memref_slice %run_scoped3A_3[%dma_start3A_20, %dma_start3A_21, %dma_start3A_22, %dma_start3A_23] : memref<3x4x128x64xf32, #tpu.memory_space<vmem>> -> memref<1x1x128x64xf32, #tpu.memory_space<vmem>>
      %dma_start3A_25 = tpu.memref_squeeze %dma_start3A_24 : memref<1x1x128x64xf32, #tpu.memory_space<vmem>> -> memref<128x64xf32, #tpu.memory_space<vmem>>
      %dma_start3A_26 = arith.constant 128 : i32
      %dma_start3A_27 = tpu.memref_slice %run_scoped3A[%dma_start3A_26] : memref<25600xi32, #tpu.memory_space<vmem>> -> memref<128xi32, #tpu.memory_space<vmem>>
      %dma_start3A_28 = arith.constant 0 : i32
      %dma_start3A_29 = arith.constant 0 : i32
      %dma_start3A_30 = tpu.memref_slice %arg3[%dma_start3A_28, %dma_start3A_29] : memref<1000000x64xf32, #tpu.memory_space<hbm>> -> memref<1000000x64xf32, #tpu.memory_space<hbm>>
      tpu.enqueue_indirect_dma source(%dma_start3A_30 : memref<1000000x64xf32, #tpu.memory_space<hbm>>) target(%dma_start3A_25 : memref<128x64xf32, #tpu.memory_space<vmem>>) offsets(%dma_start3A_27 : memref<128xi32, #tpu.memory_space<vmem>>) semaphore(%run_scoped3A_4 : memref<!tpu.dma_semaphore, #tpu.memory_space<semaphore_mem>>)
      %dma_start3A_31 = arith.constant 0 : i32
      %dma_start3A_32 = arith.constant 2 : i32
      %dma_start3A_33 = arith.constant 0 : i32
      %dma_start3A_34 = arith.constant 0 : i32
      %dma_start3A_35 = tpu.memref_slice %run_scoped3A_3[%dma_start3A_31, %dma_start3A_32, %dma_start3A_33, %dma_start3A_34] : memref<3x4x128x64xf32, #tpu.memory_space<vmem>> -> memref<1x1x128x64xf32, #tpu.memory_space<vmem>>
      %dma_start3A_36 = tpu.memref_squeeze %dma_start3A_35 : memref<1x1x128x64xf32, #tpu.memory_space<vmem>> -> memref<128x64xf32, #tpu.memory_space<vmem>>
      %dma_start3A_37 = arith.constant 256 : i32
      %dma_start3A_38 = tpu.memref_slice %run_scoped3A[%dma_start3A_37] : memref<25600xi32, #tpu.memory_space<vmem>> -> memref<128xi32, #tpu.memory_space<vmem>>
      %dma_start3A_39 = arith.constant 0 : i32
      %dma_start3A_40 = arith.constant 0 : i32
      %dma_start3A_41 = tpu.memref_slice %arg3[%dma_start3A_39, %dma_start3A_40] : memref<1000000x64xf32, #tpu.memory_space<hbm>> -> memref<1000000x64xf32, #tpu.memory_space<hbm>>
      tpu.enqueue_indirect_dma source(%dma_start3A_41 : memref<1000000x64xf32, #tpu.memory_space<hbm>>) target(%dma_start3A_36 : memref<128x64xf32, #tpu.memory_space<vmem>>) offsets(%dma_start3A_38 : memref<128xi32, #tpu.memory_space<vmem>>) semaphore(%run_scoped3A_4 : memref<!tpu.dma_semaphore, #tpu.memory_space<semaphore_mem>>)
      %dma_start3A_42 = arith.constant 0 : i32
      %dma_start3A_43 = arith.constant 3 : i32
      %dma_start3A_44 = arith.constant 0 : i32
      %dma_start3A_45 = arith.constant 0 : i32
      %dma_start3A_46 = tpu.memref_slice %run_scoped3A_3[%dma_start3A_42, %dma_start3A_43, %dma_start3A_44, %dma_start3A_45] : memref<3x4x128x64xf32, #tpu.memory_space<vmem>> -> memref<1x1x128x64xf32, #tpu.memory_space<vmem>>
      %dma_start3A_47 = tpu.memref_squeeze %dma_start3A_46 : memref<1x1x128x64xf32, #tpu.memory_space<vmem>> -> memref<128x64xf32, #tpu.memory_space<vmem>>
      %dma_start3A_48 = arith.constant 384 : i32
      %dma_start3A_49 = tpu.memref_slice %run_scoped3A[%dma_start3A_48] : memref<25600xi32, #tpu.memory_space<vmem>> -> memref<128xi32, #tpu.memory_space<vmem>>
      %dma_start3A_50 = arith.constant 0 : i32
      %dma_start3A_51 = arith.constant 0 : i32
      %dma_start3A_52 = tpu.memref_slice %arg3[%dma_start3A_50, %dma_start3A_51] : memref<1000000x64xf32, #tpu.memory_space<hbm>> -> memref<1000000x64xf32, #tpu.memory_space<hbm>>
      tpu.enqueue_indirect_dma source(%dma_start3A_52 : memref<1000000x64xf32, #tpu.memory_space<hbm>>) target(%dma_start3A_47 : memref<128x64xf32, #tpu.memory_space<vmem>>) offsets(%dma_start3A_49 : memref<128xi32, #tpu.memory_space<vmem>>) semaphore(%run_scoped3A_4 : memref<!tpu.dma_semaphore, #tpu.memory_space<semaphore_mem>>)
      %dma_start3A_53 = arith.constant 1 : i32
      %dma_start3A_54 = arith.constant 0 : i32
      %dma_start3A_55 = arith.constant 0 : i32
      %dma_start3A_56 = arith.constant 0 : i32
      %dma_start3A_57 = tpu.memref_slice %run_scoped3A_3[%dma_start3A_53, %dma_start3A_54, %dma_start3A_55, %dma_start3A_56] : memref<3x4x128x64xf32, #tpu.memory_space<vmem>> -> memref<1x1x128x64xf32, #tpu.memory_space<vmem>>
      %dma_start3A_58 = tpu.memref_squeeze %dma_start3A_57 : memref<1x1x128x64xf32, #tpu.memory_space<vmem>> -> memref<128x64xf32, #tpu.memory_space<vmem>>
      %dma_start3A_59 = arith.constant 512 : i32
      %dma_start3A_60 = tpu.memref_slice %run_scoped3A[%dma_start3A_59] : memref<25600xi32, #tpu.memory_space<vmem>> -> memref<128xi32, #tpu.memory_space<vmem>>
      %dma_start3A_61 = arith.constant 0 : i32
      %dma_start3A_62 = arith.constant 0 : i32
      %dma_start3A_63 = tpu.memref_slice %arg3[%dma_start3A_61, %dma_start3A_62] : memref<1000000x64xf32, #tpu.memory_space<hbm>> -> memref<1000000x64xf32, #tpu.memory_space<hbm>>
      tpu.enqueue_indirect_dma source(%dma_start3A_63 : memref<1000000x64xf32, #tpu.memory_space<hbm>>) target(%dma_start3A_58 : memref<128x64xf32, #tpu.memory_space<vmem>>) offsets(%dma_start3A_60 : memref<128xi32, #tpu.memory_space<vmem>>) semaphore(%run_scoped3A_5 : memref<!tpu.dma_semaphore, #tpu.memory_space<semaphore_mem>>)
      %dma_start3A_64 = arith.constant 1 : i32
      %dma_start3A_65 = arith.constant 1 : i32
      %dma_start3A_66 = arith.constant 0 : i32
      %dma_start3A_67 = arith.constant 0 : i32
      %dma_start3A_68 = tpu.memref_slice %run_scoped3A_3[%dma_start3A_64, %dma_start3A_65, %dma_start3A_66, %dma_start3A_67] : memref<3x4x128x64xf32, #tpu.memory_space<vmem>> -> memref<1x1x128x64xf32, #tpu.memory_space<vmem>>
      %dma_start3A_69 = tpu.memref_squeeze %dma_start3A_68 : memref<1x1x128x64xf32, #tpu.memory_space<vmem>> -> memref<128x64xf32, #tpu.memory_space<vmem>>
      %dma_start3A_70 = arith.constant 640 : i32
      %dma_start3A_71 = tpu.memref_slice %run_scoped3A[%dma_start3A_70] : memref<25600xi32, #tpu.memory_space<vmem>> -> memref<128xi32, #tpu.memory_space<vmem>>
      %dma_start3A_72 = arith.constant 0 : i32
      %dma_start3A_73 = arith.constant 0 : i32
      %dma_start3A_74 = tpu.memref_slice %arg3[%dma_start3A_72, %dma_start3A_73] : memref<1000000x64xf32, #tpu.memory_space<hbm>> -> memref<1000000x64xf32, #tpu.memory_space<hbm>>
      tpu.enqueue_indirect_dma source(%dma_start3A_74 : memref<1000000x64xf32, #tpu.memory_space<hbm>>) target(%dma_start3A_69 : memref<128x64xf32, #tpu.memory_space<vmem>>) offsets(%dma_start3A_71 : memref<128xi32, #tpu.memory_space<vmem>>) semaphore(%run_scoped3A_5 : memref<!tpu.dma_semaphore, #tpu.memory_space<semaphore_mem>>)
      %dma_start3A_75 = arith.constant 1 : i32
      %dma_start3A_76 = arith.constant 2 : i32
      %dma_start3A_77 = arith.constant 0 : i32
      %dma_start3A_78 = arith.constant 0 : i32
      %dma_start3A_79 = tpu.memref_slice %run_scoped3A_3[%dma_start3A_75, %dma_start3A_76, %dma_start3A_77, %dma_start3A_78] : memref<3x4x128x64xf32, #tpu.memory_space<vmem>> -> memref<1x1x128x64xf32, #tpu.memory_space<vmem>>
      %dma_start3A_80 = tpu.memref_squeeze %dma_start3A_79 : memref<1x1x128x64xf32, #tpu.memory_space<vmem>> -> memref<128x64xf32, #tpu.memory_space<vmem>>
      %dma_start3A_81 = arith.constant 768 : i32
      %dma_start3A_82 = tpu.memref_slice %run_scoped3A[%dma_start3A_81] : memref<25600xi32, #tpu.memory_space<vmem>> -> memref<128xi32, #tpu.memory_space<vmem>>
      %dma_start3A_83 = arith.constant 0 : i32
      %dma_start3A_84 = arith.constant 0 : i32
      %dma_start3A_85 = tpu.memref_slice %arg3[%dma_start3A_83, %dma_start3A_84] : memref<1000000x64xf32, #tpu.memory_space<hbm>> -> memref<1000000x64xf32, #tpu.memory_space<hbm>>
      tpu.enqueue_indirect_dma source(%dma_start3A_85 : memref<1000000x64xf32, #tpu.memory_space<hbm>>) target(%dma_start3A_80 : memref<128x64xf32, #tpu.memory_space<vmem>>) offsets(%dma_start3A_82 : memref<128xi32, #tpu.memory_space<vmem>>) semaphore(%run_scoped3A_5 : memref<!tpu.dma_semaphore, #tpu.memory_space<semaphore_mem>>)
      %dma_start3A_86 = arith.constant 1 : i32
      %dma_start3A_87 = arith.constant 3 : i32
      %dma_start3A_88 = arith.constant 0 : i32
      %dma_start3A_89 = arith.constant 0 : i32
      %dma_start3A_90 = tpu.memref_slice %run_scoped3A_3[%dma_start3A_86, %dma_start3A_87, %dma_start3A_88, %dma_start3A_89] : memref<3x4x128x64xf32, #tpu.memory_space<vmem>> -> memref<1x1x128x64xf32, #tpu.memory_space<vmem>>
      %dma_start3A_91 = tpu.memref_squeeze %dma_start3A_90 : memref<1x1x128x64xf32, #tpu.memory_space<vmem>> -> memref<128x64xf32, #tpu.memory_space<vmem>>
      %dma_start3A_92 = arith.constant 896 : i32
      %dma_start3A_93 = tpu.memref_slice %run_scoped3A[%dma_start3A_92] : memref<25600xi32, #tpu.memory_space<vmem>> -> memref<128xi32, #tpu.memory_space<vmem>>
      %dma_start3A_94 = arith.constant 0 : i32
      %dma_start3A_95 = arith.constant 0 : i32
      %dma_start3A_96 = tpu.memref_slice %arg3[%dma_start3A_94, %dma_start3A_95] : memref<1000000x64xf32, #tpu.memory_space<hbm>> -> memref<1000000x64xf32, #tpu.memory_space<hbm>>
      tpu.enqueue_indirect_dma source(%dma_start3A_96 : memref<1000000x64xf32, #tpu.memory_space<hbm>>) target(%dma_start3A_91 : memref<128x64xf32, #tpu.memory_space<vmem>>) offsets(%dma_start3A_93 : memref<128xi32, #tpu.memory_space<vmem>>) semaphore(%run_scoped3A_5 : memref<!tpu.dma_semaphore, #tpu.memory_space<semaphore_mem>>)
      %dma_wait3A = arith.constant 0 : i32
      %dma_wait3A_97 = arith.constant 0 : i32
      %dma_wait3A_98 = arith.constant 0 : i32
      %dma_wait3A_99 = arith.constant 0 : i32
      %dma_wait3A_100 = tpu.memref_slice %run_scoped3A_3[%dma_wait3A, %dma_wait3A_97, %dma_wait3A_98, %dma_wait3A_99] : memref<3x4x128x64xf32, #tpu.memory_space<vmem>> -> memref<1x1x128x64xf32, #tpu.memory_space<vmem>>
      %dma_wait3A_101 = tpu.memref_squeeze %dma_wait3A_100 : memref<1x1x128x64xf32, #tpu.memory_space<vmem>> -> memref<128x64xf32, #tpu.memory_space<vmem>>
      %dma_wait3A_102 = arith.constant 0 : i32
      %dma_wait3A_103 = tpu.memref_slice %run_scoped3A[%dma_wait3A_102] : memref<25600xi32, #tpu.memory_space<vmem>> -> memref<128xi32, #tpu.memory_space<vmem>>
      %dma_wait3A_104 = arith.constant 0 : i32
      %dma_wait3A_105 = arith.constant 0 : i32
      %dma_wait3A_106 = tpu.memref_slice %arg3[%dma_wait3A_104, %dma_wait3A_105] : memref<1000000x64xf32, #tpu.memory_space<hbm>> -> memref<1000000x64xf32, #tpu.memory_space<hbm>>
      tpu.wait_indirect_dma semaphore(%run_scoped3A_4 : memref<!tpu.dma_semaphore, #tpu.memory_space<semaphore_mem>>) src(%dma_wait3A_106 : memref<1000000x64xf32, #tpu.memory_space<hbm>>) dst(%dma_wait3A_101 : memref<128x64xf32, #tpu.memory_space<vmem>>)
      %dma_wait3A_107 = arith.constant 0 : i32
      %dma_wait3A_108 = arith.constant 1 : i32
      %dma_wait3A_109 = arith.constant 0 : i32
      %dma_wait3A_110 = arith.constant 0 : i32
      %dma_wait3A_111 = tpu.memref_slice %run_scoped3A_3[%dma_wait3A_107, %dma_wait3A_108, %dma_wait3A_109, %dma_wait3A_110] : memref<3x4x128x64xf32, #tpu.memory_space<vmem>> -> memref<1x1x128x64xf32, #tpu.memory_space<vmem>>
      %dma_wait3A_112 = tpu.memref_squeeze %dma_wait3A_111 : memref<1x1x128x64xf32, #tpu.memory_space<vmem>> -> memref<128x64xf32, #tpu.memory_space<vmem>>
      %dma_wait3A_113 = arith.constant 128 : i32
      %dma_wait3A_114 = tpu.memref_slice %run_scoped3A[%dma_wait3A_113] : memref<25600xi32, #tpu.memory_space<vmem>> -> memref<128xi32, #tpu.memory_space<vmem>>
      %dma_wait3A_115 = arith.constant 0 : i32
      %dma_wait3A_116 = arith.constant 0 : i32
      %dma_wait3A_117 = tpu.memref_slice %arg3[%dma_wait3A_115, %dma_wait3A_116] : memref<1000000x64xf32, #tpu.memory_space<hbm>> -> memref<1000000x64xf32, #tpu.memory_space<hbm>>
      tpu.wait_indirect_dma semaphore(%run_scoped3A_4 : memref<!tpu.dma_semaphore, #tpu.memory_space<semaphore_mem>>) src(%dma_wait3A_117 : memref<1000000x64xf32, #tpu.memory_space<hbm>>) dst(%dma_wait3A_112 : memref<128x64xf32, #tpu.memory_space<vmem>>)
      %dma_wait3A_118 = arith.constant 0 : i32
      %dma_wait3A_119 = arith.constant 2 : i32
      %dma_wait3A_120 = arith.constant 0 : i32
      %dma_wait3A_121 = arith.constant 0 : i32
      %dma_wait3A_122 = tpu.memref_slice %run_scoped3A_3[%dma_wait3A_118, %dma_wait3A_119, %dma_wait3A_120, %dma_wait3A_121] : memref<3x4x128x64xf32, #tpu.memory_space<vmem>> -> memref<1x1x128x64xf32, #tpu.memory_space<vmem>>
      %dma_wait3A_123 = tpu.memref_squeeze %dma_wait3A_122 : memref<1x1x128x64xf32, #tpu.memory_space<vmem>> -> memref<128x64xf32, #tpu.memory_space<vmem>>
      %dma_wait3A_124 = arith.constant 256 : i32
      %dma_wait3A_125 = tpu.memref_slice %run_scoped3A[%dma_wait3A_124] : memref<25600xi32, #tpu.memory_space<vmem>> -> memref<128xi32, #tpu.memory_space<vmem>>
      %dma_wait3A_126 = arith.constant 0 : i32
      %dma_wait3A_127 = arith.constant 0 : i32
      %dma_wait3A_128 = tpu.memref_slice %arg3[%dma_wait3A_126, %dma_wait3A_127] : memref<1000000x64xf32, #tpu.memory_space<hbm>> -> memref<1000000x64xf32, #tpu.memory_space<hbm>>
      tpu.wait_indirect_dma semaphore(%run_scoped3A_4 : memref<!tpu.dma_semaphore, #tpu.memory_space<semaphore_mem>>) src(%dma_wait3A_128 : memref<1000000x64xf32, #tpu.memory_space<hbm>>) dst(%dma_wait3A_123 : memref<128x64xf32, #tpu.memory_space<vmem>>)
      %dma_wait3A_129 = arith.constant 0 : i32
      %dma_wait3A_130 = arith.constant 3 : i32
      %dma_wait3A_131 = arith.constant 0 : i32
      %dma_wait3A_132 = arith.constant 0 : i32
      %dma_wait3A_133 = tpu.memref_slice %run_scoped3A_3[%dma_wait3A_129, %dma_wait3A_130, %dma_wait3A_131, %dma_wait3A_132] : memref<3x4x128x64xf32, #tpu.memory_space<vmem>> -> memref<1x1x128x64xf32, #tpu.memory_space<vmem>>
      %dma_wait3A_134 = tpu.memref_squeeze %dma_wait3A_133 : memref<1x1x128x64xf32, #tpu.memory_space<vmem>> -> memref<128x64xf32, #tpu.memory_space<vmem>>
      %dma_wait3A_135 = arith.constant 384 : i32
      %dma_wait3A_136 = tpu.memref_slice %run_scoped3A[%dma_wait3A_135] : memref<25600xi32, #tpu.memory_space<vmem>> -> memref<128xi32, #tpu.memory_space<vmem>>
      %dma_wait3A_137 = arith.constant 0 : i32
      %dma_wait3A_138 = arith.constant 0 : i32
      %dma_wait3A_139 = tpu.memref_slice %arg3[%dma_wait3A_137, %dma_wait3A_138] : memref<1000000x64xf32, #tpu.memory_space<hbm>> -> memref<1000000x64xf32, #tpu.memory_space<hbm>>
      tpu.wait_indirect_dma semaphore(%run_scoped3A_4 : memref<!tpu.dma_semaphore, #tpu.memory_space<semaphore_mem>>) src(%dma_wait3A_139 : memref<1000000x64xf32, #tpu.memory_space<hbm>>) dst(%dma_wait3A_134 : memref<128x64xf32, #tpu.memory_space<vmem>>)
      %add3A_140 = arith.constant 0 : i32
      %add3A_141 = arith.addi %mul3A_2, %add3A_140 : i32
      %dma_start3A_142 = arith.constant 0 : i32
      %dma_start3A_143 = arith.constant 0 : i32
      %dma_start3A_144 = arith.constant 0 : i32
      %dma_start3A_145 = arith.constant 0 : i32
      %dma_start3A_146 = tpu.memref_slice %run_scoped3A_3[%dma_start3A_142, %dma_start3A_143, %dma_start3A_144, %dma_start3A_145] : memref<3x4x128x64xf32, #tpu.memory_space<vmem>> -> memref<1x1x128x64xf32, #tpu.memory_space<vmem>>
      %dma_start3A_147 = tpu.memref_squeeze %dma_start3A_146 : memref<1x1x128x64xf32, #tpu.memory_space<vmem>> -> memref<128x64xf32, #tpu.memory_space<vmem>>
      %dma_start3A_148 = arith.constant 0 : i32
      %dma_start3A_149 = tpu.memref_slice %arg4[%add3A_141, %dma_start3A_148] : memref<819200x64xf32, #tpu.memory_space<hbm>> -> memref<128x64xf32, #tpu.memory_space<hbm>>
      %dma_start3A_150 = arith.constant 0 : i32
      %dma_start3A_151 = tpu.memref_slice %arg4[%add3A_141, %dma_start3A_150] : memref<819200x64xf32, #tpu.memory_space<hbm>> -> memref<128x64xf32, #tpu.memory_space<hbm>>
      %dma_start3A_152 = arith.constant 0 : i32
      %dma_start3A_153 = arith.constant 0 : i32
      %dma_start3A_154 = tpu.memref_slice %run_scoped3A_3[%dma_start3A_142, %dma_start3A_143, %dma_start3A_152, %dma_start3A_153] : memref<3x4x128x64xf32, #tpu.memory_space<vmem>> -> memref<1x1x128x64xf32, #tpu.memory_space<vmem>>
      %dma_start3A_155 = tpu.memref_squeeze %dma_start3A_154 : memref<1x1x128x64xf32, #tpu.memory_space<vmem>> -> memref<128x64xf32, #tpu.memory_space<vmem>>
      tpu.enqueue_dma source(%dma_start3A_155 : memref<128x64xf32, #tpu.memory_space<vmem>>) target(%dma_start3A_151 : memref<128x64xf32, #tpu.memory_space<hbm>>) target_semaphore(%run_scoped3A_7 : memref<!tpu.dma_semaphore, #tpu.memory_space<semaphore_mem>>)
      %add3A_156 = arith.constant 128 : i32
      %add3A_157 = arith.addi %mul3A_2, %add3A_156 : i32
      %dma_start3A_158 = arith.constant 0 : i32
      %dma_start3A_159 = arith.constant 1 : i32
      %dma_start3A_160 = arith.constant 0 : i32
      %dma_start3A_161 = arith.constant 0 : i32
      %dma_start3A_162 = tpu.memref_slice %run_scoped3A_3[%dma_start3A_158, %dma_start3A_159, %dma_start3A_160, %dma_start3A_161] : memref<3x4x128x64xf32, #tpu.memory_space<vmem>> -> memref<1x1x128x64xf32, #tpu.memory_space<vmem>>
      %dma_start3A_163 = tpu.memref_squeeze %dma_start3A_162 : memref<1x1x128x64xf32, #tpu.memory_space<vmem>> -> memref<128x64xf32, #tpu.memory_space<vmem>>
      %dma_start3A_164 = arith.constant 0 : i32
      %dma_start3A_165 = tpu.memref_slice %arg4[%add3A_157, %dma_start3A_164] : memref<819200x64xf32, #tpu.memory_space<hbm>> -> memref<128x64xf32, #tpu.memory_space<hbm>>
      %dma_start3A_166 = arith.constant 0 : i32
      %dma_start3A_167 = tpu.memref_slice %arg4[%add3A_157, %dma_start3A_166] : memref<819200x64xf32, #tpu.memory_space<hbm>> -> memref<128x64xf32, #tpu.memory_space<hbm>>
      %dma_start3A_168 = arith.constant 0 : i32
      %dma_start3A_169 = arith.constant 0 : i32
      %dma_start3A_170 = tpu.memref_slice %run_scoped3A_3[%dma_start3A_158, %dma_start3A_159, %dma_start3A_168, %dma_start3A_169] : memref<3x4x128x64xf32, #tpu.memory_space<vmem>> -> memref<1x1x128x64xf32, #tpu.memory_space<vmem>>
      %dma_start3A_171 = tpu.memref_squeeze %dma_start3A_170 : memref<1x1x128x64xf32, #tpu.memory_space<vmem>> -> memref<128x64xf32, #tpu.memory_space<vmem>>
      tpu.enqueue_dma source(%dma_start3A_171 : memref<128x64xf32, #tpu.memory_space<vmem>>) target(%dma_start3A_167 : memref<128x64xf32, #tpu.memory_space<hbm>>) target_semaphore(%run_scoped3A_7 : memref<!tpu.dma_semaphore, #tpu.memory_space<semaphore_mem>>)
      %add3A_172 = arith.constant 256 : i32
      %add3A_173 = arith.addi %mul3A_2, %add3A_172 : i32
      %dma_start3A_174 = arith.constant 0 : i32
      %dma_start3A_175 = arith.constant 2 : i32
      %dma_start3A_176 = arith.constant 0 : i32
      %dma_start3A_177 = arith.constant 0 : i32
      %dma_start3A_178 = tpu.memref_slice %run_scoped3A_3[%dma_start3A_174, %dma_start3A_175, %dma_start3A_176, %dma_start3A_177] : memref<3x4x128x64xf32, #tpu.memory_space<vmem>> -> memref<1x1x128x64xf32, #tpu.memory_space<vmem>>
      %dma_start3A_179 = tpu.memref_squeeze %dma_start3A_178 : memref<1x1x128x64xf32, #tpu.memory_space<vmem>> -> memref<128x64xf32, #tpu.memory_space<vmem>>
      %dma_start3A_180 = arith.constant 0 : i32
      %dma_start3A_181 = tpu.memref_slice %arg4[%add3A_173, %dma_start3A_180] : memref<819200x64xf32, #tpu.memory_space<hbm>> -> memref<128x64xf32, #tpu.memory_space<hbm>>
      %dma_start3A_182 = arith.constant 0 : i32
      %dma_start3A_183 = tpu.memref_slice %arg4[%add3A_173, %dma_start3A_182] : memref<819200x64xf32, #tpu.memory_space<hbm>> -> memref<128x64xf32, #tpu.memory_space<hbm>>
      %dma_start3A_184 = arith.constant 0 : i32
      %dma_start3A_185 = arith.constant 0 : i32
      %dma_start3A_186 = tpu.memref_slice %run_scoped3A_3[%dma_start3A_174, %dma_start3A_175, %dma_start3A_184, %dma_start3A_185] : memref<3x4x128x64xf32, #tpu.memory_space<vmem>> -> memref<1x1x128x64xf32, #tpu.memory_space<vmem>>
      %dma_start3A_187 = tpu.memref_squeeze %dma_start3A_186 : memref<1x1x128x64xf32, #tpu.memory_space<vmem>> -> memref<128x64xf32, #tpu.memory_space<vmem>>
      tpu.enqueue_dma source(%dma_start3A_187 : memref<128x64xf32, #tpu.memory_space<vmem>>) target(%dma_start3A_183 : memref<128x64xf32, #tpu.memory_space<hbm>>) target_semaphore(%run_scoped3A_7 : memref<!tpu.dma_semaphore, #tpu.memory_space<semaphore_mem>>)
      %add3A_188 = arith.constant 384 : i32
      %add3A_189 = arith.addi %mul3A_2, %add3A_188 : i32
      %dma_start3A_190 = arith.constant 0 : i32
      %dma_start3A_191 = arith.constant 3 : i32
      %dma_start3A_192 = arith.constant 0 : i32
      %dma_start3A_193 = arith.constant 0 : i32
      %dma_start3A_194 = tpu.memref_slice %run_scoped3A_3[%dma_start3A_190, %dma_start3A_191, %dma_start3A_192, %dma_start3A_193] : memref<3x4x128x64xf32, #tpu.memory_space<vmem>> -> memref<1x1x128x64xf32, #tpu.memory_space<vmem>>
      %dma_start3A_195 = tpu.memref_squeeze %dma_start3A_194 : memref<1x1x128x64xf32, #tpu.memory_space<vmem>> -> memref<128x64xf32, #tpu.memory_space<vmem>>
      %dma_start3A_196 = arith.constant 0 : i32
      %dma_start3A_197 = tpu.memref_slice %arg4[%add3A_189, %dma_start3A_196] : memref<819200x64xf32, #tpu.memory_space<hbm>> -> memref<128x64xf32, #tpu.memory_space<hbm>>
      %dma_start3A_198 = arith.constant 0 : i32
      %dma_start3A_199 = tpu.memref_slice %arg4[%add3A_189, %dma_start3A_198] : memref<819200x64xf32, #tpu.memory_space<hbm>> -> memref<128x64xf32, #tpu.memory_space<hbm>>
      %dma_start3A_200 = arith.constant 0 : i32
      %dma_start3A_201 = arith.constant 0 : i32
      %dma_start3A_202 = tpu.memref_slice %run_scoped3A_3[%dma_start3A_190, %dma_start3A_191, %dma_start3A_200, %dma_start3A_201] : memref<3x4x128x64xf32, #tpu.memory_space<vmem>> -> memref<1x1x128x64xf32, #tpu.memory_space<vmem>>
      %dma_start3A_203 = tpu.memref_squeeze %dma_start3A_202 : memref<1x1x128x64xf32, #tpu.memory_space<vmem>> -> memref<128x64xf32, #tpu.memory_space<vmem>>
      tpu.enqueue_dma source(%dma_start3A_203 : memref<128x64xf32, #tpu.memory_space<vmem>>) target(%dma_start3A_199 : memref<128x64xf32, #tpu.memory_space<hbm>>) target_semaphore(%run_scoped3A_7 : memref<!tpu.dma_semaphore, #tpu.memory_space<semaphore_mem>>)
      %dma_start3A_204 = arith.constant 2 : i32
      %dma_start3A_205 = arith.constant 0 : i32
      %dma_start3A_206 = arith.constant 0 : i32
      %dma_start3A_207 = arith.constant 0 : i32
      %dma_start3A_208 = tpu.memref_slice %run_scoped3A_3[%dma_start3A_204, %dma_start3A_205, %dma_start3A_206, %dma_start3A_207] : memref<3x4x128x64xf32, #tpu.memory_space<vmem>> -> memref<1x1x128x64xf32, #tpu.memory_space<vmem>>
      %dma_start3A_209 = tpu.memref_squeeze %dma_start3A_208 : memref<1x1x128x64xf32, #tpu.memory_space<vmem>> -> memref<128x64xf32, #tpu.memory_space<vmem>>
      %dma_start3A_210 = arith.constant 1024 : i32
      %dma_start3A_211 = tpu.memref_slice %run_scoped3A[%dma_start3A_210] : memref<25600xi32, #tpu.memory_space<vmem>> -> memref<128xi32, #tpu.memory_space<vmem>>
      %dma_start3A_212 = arith.constant 0 : i32
      %dma_start3A_213 = arith.constant 0 : i32
      %dma_start3A_214 = tpu.memref_slice %arg3[%dma_start3A_212, %dma_start3A_213] : memref<1000000x64xf32, #tpu.memory_space<hbm>> -> memref<1000000x64xf32, #tpu.memory_space<hbm>>
      tpu.enqueue_indirect_dma source(%dma_start3A_214 : memref<1000000x64xf32, #tpu.memory_space<hbm>>) target(%dma_start3A_209 : memref<128x64xf32, #tpu.memory_space<vmem>>) offsets(%dma_start3A_211 : memref<128xi32, #tpu.memory_space<vmem>>) semaphore(%run_scoped3A_6 : memref<!tpu.dma_semaphore, #tpu.memory_space<semaphore_mem>>)
      %dma_start3A_215 = arith.constant 2 : i32
      %dma_start3A_216 = arith.constant 1 : i32
      %dma_start3A_217 = arith.constant 0 : i32
      %dma_start3A_218 = arith.constant 0 : i32
      %dma_start3A_219 = tpu.memref_slice %run_scoped3A_3[%dma_start3A_215, %dma_start3A_216, %dma_start3A_217, %dma_start3A_218] : memref<3x4x128x64xf32, #tpu.memory_space<vmem>> -> memref<1x1x128x64xf32, #tpu.memory_space<vmem>>
      %dma_start3A_220 = tpu.memref_squeeze %dma_start3A_219 : memref<1x1x128x64xf32, #tpu.memory_space<vmem>> -> memref<128x64xf32, #tpu.memory_space<vmem>>
      %dma_start3A_221 = arith.constant 1152 : i32
      %dma_start3A_222 = tpu.memref_slice %run_scoped3A[%dma_start3A_221] : memref<25600xi32, #tpu.memory_space<vmem>> -> memref<128xi32, #tpu.memory_space<vmem>>
      %dma_start3A_223 = arith.constant 0 : i32
      %dma_start3A_224 = arith.constant 0 : i32
      %dma_start3A_225 = tpu.memref_slice %arg3[%dma_start3A_223, %dma_start3A_224] : memref<1000000x64xf32, #tpu.memory_space<hbm>> -> memref<1000000x64xf32, #tpu.memory_space<hbm>>
      tpu.enqueue_indirect_dma source(%dma_start3A_225 : memref<1000000x64xf32, #tpu.memory_space<hbm>>) target(%dma_start3A_220 : memref<128x64xf32, #tpu.memory_space<vmem>>) offsets(%dma_start3A_222 : memref<128xi32, #tpu.memory_space<vmem>>) semaphore(%run_scoped3A_6 : memref<!tpu.dma_semaphore, #tpu.memory_space<semaphore_mem>>)
      %dma_start3A_226 = arith.constant 2 : i32
      %dma_start3A_227 = arith.constant 2 : i32
      %dma_start3A_228 = arith.constant 0 : i32
      %dma_start3A_229 = arith.constant 0 : i32
      %dma_start3A_230 = tpu.memref_slice %run_scoped3A_3[%dma_start3A_226, %dma_start3A_227, %dma_start3A_228, %dma_start3A_229] : memref<3x4x128x64xf32, #tpu.memory_space<vmem>> -> memref<1x1x128x64xf32, #tpu.memory_space<vmem>>
      %dma_start3A_231 = tpu.memref_squeeze %dma_start3A_230 : memref<1x1x128x64xf32, #tpu.memory_space<vmem>> -> memref<128x64xf32, #tpu.memory_space<vmem>>
      %dma_start3A_232 = arith.constant 1280 : i32
      %dma_start3A_233 = tpu.memref_slice %run_scoped3A[%dma_start3A_232] : memref<25600xi32, #tpu.memory_space<vmem>> -> memref<128xi32, #tpu.memory_space<vmem>>
      %dma_start3A_234 = arith.constant 0 : i32
      %dma_start3A_235 = arith.constant 0 : i32
      %dma_start3A_236 = tpu.memref_slice %arg3[%dma_start3A_234, %dma_start3A_235] : memref<1000000x64xf32, #tpu.memory_space<hbm>> -> memref<1000000x64xf32, #tpu.memory_space<hbm>>
      tpu.enqueue_indirect_dma source(%dma_start3A_236 : memref<1000000x64xf32, #tpu.memory_space<hbm>>) target(%dma_start3A_231 : memref<128x64xf32, #tpu.memory_space<vmem>>) offsets(%dma_start3A_233 : memref<128xi32, #tpu.memory_space<vmem>>) semaphore(%run_scoped3A_6 : memref<!tpu.dma_semaphore, #tpu.memory_space<semaphore_mem>>)
      %dma_start3A_237 = arith.constant 2 : i32
      %dma_start3A_238 = arith.constant 3 : i32
      %dma_start3A_239 = arith.constant 0 : i32
      %dma_start3A_240 = arith.constant 0 : i32
      %dma_start3A_241 = tpu.memref_slice %run_scoped3A_3[%dma_start3A_237, %dma_start3A_238, %dma_start3A_239, %dma_start3A_240] : memref<3x4x128x64xf32, #tpu.memory_space<vmem>> -> memref<1x1x128x64xf32, #tpu.memory_space<vmem>>
      %dma_start3A_242 = tpu.memref_squeeze %dma_start3A_241 : memref<1x1x128x64xf32, #tpu.memory_space<vmem>> -> memref<128x64xf32, #tpu.memory_space<vmem>>
      %dma_start3A_243 = arith.constant 1408 : i32
      %dma_start3A_244 = tpu.memref_slice %run_scoped3A[%dma_start3A_243] : memref<25600xi32, #tpu.memory_space<vmem>> -> memref<128xi32, #tpu.memory_space<vmem>>
      %dma_start3A_245 = arith.constant 0 : i32
      %dma_start3A_246 = arith.constant 0 : i32
      %dma_start3A_247 = tpu.memref_slice %arg3[%dma_start3A_245, %dma_start3A_246] : memref<1000000x64xf32, #tpu.memory_space<hbm>> -> memref<1000000x64xf32, #tpu.memory_space<hbm>>
      tpu.enqueue_indirect_dma source(%dma_start3A_247 : memref<1000000x64xf32, #tpu.memory_space<hbm>>) target(%dma_start3A_242 : memref<128x64xf32, #tpu.memory_space<vmem>>) offsets(%dma_start3A_244 : memref<128xi32, #tpu.memory_space<vmem>>) semaphore(%run_scoped3A_6 : memref<!tpu.dma_semaphore, #tpu.memory_space<semaphore_mem>>)
      %dma_wait3A_248 = arith.constant 1 : i32
      %dma_wait3A_249 = arith.constant 0 : i32
      %dma_wait3A_250 = arith.constant 0 : i32
      %dma_wait3A_251 = arith.constant 0 : i32
      %dma_wait3A_252 = tpu.memref_slice %run_scoped3A_3[%dma_wait3A_248, %dma_wait3A_249, %dma_wait3A_250, %dma_wait3A_251] : memref<3x4x128x64xf32, #tpu.memory_space<vmem>> -> memref<1x1x128x64xf32, #tpu.memory_space<vmem>>
      %dma_wait3A_253 = tpu.memref_squeeze %dma_wait3A_252 : memref<1x1x128x64xf32, #tpu.memory_space<vmem>> -> memref<128x64xf32, #tpu.memory_space<vmem>>
      %dma_wait3A_254 = arith.constant 512 : i32
      %dma_wait3A_255 = tpu.memref_slice %run_scoped3A[%dma_wait3A_254] : memref<25600xi32, #tpu.memory_space<vmem>> -> memref<128xi32, #tpu.memory_space<vmem>>
      %dma_wait3A_256 = arith.constant 0 : i32
      %dma_wait3A_257 = arith.constant 0 : i32
      %dma_wait3A_258 = tpu.memref_slice %arg3[%dma_wait3A_256, %dma_wait3A_257] : memref<1000000x64xf32, #tpu.memory_space<hbm>> -> memref<1000000x64xf32, #tpu.memory_space<hbm>>
      tpu.wait_indirect_dma semaphore(%run_scoped3A_5 : memref<!tpu.dma_semaphore, #tpu.memory_space<semaphore_mem>>) src(%dma_wait3A_258 : memref<1000000x64xf32, #tpu.memory_space<hbm>>) dst(%dma_wait3A_253 : memref<128x64xf32, #tpu.memory_space<vmem>>)
      %dma_wait3A_259 = arith.constant 1 : i32
      %dma_wait3A_260 = arith.constant 1 : i32
      %dma_wait3A_261 = arith.constant 0 : i32
      %dma_wait3A_262 = arith.constant 0 : i32
      %dma_wait3A_263 = tpu.memref_slice %run_scoped3A_3[%dma_wait3A_259, %dma_wait3A_260, %dma_wait3A_261, %dma_wait3A_262] : memref<3x4x128x64xf32, #tpu.memory_space<vmem>> -> memref<1x1x128x64xf32, #tpu.memory_space<vmem>>
      %dma_wait3A_264 = tpu.memref_squeeze %dma_wait3A_263 : memref<1x1x128x64xf32, #tpu.memory_space<vmem>> -> memref<128x64xf32, #tpu.memory_space<vmem>>
      %dma_wait3A_265 = arith.constant 640 : i32
      %dma_wait3A_266 = tpu.memref_slice %run_scoped3A[%dma_wait3A_265] : memref<25600xi32, #tpu.memory_space<vmem>> -> memref<128xi32, #tpu.memory_space<vmem>>
      %dma_wait3A_267 = arith.constant 0 : i32
      %dma_wait3A_268 = arith.constant 0 : i32
      %dma_wait3A_269 = tpu.memref_slice %arg3[%dma_wait3A_267, %dma_wait3A_268] : memref<1000000x64xf32, #tpu.memory_space<hbm>> -> memref<1000000x64xf32, #tpu.memory_space<hbm>>
      tpu.wait_indirect_dma semaphore(%run_scoped3A_5 : memref<!tpu.dma_semaphore, #tpu.memory_space<semaphore_mem>>) src(%dma_wait3A_269 : memref<1000000x64xf32, #tpu.memory_space<hbm>>) dst(%dma_wait3A_264 : memref<128x64xf32, #tpu.memory_space<vmem>>)
      %dma_wait3A_270 = arith.constant 1 : i32
      %dma_wait3A_271 = arith.constant 2 : i32
      %dma_wait3A_272 = arith.constant 0 : i32
      %dma_wait3A_273 = arith.constant 0 : i32
      %dma_wait3A_274 = tpu.memref_slice %run_scoped3A_3[%dma_wait3A_270, %dma_wait3A_271, %dma_wait3A_272, %dma_wait3A_273] : memref<3x4x128x64xf32, #tpu.memory_space<vmem>> -> memref<1x1x128x64xf32, #tpu.memory_space<vmem>>
      %dma_wait3A_275 = tpu.memref_squeeze %dma_wait3A_274 : memref<1x1x128x64xf32, #tpu.memory_space<vmem>> -> memref<128x64xf32, #tpu.memory_space<vmem>>
      %dma_wait3A_276 = arith.constant 768 : i32
      %dma_wait3A_277 = tpu.memref_slice %run_scoped3A[%dma_wait3A_276] : memref<25600xi32, #tpu.memory_space<vmem>> -> memref<128xi32, #tpu.memory_space<vmem>>
      %dma_wait3A_278 = arith.constant 0 : i32
      %dma_wait3A_279 = arith.constant 0 : i32
      %dma_wait3A_280 = tpu.memref_slice %arg3[%dma_wait3A_278, %dma_wait3A_279] : memref<1000000x64xf32, #tpu.memory_space<hbm>> -> memref<1000000x64xf32, #tpu.memory_space<hbm>>
      tpu.wait_indirect_dma semaphore(%run_scoped3A_5 : memref<!tpu.dma_semaphore, #tpu.memory_space<semaphore_mem>>) src(%dma_wait3A_280 : memref<1000000x64xf32, #tpu.memory_space<hbm>>) dst(%dma_wait3A_275 : memref<128x64xf32, #tpu.memory_space<vmem>>)
      %dma_wait3A_281 = arith.constant 1 : i32
      %dma_wait3A_282 = arith.constant 3 : i32
      %dma_wait3A_283 = arith.constant 0 : i32
      %dma_wait3A_284 = arith.constant 0 : i32
      %dma_wait3A_285 = tpu.memref_slice %run_scoped3A_3[%dma_wait3A_281, %dma_wait3A_282, %dma_wait3A_283, %dma_wait3A_284] : memref<3x4x128x64xf32, #tpu.memory_space<vmem>> -> memref<1x1x128x64xf32, #tpu.memory_space<vmem>>
      %dma_wait3A_286 = tpu.memref_squeeze %dma_wait3A_285 : memref<1x1x128x64xf32, #tpu.memory_space<vmem>> -> memref<128x64xf32, #tpu.memory_space<vmem>>
      %dma_wait3A_287 = arith.constant 896 : i32
      %dma_wait3A_288 = tpu.memref_slice %run_scoped3A[%dma_wait3A_287] : memref<25600xi32, #tpu.memory_space<vmem>> -> memref<128xi32, #tpu.memory_space<vmem>>
      %dma_wait3A_289 = arith.constant 0 : i32
      %dma_wait3A_290 = arith.constant 0 : i32
      %dma_wait3A_291 = tpu.memref_slice %arg3[%dma_wait3A_289, %dma_wait3A_290] : memref<1000000x64xf32, #tpu.memory_space<hbm>> -> memref<1000000x64xf32, #tpu.memory_space<hbm>>
      tpu.wait_indirect_dma semaphore(%run_scoped3A_5 : memref<!tpu.dma_semaphore, #tpu.memory_space<semaphore_mem>>) src(%dma_wait3A_291 : memref<1000000x64xf32, #tpu.memory_space<hbm>>) dst(%dma_wait3A_286 : memref<128x64xf32, #tpu.memory_space<vmem>>)
      %add3A_292 = arith.constant 512 : i32
      %add3A_293 = arith.addi %mul3A_2, %add3A_292 : i32
      %dma_start3A_294 = arith.constant 1 : i32
      %dma_start3A_295 = arith.constant 0 : i32
      %dma_start3A_296 = arith.constant 0 : i32
      %dma_start3A_297 = arith.constant 0 : i32
      %dma_start3A_298 = tpu.memref_slice %run_scoped3A_3[%dma_start3A_294, %dma_start3A_295, %dma_start3A_296, %dma_start3A_297] : memref<3x4x128x64xf32, #tpu.memory_space<vmem>> -> memref<1x1x128x64xf32, #tpu.memory_space<vmem>>
      %dma_start3A_299 = tpu.memref_squeeze %dma_start3A_298 : memref<1x1x128x64xf32, #tpu.memory_space<vmem>> -> memref<128x64xf32, #tpu.memory_space<vmem>>
      %dma_start3A_300 = arith.constant 0 : i32
      %dma_start3A_301 = tpu.memref_slice %arg4[%add3A_293, %dma_start3A_300] : memref<819200x64xf32, #tpu.memory_space<hbm>> -> memref<128x64xf32, #tpu.memory_space<hbm>>
      %dma_start3A_302 = arith.constant 0 : i32
      %dma_start3A_303 = tpu.memref_slice %arg4[%add3A_293, %dma_start3A_302] : memref<819200x64xf32, #tpu.memory_space<hbm>> -> memref<128x64xf32, #tpu.memory_space<hbm>>
      %dma_start3A_304 = arith.constant 0 : i32
      %dma_start3A_305 = arith.constant 0 : i32
      %dma_start3A_306 = tpu.memref_slice %run_scoped3A_3[%dma_start3A_294, %dma_start3A_295, %dma_start3A_304, %dma_start3A_305] : memref<3x4x128x64xf32, #tpu.memory_space<vmem>> -> memref<1x1x128x64xf32, #tpu.memory_space<vmem>>
      %dma_start3A_307 = tpu.memref_squeeze %dma_start3A_306 : memref<1x1x128x64xf32, #tpu.memory_space<vmem>> -> memref<128x64xf32, #tpu.memory_space<vmem>>
      tpu.enqueue_dma source(%dma_start3A_307 : memref<128x64xf32, #tpu.memory_space<vmem>>) target(%dma_start3A_303 : memref<128x64xf32, #tpu.memory_space<hbm>>) target_semaphore(%run_scoped3A_8 : memref<!tpu.dma_semaphore, #tpu.memory_space<semaphore_mem>>)
      %add3A_308 = arith.constant 640 : i32
      %add3A_309 = arith.addi %mul3A_2, %add3A_308 : i32
      %dma_start3A_310 = arith.constant 1 : i32
      %dma_start3A_311 = arith.constant 1 : i32
      %dma_start3A_312 = arith.constant 0 : i32
      %dma_start3A_313 = arith.constant 0 : i32
      %dma_start3A_314 = tpu.memref_slice %run_scoped3A_3[%dma_start3A_310, %dma_start3A_311, %dma_start3A_312, %dma_start3A_313] : memref<3x4x128x64xf32, #tpu.memory_space<vmem>> -> memref<1x1x128x64xf32, #tpu.memory_space<vmem>>
      %dma_start3A_315 = tpu.memref_squeeze %dma_start3A_314 : memref<1x1x128x64xf32, #tpu.memory_space<vmem>> -> memref<128x64xf32, #tpu.memory_space<vmem>>
      %dma_start3A_316 = arith.constant 0 : i32
      %dma_start3A_317 = tpu.memref_slice %arg4[%add3A_309, %dma_start3A_316] : memref<819200x64xf32, #tpu.memory_space<hbm>> -> memref<128x64xf32, #tpu.memory_space<hbm>>
      %dma_start3A_318 = arith.constant 0 : i32
      %dma_start3A_319 = tpu.memref_slice %arg4[%add3A_309, %dma_start3A_318] : memref<819200x64xf32, #tpu.memory_space<hbm>> -> memref<128x64xf32, #tpu.memory_space<hbm>>
      %dma_start3A_320 = arith.constant 0 : i32
      %dma_start3A_321 = arith.constant 0 : i32
      %dma_start3A_322 = tpu.memref_slice %run_scoped3A_3[%dma_start3A_310, %dma_start3A_311, %dma_start3A_320, %dma_start3A_321] : memref<3x4x128x64xf32, #tpu.memory_space<vmem>> -> memref<1x1x128x64xf32, #tpu.memory_space<vmem>>
      %dma_start3A_323 = tpu.memref_squeeze %dma_start3A_322 : memref<1x1x128x64xf32, #tpu.memory_space<vmem>> -> memref<128x64xf32, #tpu.memory_space<vmem>>
      tpu.enqueue_dma source(%dma_start3A_323 : memref<128x64xf32, #tpu.memory_space<vmem>>) target(%dma_start3A_319 : memref<128x64xf32, #tpu.memory_space<hbm>>) target_semaphore(%run_scoped3A_8 : memref<!tpu.dma_semaphore, #tpu.memory_space<semaphore_mem>>)
      %add3A_324 = arith.constant 768 : i32
      %add3A_325 = arith.addi %mul3A_2, %add3A_324 : i32
      %dma_start3A_326 = arith.constant 1 : i32
      %dma_start3A_327 = arith.constant 2 : i32
      %dma_start3A_328 = arith.constant 0 : i32
      %dma_start3A_329 = arith.constant 0 : i32
      %dma_start3A_330 = tpu.memref_slice %run_scoped3A_3[%dma_start3A_326, %dma_start3A_327, %dma_start3A_328, %dma_start3A_329] : memref<3x4x128x64xf32, #tpu.memory_space<vmem>> -> memref<1x1x128x64xf32, #tpu.memory_space<vmem>>
      %dma_start3A_331 = tpu.memref_squeeze %dma_start3A_330 : memref<1x1x128x64xf32, #tpu.memory_space<vmem>> -> memref<128x64xf32, #tpu.memory_space<vmem>>
      %dma_start3A_332 = arith.constant 0 : i32
      %dma_start3A_333 = tpu.memref_slice %arg4[%add3A_325, %dma_start3A_332] : memref<819200x64xf32, #tpu.memory_space<hbm>> -> memref<128x64xf32, #tpu.memory_space<hbm>>
      %dma_start3A_334 = arith.constant 0 : i32
      %dma_start3A_335 = tpu.memref_slice %arg4[%add3A_325, %dma_start3A_334] : memref<819200x64xf32, #tpu.memory_space<hbm>> -> memref<128x64xf32, #tpu.memory_space<hbm>>
      %dma_start3A_336 = arith.constant 0 : i32
      %dma_start3A_337 = arith.constant 0 : i32
      %dma_start3A_338 = tpu.memref_slice %run_scoped3A_3[%dma_start3A_326, %dma_start3A_327, %dma_start3A_336, %dma_start3A_337] : memref<3x4x128x64xf32, #tpu.memory_space<vmem>> -> memref<1x1x128x64xf32, #tpu.memory_space<vmem>>
      %dma_start3A_339 = tpu.memref_squeeze %dma_start3A_338 : memref<1x1x128x64xf32, #tpu.memory_space<vmem>> -> memref<128x64xf32, #tpu.memory_space<vmem>>
      tpu.enqueue_dma source(%dma_start3A_339 : memref<128x64xf32, #tpu.memory_space<vmem>>) target(%dma_start3A_335 : memref<128x64xf32, #tpu.memory_space<hbm>>) target_semaphore(%run_scoped3A_8 : memref<!tpu.dma_semaphore, #tpu.memory_space<semaphore_mem>>)
      %add3A_340 = arith.constant 896 : i32
      %add3A_341 = arith.addi %mul3A_2, %add3A_340 : i32
      %dma_start3A_342 = arith.constant 1 : i32
      %dma_start3A_343 = arith.constant 3 : i32
      %dma_start3A_344 = arith.constant 0 : i32
      %dma_start3A_345 = arith.constant 0 : i32
      %dma_start3A_346 = tpu.memref_slice %run_scoped3A_3[%dma_start3A_342, %dma_start3A_343, %dma_start3A_344, %dma_start3A_345] : memref<3x4x128x64xf32, #tpu.memory_space<vmem>> -> memref<1x1x128x64xf32, #tpu.memory_space<vmem>>
      %dma_start3A_347 = tpu.memref_squeeze %dma_start3A_346 : memref<1x1x128x64xf32, #tpu.memory_space<vmem>> -> memref<128x64xf32, #tpu.memory_space<vmem>>
      %dma_start3A_348 = arith.constant 0 : i32
      %dma_start3A_349 = tpu.memref_slice %arg4[%add3A_341, %dma_start3A_348] : memref<819200x64xf32, #tpu.memory_space<hbm>> -> memref<128x64xf32, #tpu.memory_space<hbm>>
      %dma_start3A_350 = arith.constant 0 : i32
      %dma_start3A_351 = tpu.memref_slice %arg4[%add3A_341, %dma_start3A_350] : memref<819200x64xf32, #tpu.memory_space<hbm>> -> memref<128x64xf32, #tpu.memory_space<hbm>>
      %dma_start3A_352 = arith.constant 0 : i32
      %dma_start3A_353 = arith.constant 0 : i32
      %dma_start3A_354 = tpu.memref_slice %run_scoped3A_3[%dma_start3A_342, %dma_start3A_343, %dma_start3A_352, %dma_start3A_353] : memref<3x4x128x64xf32, #tpu.memory_space<vmem>> -> memref<1x1x128x64xf32, #tpu.memory_space<vmem>>
      %dma_start3A_355 = tpu.memref_squeeze %dma_start3A_354 : memref<1x1x128x64xf32, #tpu.memory_space<vmem>> -> memref<128x64xf32, #tpu.memory_space<vmem>>
      tpu.enqueue_dma source(%dma_start3A_355 : memref<128x64xf32, #tpu.memory_space<vmem>>) target(%dma_start3A_351 : memref<128x64xf32, #tpu.memory_space<hbm>>) target_semaphore(%run_scoped3A_8 : memref<!tpu.dma_semaphore, #tpu.memory_space<semaphore_mem>>)
      %scan3A = arith.constant 0 : i32
      %scan3A_356 = arith.constant 15 : i32
      %scan3A_357 = arith.addi %scan3A, %scan3A_356 : i32
      %scan3A_358 = arith.constant 1 : i32
      scf.for %scan3A_1092 = %scan3A to %scan3A_357 step %scan3A_358  : i32 {
        %mul3A_1093 = arith.constant 3 : i32
        %mul3A_1094 = arith.muli %scan3A_1092, %mul3A_1093 : i32
        %add3A_1095 = arith.constant 2 : i32
        %add3A_1096 = arith.addi %add3A_1095, %mul3A_1094 : i32
        %add3A_1097 = arith.constant 0 : i32
        %add3A_1098 = arith.addi %add3A_1096, %add3A_1097 : i32
        %sub3A = arith.constant 2 : i32
        %sub3A_1099 = arith.subi %add3A_1098, %sub3A : i32
        %mul3A_1100 = arith.constant 4 : i32
        %mul3A_1101 = arith.muli %sub3A_1099, %mul3A_1100 : i32
        %add3A_1102 = arith.constant 0 : i32
        %add3A_1103 = arith.addi %mul3A_1101, %add3A_1102 : i32
        %mul3A_1104 = arith.constant 128 : i32
        %mul3A_1105 = arith.muli %add3A_1103, %mul3A_1104 : i32
        %add3A_1106 = arith.addi %mul3A_2, %mul3A_1105 : i32
        %dma_wait3A_1107 = arith.constant 0 : i32
        %dma_wait3A_1108 = arith.constant 0 : i32
        %dma_wait3A_1109 = arith.constant 0 : i32
        %dma_wait3A_1110 = arith.constant 0 : i32
        %dma_wait3A_1111 = tpu.memref_slice %run_scoped3A_3[%dma_wait3A_1107, %dma_wait3A_1108, %dma_wait3A_1109, %dma_wait3A_1110] : memref<3x4x128x64xf32, #tpu.memory_space<vmem>> -> memref<1x1x128x64xf32, #tpu.memory_space<vmem>>
        %dma_wait3A_1112 = tpu.memref_squeeze %dma_wait3A_1111 : memref<1x1x128x64xf32, #tpu.memory_space<vmem>> -> memref<128x64xf32, #tpu.memory_space<vmem>>
        %dma_wait3A_1113 = arith.constant 0 : i32
        %dma_wait3A_1114 = tpu.memref_slice %arg4[%add3A_1106, %dma_wait3A_1113] : memref<819200x64xf32, #tpu.memory_space<hbm>> -> memref<128x64xf32, #tpu.memory_space<hbm>>
        %dma_wait3A_1115 = arith.constant 0 : i32
        %dma_wait3A_1116 = tpu.memref_slice %arg4[%add3A_1106, %dma_wait3A_1115] : memref<819200x64xf32, #tpu.memory_space<hbm>> -> memref<128x64xf32, #tpu.memory_space<hbm>>
        %dma_wait3A_1117 = arith.constant 0 : i32
        %dma_wait3A_1118 = arith.constant 0 : i32
        %dma_wait3A_1119 = tpu.memref_slice %run_scoped3A_3[%dma_wait3A_1107, %dma_wait3A_1108, %dma_wait3A_1117, %dma_wait3A_1118] : memref<3x4x128x64xf32, #tpu.memory_space<vmem>> -> memref<1x1x128x64xf32, #tpu.memory_space<vmem>>
        %dma_wait3A_1120 = tpu.memref_squeeze %dma_wait3A_1119 : memref<1x1x128x64xf32, #tpu.memory_space<vmem>> -> memref<128x64xf32, #tpu.memory_space<vmem>>
        tpu.wait_dma2 semaphore(%run_scoped3A_7 : memref<!tpu.dma_semaphore, #tpu.memory_space<semaphore_mem>>) src(%dma_wait3A_1120 : memref<128x64xf32, #tpu.memory_space<vmem>>) dst(%dma_wait3A_1116 : memref<128x64xf32, #tpu.memory_space<hbm>>)
        %mul3A_1121 = arith.constant 4 : i32
        %mul3A_1122 = arith.muli %sub3A_1099, %mul3A_1121 : i32
        %add3A_1123 = arith.constant 1 : i32
        %add3A_1124 = arith.addi %mul3A_1122, %add3A_1123 : i32
        %mul3A_1125 = arith.constant 128 : i32
        %mul3A_1126 = arith.muli %add3A_1124, %mul3A_1125 : i32
        %add3A_1127 = arith.addi %mul3A_2, %mul3A_1126 : i32
        %dma_wait3A_1128 = arith.constant 0 : i32
        %dma_wait3A_1129 = arith.constant 1 : i32
        %dma_wait3A_1130 = arith.constant 0 : i32
        %dma_wait3A_1131 = arith.constant 0 : i32
        %dma_wait3A_1132 = tpu.memref_slice %run_scoped3A_3[%dma_wait3A_1128, %dma_wait3A_1129, %dma_wait3A_1130, %dma_wait3A_1131] : memref<3x4x128x64xf32, #tpu.memory_space<vmem>> -> memref<1x1x128x64xf32, #tpu.memory_space<vmem>>
        %dma_wait3A_1133 = tpu.memref_squeeze %dma_wait3A_1132 : memref<1x1x128x64xf32, #tpu.memory_space<vmem>> -> memref<128x64xf32, #tpu.memory_space<vmem>>
        %dma_wait3A_1134 = arith.constant 0 : i32
        %dma_wait3A_1135 = tpu.memref_slice %arg4[%add3A_1127, %dma_wait3A_1134] : memref<819200x64xf32, #tpu.memory_space<hbm>> -> memref<128x64xf32, #tpu.memory_space<hbm>>
        %dma_wait3A_1136 = arith.constant 0 : i32
        %dma_wait3A_1137 = tpu.memref_slice %arg4[%add3A_1127, %dma_wait3A_1136] : memref<819200x64xf32, #tpu.memory_space<hbm>> -> memref<128x64xf32, #tpu.memory_space<hbm>>
        %dma_wait3A_1138 = arith.constant 0 : i32
        %dma_wait3A_1139 = arith.constant 0 : i32
        %dma_wait3A_1140 = tpu.memref_slice %run_scoped3A_3[%dma_wait3A_1128, %dma_wait3A_1129, %dma_wait3A_1138, %dma_wait3A_1139] : memref<3x4x128x64xf32, #tpu.memory_space<vmem>> -> memref<1x1x128x64xf32, #tpu.memory_space<vmem>>
        %dma_wait3A_1141 = tpu.memref_squeeze %dma_wait3A_1140 : memref<1x1x128x64xf32, #tpu.memory_space<vmem>> -> memref<128x64xf32, #tpu.memory_space<vmem>>
        tpu.wait_dma2 semaphore(%run_scoped3A_7 : memref<!tpu.dma_semaphore, #tpu.memory_space<semaphore_mem>>) src(%dma_wait3A_1141 : memref<128x64xf32, #tpu.memory_space<vmem>>) dst(%dma_wait3A_1137 : memref<128x64xf32, #tpu.memory_space<hbm>>)
        %mul3A_1142 = arith.constant 4 : i32
        %mul3A_1143 = arith.muli %sub3A_1099, %mul3A_1142 : i32
        %add3A_1144 = arith.constant 2 : i32
        %add3A_1145 = arith.addi %mul3A_1143, %add3A_1144 : i32
        %mul3A_1146 = arith.constant 128 : i32
        %mul3A_1147 = arith.muli %add3A_1145, %mul3A_1146 : i32
        %add3A_1148 = arith.addi %mul3A_2, %mul3A_1147 : i32
        %dma_wait3A_1149 = arith.constant 0 : i32
        %dma_wait3A_1150 = arith.constant 2 : i32
        %dma_wait3A_1151 = arith.constant 0 : i32
        %dma_wait3A_1152 = arith.constant 0 : i32
        %dma_wait3A_1153 = tpu.memref_slice %run_scoped3A_3[%dma_wait3A_1149, %dma_wait3A_1150, %dma_wait3A_1151, %dma_wait3A_1152] : memref<3x4x128x64xf32, #tpu.memory_space<vmem>> -> memref<1x1x128x64xf32, #tpu.memory_space<vmem>>
        %dma_wait3A_1154 = tpu.memref_squeeze %dma_wait3A_1153 : memref<1x1x128x64xf32, #tpu.memory_space<vmem>> -> memref<128x64xf32, #tpu.memory_space<vmem>>
        %dma_wait3A_1155 = arith.constant 0 : i32
        %dma_wait3A_1156 = tpu.memref_slice %arg4[%add3A_1148, %dma_wait3A_1155] : memref<819200x64xf32, #tpu.memory_space<hbm>> -> memref<128x64xf32, #tpu.memory_space<hbm>>
        %dma_wait3A_1157 = arith.constant 0 : i32
        %dma_wait3A_1158 = tpu.memref_slice %arg4[%add3A_1148, %dma_wait3A_1157] : memref<819200x64xf32, #tpu.memory_space<hbm>> -> memref<128x64xf32, #tpu.memory_space<hbm>>
        %dma_wait3A_1159 = arith.constant 0 : i32
        %dma_wait3A_1160 = arith.constant 0 : i32
        %dma_wait3A_1161 = tpu.memref_slice %run_scoped3A_3[%dma_wait3A_1149, %dma_wait3A_1150, %dma_wait3A_1159, %dma_wait3A_1160] : memref<3x4x128x64xf32, #tpu.memory_space<vmem>> -> memref<1x1x128x64xf32, #tpu.memory_space<vmem>>
        %dma_wait3A_1162 = tpu.memref_squeeze %dma_wait3A_1161 : memref<1x1x128x64xf32, #tpu.memory_space<vmem>> -> memref<128x64xf32, #tpu.memory_space<vmem>>
        tpu.wait_dma2 semaphore(%run_scoped3A_7 : memref<!tpu.dma_semaphore, #tpu.memory_space<semaphore_mem>>) src(%dma_wait3A_1162 : memref<128x64xf32, #tpu.memory_space<vmem>>) dst(%dma_wait3A_1158 : memref<128x64xf32, #tpu.memory_space<hbm>>)
        %mul3A_1163 = arith.constant 4 : i32
        %mul3A_1164 = arith.muli %sub3A_1099, %mul3A_1163 : i32
        %add3A_1165 = arith.constant 3 : i32
        %add3A_1166 = arith.addi %mul3A_1164, %add3A_1165 : i32
        %mul3A_1167 = arith.constant 128 : i32
        %mul3A_1168 = arith.muli %add3A_1166, %mul3A_1167 : i32
        %add3A_1169 = arith.addi %mul3A_2, %mul3A_1168 : i32
        %dma_wait3A_1170 = arith.constant 0 : i32
        %dma_wait3A_1171 = arith.constant 3 : i32
        %dma_wait3A_1172 = arith.constant 0 : i32
        %dma_wait3A_1173 = arith.constant 0 : i32
        %dma_wait3A_1174 = tpu.memref_slice %run_scoped3A_3[%dma_wait3A_1170, %dma_wait3A_1171, %dma_wait3A_1172, %dma_wait3A_1173] : memref<3x4x128x64xf32, #tpu.memory_space<vmem>> -> memref<1x1x128x64xf32, #tpu.memory_space<vmem>>
        %dma_wait3A_1175 = tpu.memref_squeeze %dma_wait3A_1174 : memref<1x1x128x64xf32, #tpu.memory_space<vmem>> -> memref<128x64xf32, #tpu.memory_space<vmem>>
        %dma_wait3A_1176 = arith.constant 0 : i32
        %dma_wait3A_1177 = tpu.memref_slice %arg4[%add3A_1169, %dma_wait3A_1176] : memref<819200x64xf32, #tpu.memory_space<hbm>> -> memref<128x64xf32, #tpu.memory_space<hbm>>
        %dma_wait3A_1178 = arith.constant 0 : i32
        %dma_wait3A_1179 = tpu.memref_slice %arg4[%add3A_1169, %dma_wait3A_1178] : memref<819200x64xf32, #tpu.memory_space<hbm>> -> memref<128x64xf32, #tpu.memory_space<hbm>>
        %dma_wait3A_1180 = arith.constant 0 : i32
        %dma_wait3A_1181 = arith.constant 0 : i32
        %dma_wait3A_1182 = tpu.memref_slice %run_scoped3A_3[%dma_wait3A_1170, %dma_wait3A_1171, %dma_wait3A_1180, %dma_wait3A_1181] : memref<3x4x128x64xf32, #tpu.memory_space<vmem>> -> memref<1x1x128x64xf32, #tpu.memory_space<vmem>>
        %dma_wait3A_1183 = tpu.memref_squeeze %dma_wait3A_1182 : memref<1x1x128x64xf32, #tpu.memory_space<vmem>> -> memref<128x64xf32, #tpu.memory_space<vmem>>
        tpu.wait_dma2 semaphore(%run_scoped3A_7 : memref<!tpu.dma_semaphore, #tpu.memory_space<semaphore_mem>>) src(%dma_wait3A_1183 : memref<128x64xf32, #tpu.memory_space<vmem>>) dst(%dma_wait3A_1179 : memref<128x64xf32, #tpu.memory_space<hbm>>)
        %add3A_1184 = arith.constant 1 : i32
        %add3A_1185 = arith.addi %add3A_1098, %add3A_1184 : i32
        %mul3A_1186 = arith.constant 4 : i32
        %mul3A_1187 = arith.muli %add3A_1185, %mul3A_1186 : i32
        %add3A_1188 = arith.constant 0 : i32
        %add3A_1189 = arith.addi %mul3A_1187, %add3A_1188 : i32
        %mul3A_1190 = arith.constant 128 : i32
        %mul3A_1191 = arith.muli %add3A_1189, %mul3A_1190 : i32
        %dma_start3A_1192 = arith.constant 0 : i32
        %dma_start3A_1193 = arith.constant 0 : i32
        %dma_start3A_1194 = arith.constant 0 : i32
        %dma_start3A_1195 = arith.constant 0 : i32
        %dma_start3A_1196 = tpu.memref_slice %run_scoped3A_3[%dma_start3A_1192, %dma_start3A_1193, %dma_start3A_1194, %dma_start3A_1195] : memref<3x4x128x64xf32, #tpu.memory_space<vmem>> -> memref<1x1x128x64xf32, #tpu.memory_space<vmem>>
        %dma_start3A_1197 = tpu.memref_squeeze %dma_start3A_1196 : memref<1x1x128x64xf32, #tpu.memory_space<vmem>> -> memref<128x64xf32, #tpu.memory_space<vmem>>
        %dma_start3A_1198 = tpu.memref_slice %run_scoped3A[%mul3A_1191] : memref<25600xi32, #tpu.memory_space<vmem>> -> memref<128xi32, #tpu.memory_space<vmem>>
        %dma_start3A_1199 = arith.constant 0 : i32
        %dma_start3A_1200 = arith.constant 0 : i32
        %dma_start3A_1201 = tpu.memref_slice %arg3[%dma_start3A_1199, %dma_start3A_1200] : memref<1000000x64xf32, #tpu.memory_space<hbm>> -> memref<1000000x64xf32, #tpu.memory_space<hbm>>
        tpu.enqueue_indirect_dma source(%dma_start3A_1201 : memref<1000000x64xf32, #tpu.memory_space<hbm>>) target(%dma_start3A_1197 : memref<128x64xf32, #tpu.memory_space<vmem>>) offsets(%dma_start3A_1198 : memref<128xi32, #tpu.memory_space<vmem>>) semaphore(%run_scoped3A_4 : memref<!tpu.dma_semaphore, #tpu.memory_space<semaphore_mem>>)
        %mul3A_1202 = arith.constant 4 : i32
        %mul3A_1203 = arith.muli %add3A_1185, %mul3A_1202 : i32
        %add3A_1204 = arith.constant 1 : i32
        %add3A_1205 = arith.addi %mul3A_1203, %add3A_1204 : i32
        %mul3A_1206 = arith.constant 128 : i32
        %mul3A_1207 = arith.muli %add3A_1205, %mul3A_1206 : i32
        %dma_start3A_1208 = arith.constant 0 : i32
        %dma_start3A_1209 = arith.constant 1 : i32
        %dma_start3A_1210 = arith.constant 0 : i32
        %dma_start3A_1211 = arith.constant 0 : i32
        %dma_start3A_1212 = tpu.memref_slice %run_scoped3A_3[%dma_start3A_1208, %dma_start3A_1209, %dma_start3A_1210, %dma_start3A_1211] : memref<3x4x128x64xf32, #tpu.memory_space<vmem>> -> memref<1x1x128x64xf32, #tpu.memory_space<vmem>>
        %dma_start3A_1213 = tpu.memref_squeeze %dma_start3A_1212 : memref<1x1x128x64xf32, #tpu.memory_space<vmem>> -> memref<128x64xf32, #tpu.memory_space<vmem>>
        %dma_start3A_1214 = tpu.memref_slice %run_scoped3A[%mul3A_1207] : memref<25600xi32, #tpu.memory_space<vmem>> -> memref<128xi32, #tpu.memory_space<vmem>>
        %dma_start3A_1215 = arith.constant 0 : i32
        %dma_start3A_1216 = arith.constant 0 : i32
        %dma_start3A_1217 = tpu.memref_slice %arg3[%dma_start3A_1215, %dma_start3A_1216] : memref<1000000x64xf32, #tpu.memory_space<hbm>> -> memref<1000000x64xf32, #tpu.memory_space<hbm>>
        tpu.enqueue_indirect_dma source(%dma_start3A_1217 : memref<1000000x64xf32, #tpu.memory_space<hbm>>) target(%dma_start3A_1213 : memref<128x64xf32, #tpu.memory_space<vmem>>) offsets(%dma_start3A_1214 : memref<128xi32, #tpu.memory_space<vmem>>) semaphore(%run_scoped3A_4 : memref<!tpu.dma_semaphore, #tpu.memory_space<semaphore_mem>>)
        %mul3A_1218 = arith.constant 4 : i32
        %mul3A_1219 = arith.muli %add3A_1185, %mul3A_1218 : i32
        %add3A_1220 = arith.constant 2 : i32
        %add3A_1221 = arith.addi %mul3A_1219, %add3A_1220 : i32
        %mul3A_1222 = arith.constant 128 : i32
        %mul3A_1223 = arith.muli %add3A_1221, %mul3A_1222 : i32
        %dma_start3A_1224 = arith.constant 0 : i32
        %dma_start3A_1225 = arith.constant 2 : i32
        %dma_start3A_1226 = arith.constant 0 : i32
        %dma_start3A_1227 = arith.constant 0 : i32
        %dma_start3A_1228 = tpu.memref_slice %run_scoped3A_3[%dma_start3A_1224, %dma_start3A_1225, %dma_start3A_1226, %dma_start3A_1227] : memref<3x4x128x64xf32, #tpu.memory_space<vmem>> -> memref<1x1x128x64xf32, #tpu.memory_space<vmem>>
        %dma_start3A_1229 = tpu.memref_squeeze %dma_start3A_1228 : memref<1x1x128x64xf32, #tpu.memory_space<vmem>> -> memref<128x64xf32, #tpu.memory_space<vmem>>
        %dma_start3A_1230 = tpu.memref_slice %run_scoped3A[%mul3A_1223] : memref<25600xi32, #tpu.memory_space<vmem>> -> memref<128xi32, #tpu.memory_space<vmem>>
        %dma_start3A_1231 = arith.constant 0 : i32
        %dma_start3A_1232 = arith.constant 0 : i32
        %dma_start3A_1233 = tpu.memref_slice %arg3[%dma_start3A_1231, %dma_start3A_1232] : memref<1000000x64xf32, #tpu.memory_space<hbm>> -> memref<1000000x64xf32, #tpu.memory_space<hbm>>
        tpu.enqueue_indirect_dma source(%dma_start3A_1233 : memref<1000000x64xf32, #tpu.memory_space<hbm>>) target(%dma_start3A_1229 : memref<128x64xf32, #tpu.memory_space<vmem>>) offsets(%dma_start3A_1230 : memref<128xi32, #tpu.memory_space<vmem>>) semaphore(%run_scoped3A_4 : memref<!tpu.dma_semaphore, #tpu.memory_space<semaphore_mem>>)
        %mul3A_1234 = arith.constant 4 : i32
        %mul3A_1235 = arith.muli %add3A_1185, %mul3A_1234 : i32
        %add3A_1236 = arith.constant 3 : i32
        %add3A_1237 = arith.addi %mul3A_1235, %add3A_1236 : i32
        %mul3A_1238 = arith.constant 128 : i32
        %mul3A_1239 = arith.muli %add3A_1237, %mul3A_1238 : i32
        %dma_start3A_1240 = arith.constant 0 : i32
        %dma_start3A_1241 = arith.constant 3 : i32
        %dma_start3A_1242 = arith.constant 0 : i32
        %dma_start3A_1243 = arith.constant 0 : i32
        %dma_start3A_1244 = tpu.memref_slice %run_scoped3A_3[%dma_start3A_1240, %dma_start3A_1241, %dma_start3A_1242, %dma_start3A_1243] : memref<3x4x128x64xf32, #tpu.memory_space<vmem>> -> memref<1x1x128x64xf32, #tpu.memory_space<vmem>>
        %dma_start3A_1245 = tpu.memref_squeeze %dma_start3A_1244 : memref<1x1x128x64xf32, #tpu.memory_space<vmem>> -> memref<128x64xf32, #tpu.memory_space<vmem>>
        %dma_start3A_1246 = tpu.memref_slice %run_scoped3A[%mul3A_1239] : memref<25600xi32, #tpu.memory_space<vmem>> -> memref<128xi32, #tpu.memory_space<vmem>>
        %dma_start3A_1247 = arith.constant 0 : i32
        %dma_start3A_1248 = arith.constant 0 : i32
        %dma_start3A_1249 = tpu.memref_slice %arg3[%dma_start3A_1247, %dma_start3A_1248] : memref<1000000x64xf32, #tpu.memory_space<hbm>> -> memref<1000000x64xf32, #tpu.memory_space<hbm>>
        tpu.enqueue_indirect_dma source(%dma_start3A_1249 : memref<1000000x64xf32, #tpu.memory_space<hbm>>) target(%dma_start3A_1245 : memref<128x64xf32, #tpu.memory_space<vmem>>) offsets(%dma_start3A_1246 : memref<128xi32, #tpu.memory_space<vmem>>) semaphore(%run_scoped3A_4 : memref<!tpu.dma_semaphore, #tpu.memory_space<semaphore_mem>>)
        %mul3A_1250 = arith.constant 4 : i32
        %mul3A_1251 = arith.muli %add3A_1098, %mul3A_1250 : i32
        %add3A_1252 = arith.constant 0 : i32
        %add3A_1253 = arith.addi %mul3A_1251, %add3A_1252 : i32
        %mul3A_1254 = arith.constant 128 : i32
        %mul3A_1255 = arith.muli %add3A_1253, %mul3A_1254 : i32
        %dma_wait3A_1256 = arith.constant 2 : i32
        %dma_wait3A_1257 = arith.constant 0 : i32
        %dma_wait3A_1258 = arith.constant 0 : i32
        %dma_wait3A_1259 = arith.constant 0 : i32
        %dma_wait3A_1260 = tpu.memref_slice %run_scoped3A_3[%dma_wait3A_1256, %dma_wait3A_1257, %dma_wait3A_1258, %dma_wait3A_1259] : memref<3x4x128x64xf32, #tpu.memory_space<vmem>> -> memref<1x1x128x64xf32, #tpu.memory_space<vmem>>
        %dma_wait3A_1261 = tpu.memref_squeeze %dma_wait3A_1260 : memref<1x1x128x64xf32, #tpu.memory_space<vmem>> -> memref<128x64xf32, #tpu.memory_space<vmem>>
        %dma_wait3A_1262 = tpu.memref_slice %run_scoped3A[%mul3A_1255] : memref<25600xi32, #tpu.memory_space<vmem>> -> memref<128xi32, #tpu.memory_space<vmem>>
        %dma_wait3A_1263 = arith.constant 0 : i32
        %dma_wait3A_1264 = arith.constant 0 : i32
        %dma_wait3A_1265 = tpu.memref_slice %arg3[%dma_wait3A_1263, %dma_wait3A_1264] : memref<1000000x64xf32, #tpu.memory_space<hbm>> -> memref<1000000x64xf32, #tpu.memory_space<hbm>>
        tpu.wait_indirect_dma semaphore(%run_scoped3A_6 : memref<!tpu.dma_semaphore, #tpu.memory_space<semaphore_mem>>) src(%dma_wait3A_1265 : memref<1000000x64xf32, #tpu.memory_space<hbm>>) dst(%dma_wait3A_1261 : memref<128x64xf32, #tpu.memory_space<vmem>>)
        %mul3A_1266 = arith.constant 4 : i32
        %mul3A_1267 = arith.muli %add3A_1098, %mul3A_1266 : i32
        %add3A_1268 = arith.constant 1 : i32
        %add3A_1269 = arith.addi %mul3A_1267, %add3A_1268 : i32
        %mul3A_1270 = arith.constant 128 : i32
        %mul3A_1271 = arith.muli %add3A_1269, %mul3A_1270 : i32
        %dma_wait3A_1272 = arith.constant 2 : i32
        %dma_wait3A_1273 = arith.constant 1 : i32
        %dma_wait3A_1274 = arith.constant 0 : i32
        %dma_wait3A_1275 = arith.constant 0 : i32
        %dma_wait3A_1276 = tpu.memref_slice %run_scoped3A_3[%dma_wait3A_1272, %dma_wait3A_1273, %dma_wait3A_1274, %dma_wait3A_1275] : memref<3x4x128x64xf32, #tpu.memory_space<vmem>> -> memref<1x1x128x64xf32, #tpu.memory_space<vmem>>
        %dma_wait3A_1277 = tpu.memref_squeeze %dma_wait3A_1276 : memref<1x1x128x64xf32, #tpu.memory_space<vmem>> -> memref<128x64xf32, #tpu.memory_space<vmem>>
        %dma_wait3A_1278 = tpu.memref_slice %run_scoped3A[%mul3A_1271] : memref<25600xi32, #tpu.memory_space<vmem>> -> memref<128xi32, #tpu.memory_space<vmem>>
        %dma_wait3A_1279 = arith.constant 0 : i32
        %dma_wait3A_1280 = arith.constant 0 : i32
        %dma_wait3A_1281 = tpu.memref_slice %arg3[%dma_wait3A_1279, %dma_wait3A_1280] : memref<1000000x64xf32, #tpu.memory_space<hbm>> -> memref<1000000x64xf32, #tpu.memory_space<hbm>>
        tpu.wait_indirect_dma semaphore(%run_scoped3A_6 : memref<!tpu.dma_semaphore, #tpu.memory_space<semaphore_mem>>) src(%dma_wait3A_1281 : memref<1000000x64xf32, #tpu.memory_space<hbm>>) dst(%dma_wait3A_1277 : memref<128x64xf32, #tpu.memory_space<vmem>>)
        %mul3A_1282 = arith.constant 4 : i32
        %mul3A_1283 = arith.muli %add3A_1098, %mul3A_1282 : i32
        %add3A_1284 = arith.constant 2 : i32
        %add3A_1285 = arith.addi %mul3A_1283, %add3A_1284 : i32
        %mul3A_1286 = arith.constant 128 : i32
        %mul3A_1287 = arith.muli %add3A_1285, %mul3A_1286 : i32
        %dma_wait3A_1288 = arith.constant 2 : i32
        %dma_wait3A_1289 = arith.constant 2 : i32
        %dma_wait3A_1290 = arith.constant 0 : i32
        %dma_wait3A_1291 = arith.constant 0 : i32
        %dma_wait3A_1292 = tpu.memref_slice %run_scoped3A_3[%dma_wait3A_1288, %dma_wait3A_1289, %dma_wait3A_1290, %dma_wait3A_1291] : memref<3x4x128x64xf32, #tpu.memory_space<vmem>> -> memref<1x1x128x64xf32, #tpu.memory_space<vmem>>
        %dma_wait3A_1293 = tpu.memref_squeeze %dma_wait3A_1292 : memref<1x1x128x64xf32, #tpu.memory_space<vmem>> -> memref<128x64xf32, #tpu.memory_space<vmem>>
        %dma_wait3A_1294 = tpu.memref_slice %run_scoped3A[%mul3A_1287] : memref<25600xi32, #tpu.memory_space<vmem>> -> memref<128xi32, #tpu.memory_space<vmem>>
        %dma_wait3A_1295 = arith.constant 0 : i32
        %dma_wait3A_1296 = arith.constant 0 : i32
        %dma_wait3A_1297 = tpu.memref_slice %arg3[%dma_wait3A_1295, %dma_wait3A_1296] : memref<1000000x64xf32, #tpu.memory_space<hbm>> -> memref<1000000x64xf32, #tpu.memory_space<hbm>>
        tpu.wait_indirect_dma semaphore(%run_scoped3A_6 : memref<!tpu.dma_semaphore, #tpu.memory_space<semaphore_mem>>) src(%dma_wait3A_1297 : memref<1000000x64xf32, #tpu.memory_space<hbm>>) dst(%dma_wait3A_1293 : memref<128x64xf32, #tpu.memory_space<vmem>>)
        %mul3A_1298 = arith.constant 4 : i32
        %mul3A_1299 = arith.muli %add3A_1098, %mul3A_1298 : i32
        %add3A_1300 = arith.constant 3 : i32
        %add3A_1301 = arith.addi %mul3A_1299, %add3A_1300 : i32
        %mul3A_1302 = arith.constant 128 : i32
        %mul3A_1303 = arith.muli %add3A_1301, %mul3A_1302 : i32
        %dma_wait3A_1304 = arith.constant 2 : i32
        %dma_wait3A_1305 = arith.constant 3 : i32
        %dma_wait3A_1306 = arith.constant 0 : i32
        %dma_wait3A_1307 = arith.constant 0 : i32
        %dma_wait3A_1308 = tpu.memref_slice %run_scoped3A_3[%dma_wait3A_1304, %dma_wait3A_1305, %dma_wait3A_1306, %dma_wait3A_1307] : memref<3x4x128x64xf32, #tpu.memory_space<vmem>> -> memref<1x1x128x64xf32, #tpu.memory_space<vmem>>
        %dma_wait3A_1309 = tpu.memref_squeeze %dma_wait3A_1308 : memref<1x1x128x64xf32, #tpu.memory_space<vmem>> -> memref<128x64xf32, #tpu.memory_space<vmem>>
        %dma_wait3A_1310 = tpu.memref_slice %run_scoped3A[%mul3A_1303] : memref<25600xi32, #tpu.memory_space<vmem>> -> memref<128xi32, #tpu.memory_space<vmem>>
        %dma_wait3A_1311 = arith.constant 0 : i32
        %dma_wait3A_1312 = arith.constant 0 : i32
        %dma_wait3A_1313 = tpu.memref_slice %arg3[%dma_wait3A_1311, %dma_wait3A_1312] : memref<1000000x64xf32, #tpu.memory_space<hbm>> -> memref<1000000x64xf32, #tpu.memory_space<hbm>>
        tpu.wait_indirect_dma semaphore(%run_scoped3A_6 : memref<!tpu.dma_semaphore, #tpu.memory_space<semaphore_mem>>) src(%dma_wait3A_1313 : memref<1000000x64xf32, #tpu.memory_space<hbm>>) dst(%dma_wait3A_1309 : memref<128x64xf32, #tpu.memory_space<vmem>>)
        %mul3A_1314 = arith.constant 4 : i32
        %mul3A_1315 = arith.muli %add3A_1098, %mul3A_1314 : i32
        %add3A_1316 = arith.constant 0 : i32
        %add3A_1317 = arith.addi %mul3A_1315, %add3A_1316 : i32
        %mul3A_1318 = arith.constant 128 : i32
        %mul3A_1319 = arith.muli %add3A_1317, %mul3A_1318 : i32
        %add3A_1320 = arith.addi %mul3A_2, %mul3A_1319 : i32
        %dma_start3A_1321 = arith.constant 2 : i32
        %dma_start3A_1322 = arith.constant 0 : i32
        %dma_start3A_1323 = arith.constant 0 : i32
        %dma_start3A_1324 = arith.constant 0 : i32
        %dma_start3A_1325 = tpu.memref_slice %run_scoped3A_3[%dma_start3A_1321, %dma_start3A_1322, %dma_start3A_1323, %dma_start3A_1324] : memref<3x4x128x64xf32, #tpu.memory_space<vmem>> -> memref<1x1x128x64xf32, #tpu.memory_space<vmem>>
        %dma_start3A_1326 = tpu.memref_squeeze %dma_start3A_1325 : memref<1x1x128x64xf32, #tpu.memory_space<vmem>> -> memref<128x64xf32, #tpu.memory_space<vmem>>
        %dma_start3A_1327 = arith.constant 0 : i32
        %dma_start3A_1328 = tpu.memref_slice %arg4[%add3A_1320, %dma_start3A_1327] : memref<819200x64xf32, #tpu.memory_space<hbm>> -> memref<128x64xf32, #tpu.memory_space<hbm>>
        %dma_start3A_1329 = arith.constant 0 : i32
        %dma_start3A_1330 = tpu.memref_slice %arg4[%add3A_1320, %dma_start3A_1329] : memref<819200x64xf32, #tpu.memory_space<hbm>> -> memref<128x64xf32, #tpu.memory_space<hbm>>
        %dma_start3A_1331 = arith.constant 0 : i32
        %dma_start3A_1332 = arith.constant 0 : i32
        %dma_start3A_1333 = tpu.memref_slice %run_scoped3A_3[%dma_start3A_1321, %dma_start3A_1322, %dma_start3A_1331, %dma_start3A_1332] : memref<3x4x128x64xf32, #tpu.memory_space<vmem>> -> memref<1x1x128x64xf32, #tpu.memory_space<vmem>>
        %dma_start3A_1334 = tpu.memref_squeeze %dma_start3A_1333 : memref<1x1x128x64xf32, #tpu.memory_space<vmem>> -> memref<128x64xf32, #tpu.memory_space<vmem>>
        tpu.enqueue_dma source(%dma_start3A_1334 : memref<128x64xf32, #tpu.memory_space<vmem>>) target(%dma_start3A_1330 : memref<128x64xf32, #tpu.memory_space<hbm>>) target_semaphore(%run_scoped3A_9 : memref<!tpu.dma_semaphore, #tpu.memory_space<semaphore_mem>>)
        %mul3A_1335 = arith.constant 4 : i32
        %mul3A_1336 = arith.muli %add3A_1098, %mul3A_1335 : i32
        %add3A_1337 = arith.constant 1 : i32
        %add3A_1338 = arith.addi %mul3A_1336, %add3A_1337 : i32
        %mul3A_1339 = arith.constant 128 : i32
        %mul3A_1340 = arith.muli %add3A_1338, %mul3A_1339 : i32
        %add3A_1341 = arith.addi %mul3A_2, %mul3A_1340 : i32
        %dma_start3A_1342 = arith.constant 2 : i32
        %dma_start3A_1343 = arith.constant 1 : i32
        %dma_start3A_1344 = arith.constant 0 : i32
        %dma_start3A_1345 = arith.constant 0 : i32
        %dma_start3A_1346 = tpu.memref_slice %run_scoped3A_3[%dma_start3A_1342, %dma_start3A_1343, %dma_start3A_1344, %dma_start3A_1345] : memref<3x4x128x64xf32, #tpu.memory_space<vmem>> -> memref<1x1x128x64xf32, #tpu.memory_space<vmem>>
        %dma_start3A_1347 = tpu.memref_squeeze %dma_start3A_1346 : memref<1x1x128x64xf32, #tpu.memory_space<vmem>> -> memref<128x64xf32, #tpu.memory_space<vmem>>
        %dma_start3A_1348 = arith.constant 0 : i32
        %dma_start3A_1349 = tpu.memref_slice %arg4[%add3A_1341, %dma_start3A_1348] : memref<819200x64xf32, #tpu.memory_space<hbm>> -> memref<128x64xf32, #tpu.memory_space<hbm>>
        %dma_start3A_1350 = arith.constant 0 : i32
        %dma_start3A_1351 = tpu.memref_slice %arg4[%add3A_1341, %dma_start3A_1350] : memref<819200x64xf32, #tpu.memory_space<hbm>> -> memref<128x64xf32, #tpu.memory_space<hbm>>
        %dma_start3A_1352 = arith.constant 0 : i32
        %dma_start3A_1353 = arith.constant 0 : i32
        %dma_start3A_1354 = tpu.memref_slice %run_scoped3A_3[%dma_start3A_1342, %dma_start3A_1343, %dma_start3A_1352, %dma_start3A_1353] : memref<3x4x128x64xf32, #tpu.memory_space<vmem>> -> memref<1x1x128x64xf32, #tpu.memory_space<vmem>>
        %dma_start3A_1355 = tpu.memref_squeeze %dma_start3A_1354 : memref<1x1x128x64xf32, #tpu.memory_space<vmem>> -> memref<128x64xf32, #tpu.memory_space<vmem>>
        tpu.enqueue_dma source(%dma_start3A_1355 : memref<128x64xf32, #tpu.memory_space<vmem>>) target(%dma_start3A_1351 : memref<128x64xf32, #tpu.memory_space<hbm>>) target_semaphore(%run_scoped3A_9 : memref<!tpu.dma_semaphore, #tpu.memory_space<semaphore_mem>>)
        %mul3A_1356 = arith.constant 4 : i32
        %mul3A_1357 = arith.muli %add3A_1098, %mul3A_1356 : i32
        %add3A_1358 = arith.constant 2 : i32
        %add3A_1359 = arith.addi %mul3A_1357, %add3A_1358 : i32
        %mul3A_1360 = arith.constant 128 : i32
        %mul3A_1361 = arith.muli %add3A_1359, %mul3A_1360 : i32
        %add3A_1362 = arith.addi %mul3A_2, %mul3A_1361 : i32
        %dma_start3A_1363 = arith.constant 2 : i32
        %dma_start3A_1364 = arith.constant 2 : i32
        %dma_start3A_1365 = arith.constant 0 : i32
        %dma_start3A_1366 = arith.constant 0 : i32
        %dma_start3A_1367 = tpu.memref_slice %run_scoped3A_3[%dma_start3A_1363, %dma_start3A_1364, %dma_start3A_1365, %dma_start3A_1366] : memref<3x4x128x64xf32, #tpu.memory_space<vmem>> -> memref<1x1x128x64xf32, #tpu.memory_space<vmem>>
        %dma_start3A_1368 = tpu.memref_squeeze %dma_start3A_1367 : memref<1x1x128x64xf32, #tpu.memory_space<vmem>> -> memref<128x64xf32, #tpu.memory_space<vmem>>
        %dma_start3A_1369 = arith.constant 0 : i32
        %dma_start3A_1370 = tpu.memref_slice %arg4[%add3A_1362, %dma_start3A_1369] : memref<819200x64xf32, #tpu.memory_space<hbm>> -> memref<128x64xf32, #tpu.memory_space<hbm>>
        %dma_start3A_1371 = arith.constant 0 : i32
        %dma_start3A_1372 = tpu.memref_slice %arg4[%add3A_1362, %dma_start3A_1371] : memref<819200x64xf32, #tpu.memory_space<hbm>> -> memref<128x64xf32, #tpu.memory_space<hbm>>
        %dma_start3A_1373 = arith.constant 0 : i32
        %dma_start3A_1374 = arith.constant 0 : i32
        %dma_start3A_1375 = tpu.memref_slice %run_scoped3A_3[%dma_start3A_1363, %dma_start3A_1364, %dma_start3A_1373, %dma_start3A_1374] : memref<3x4x128x64xf32, #tpu.memory_space<vmem>> -> memref<1x1x128x64xf32, #tpu.memory_space<vmem>>
        %dma_start3A_1376 = tpu.memref_squeeze %dma_start3A_1375 : memref<1x1x128x64xf32, #tpu.memory_space<vmem>> -> memref<128x64xf32, #tpu.memory_space<vmem>>
        tpu.enqueue_dma source(%dma_start3A_1376 : memref<128x64xf32, #tpu.memory_space<vmem>>) target(%dma_start3A_1372 : memref<128x64xf32, #tpu.memory_space<hbm>>) target_semaphore(%run_scoped3A_9 : memref<!tpu.dma_semaphore, #tpu.memory_space<semaphore_mem>>)
        %mul3A_1377 = arith.constant 4 : i32
        %mul3A_1378 = arith.muli %add3A_1098, %mul3A_1377 : i32
        %add3A_1379 = arith.constant 3 : i32
        %add3A_1380 = arith.addi %mul3A_1378, %add3A_1379 : i32
        %mul3A_1381 = arith.constant 128 : i32
        %mul3A_1382 = arith.muli %add3A_1380, %mul3A_1381 : i32
        %add3A_1383 = arith.addi %mul3A_2, %mul3A_1382 : i32
        %dma_start3A_1384 = arith.constant 2 : i32
        %dma_start3A_1385 = arith.constant 3 : i32
        %dma_start3A_1386 = arith.constant 0 : i32
        %dma_start3A_1387 = arith.constant 0 : i32
        %dma_start3A_1388 = tpu.memref_slice %run_scoped3A_3[%dma_start3A_1384, %dma_start3A_1385, %dma_start3A_1386, %dma_start3A_1387] : memref<3x4x128x64xf32, #tpu.memory_space<vmem>> -> memref<1x1x128x64xf32, #tpu.memory_space<vmem>>
        %dma_start3A_1389 = tpu.memref_squeeze %dma_start3A_1388 : memref<1x1x128x64xf32, #tpu.memory_space<vmem>> -> memref<128x64xf32, #tpu.memory_space<vmem>>
        %dma_start3A_1390 = arith.constant 0 : i32
        %dma_start3A_1391 = tpu.memref_slice %arg4[%add3A_1383, %dma_start3A_1390] : memref<819200x64xf32, #tpu.memory_space<hbm>> -> memref<128x64xf32, #tpu.memory_space<hbm>>
        %dma_start3A_1392 = arith.constant 0 : i32
        %dma_start3A_1393 = tpu.memref_slice %arg4[%add3A_1383, %dma_start3A_1392] : memref<819200x64xf32, #tpu.memory_space<hbm>> -> memref<128x64xf32, #tpu.memory_space<hbm>>
        %dma_start3A_1394 = arith.constant 0 : i32
        %dma_start3A_1395 = arith.constant 0 : i32
        %dma_start3A_1396 = tpu.memref_slice %run_scoped3A_3[%dma_start3A_1384, %dma_start3A_1385, %dma_start3A_1394, %dma_start3A_1395] : memref<3x4x128x64xf32, #tpu.memory_space<vmem>> -> memref<1x1x128x64xf32, #tpu.memory_space<vmem>>
        %dma_start3A_1397 = tpu.memref_squeeze %dma_start3A_1396 : memref<1x1x128x64xf32, #tpu.memory_space<vmem>> -> memref<128x64xf32, #tpu.memory_space<vmem>>
        tpu.enqueue_dma source(%dma_start3A_1397 : memref<128x64xf32, #tpu.memory_space<vmem>>) target(%dma_start3A_1393 : memref<128x64xf32, #tpu.memory_space<hbm>>) target_semaphore(%run_scoped3A_9 : memref<!tpu.dma_semaphore, #tpu.memory_space<semaphore_mem>>)
        %add3A_1398 = arith.constant 1 : i32
        %add3A_1399 = arith.addi %add3A_1096, %add3A_1398 : i32
        %sub3A_1400 = arith.constant 2 : i32
        %sub3A_1401 = arith.subi %add3A_1399, %sub3A_1400 : i32
        %mul3A_1402 = arith.constant 4 : i32
        %mul3A_1403 = arith.muli %sub3A_1401, %mul3A_1402 : i32
        %add3A_1404 = arith.constant 0 : i32
        %add3A_1405 = arith.addi %mul3A_1403, %add3A_1404 : i32
        %mul3A_1406 = arith.constant 128 : i32
        %mul3A_1407 = arith.muli %add3A_1405, %mul3A_1406 : i32
        %add3A_1408 = arith.addi %mul3A_2, %mul3A_1407 : i32
        %dma_wait3A_1409 = arith.constant 1 : i32
        %dma_wait3A_1410 = arith.constant 0 : i32
        %dma_wait3A_1411 = arith.constant 0 : i32
        %dma_wait3A_1412 = arith.constant 0 : i32
        %dma_wait3A_1413 = tpu.memref_slice %run_scoped3A_3[%dma_wait3A_1409, %dma_wait3A_1410, %dma_wait3A_1411, %dma_wait3A_1412] : memref<3x4x128x64xf32, #tpu.memory_space<vmem>> -> memref<1x1x128x64xf32, #tpu.memory_space<vmem>>
        %dma_wait3A_1414 = tpu.memref_squeeze %dma_wait3A_1413 : memref<1x1x128x64xf32, #tpu.memory_space<vmem>> -> memref<128x64xf32, #tpu.memory_space<vmem>>
        %dma_wait3A_1415 = arith.constant 0 : i32
        %dma_wait3A_1416 = tpu.memref_slice %arg4[%add3A_1408, %dma_wait3A_1415] : memref<819200x64xf32, #tpu.memory_space<hbm>> -> memref<128x64xf32, #tpu.memory_space<hbm>>
        %dma_wait3A_1417 = arith.constant 0 : i32
        %dma_wait3A_1418 = tpu.memref_slice %arg4[%add3A_1408, %dma_wait3A_1417] : memref<819200x64xf32, #tpu.memory_space<hbm>> -> memref<128x64xf32, #tpu.memory_space<hbm>>
        %dma_wait3A_1419 = arith.constant 0 : i32
        %dma_wait3A_1420 = arith.constant 0 : i32
        %dma_wait3A_1421 = tpu.memref_slice %run_scoped3A_3[%dma_wait3A_1409, %dma_wait3A_1410, %dma_wait3A_1419, %dma_wait3A_1420] : memref<3x4x128x64xf32, #tpu.memory_space<vmem>> -> memref<1x1x128x64xf32, #tpu.memory_space<vmem>>
        %dma_wait3A_1422 = tpu.memref_squeeze %dma_wait3A_1421 : memref<1x1x128x64xf32, #tpu.memory_space<vmem>> -> memref<128x64xf32, #tpu.memory_space<vmem>>
        tpu.wait_dma2 semaphore(%run_scoped3A_8 : memref<!tpu.dma_semaphore, #tpu.memory_space<semaphore_mem>>) src(%dma_wait3A_1422 : memref<128x64xf32, #tpu.memory_space<vmem>>) dst(%dma_wait3A_1418 : memref<128x64xf32, #tpu.memory_space<hbm>>)
        %mul3A_1423 = arith.constant 4 : i32
        %mul3A_1424 = arith.muli %sub3A_1401, %mul3A_1423 : i32
        %add3A_1425 = arith.constant 1 : i32
        %add3A_1426 = arith.addi %mul3A_1424, %add3A_1425 : i32
        %mul3A_1427 = arith.constant 128 : i32
        %mul3A_1428 = arith.muli %add3A_1426, %mul3A_1427 : i32
        %add3A_1429 = arith.addi %mul3A_2, %mul3A_1428 : i32
        %dma_wait3A_1430 = arith.constant 1 : i32
        %dma_wait3A_1431 = arith.constant 1 : i32
        %dma_wait3A_1432 = arith.constant 0 : i32
        %dma_wait3A_1433 = arith.constant 0 : i32
        %dma_wait3A_1434 = tpu.memref_slice %run_scoped3A_3[%dma_wait3A_1430, %dma_wait3A_1431, %dma_wait3A_1432, %dma_wait3A_1433] : memref<3x4x128x64xf32, #tpu.memory_space<vmem>> -> memref<1x1x128x64xf32, #tpu.memory_space<vmem>>
        %dma_wait3A_1435 = tpu.memref_squeeze %dma_wait3A_1434 : memref<1x1x128x64xf32, #tpu.memory_space<vmem>> -> memref<128x64xf32, #tpu.memory_space<vmem>>
        %dma_wait3A_1436 = arith.constant 0 : i32
        %dma_wait3A_1437 = tpu.memref_slice %arg4[%add3A_1429, %dma_wait3A_1436] : memref<819200x64xf32, #tpu.memory_space<hbm>> -> memref<128x64xf32, #tpu.memory_space<hbm>>
        %dma_wait3A_1438 = arith.constant 0 : i32
        %dma_wait3A_1439 = tpu.memref_slice %arg4[%add3A_1429, %dma_wait3A_1438] : memref<819200x64xf32, #tpu.memory_space<hbm>> -> memref<128x64xf32, #tpu.memory_space<hbm>>
        %dma_wait3A_1440 = arith.constant 0 : i32
        %dma_wait3A_1441 = arith.constant 0 : i32
        %dma_wait3A_1442 = tpu.memref_slice %run_scoped3A_3[%dma_wait3A_1430, %dma_wait3A_1431, %dma_wait3A_1440, %dma_wait3A_1441] : memref<3x4x128x64xf32, #tpu.memory_space<vmem>> -> memref<1x1x128x64xf32, #tpu.memory_space<vmem>>
        %dma_wait3A_1443 = tpu.memref_squeeze %dma_wait3A_1442 : memref<1x1x128x64xf32, #tpu.memory_space<vmem>> -> memref<128x64xf32, #tpu.memory_space<vmem>>
        tpu.wait_dma2 semaphore(%run_scoped3A_8 : memref<!tpu.dma_semaphore, #tpu.memory_space<semaphore_mem>>) src(%dma_wait3A_1443 : memref<128x64xf32, #tpu.memory_space<vmem>>) dst(%dma_wait3A_1439 : memref<128x64xf32, #tpu.memory_space<hbm>>)
        %mul3A_1444 = arith.constant 4 : i32
        %mul3A_1445 = arith.muli %sub3A_1401, %mul3A_1444 : i32
        %add3A_1446 = arith.constant 2 : i32
        %add3A_1447 = arith.addi %mul3A_1445, %add3A_1446 : i32
        %mul3A_1448 = arith.constant 128 : i32
        %mul3A_1449 = arith.muli %add3A_1447, %mul3A_1448 : i32
        %add3A_1450 = arith.addi %mul3A_2, %mul3A_1449 : i32
        %dma_wait3A_1451 = arith.constant 1 : i32
        %dma_wait3A_1452 = arith.constant 2 : i32
        %dma_wait3A_1453 = arith.constant 0 : i32
        %dma_wait3A_1454 = arith.constant 0 : i32
        %dma_wait3A_1455 = tpu.memref_slice %run_scoped3A_3[%dma_wait3A_1451, %dma_wait3A_1452, %dma_wait3A_1453, %dma_wait3A_1454] : memref<3x4x128x64xf32, #tpu.memory_space<vmem>> -> memref<1x1x128x64xf32, #tpu.memory_space<vmem>>
        %dma_wait3A_1456 = tpu.memref_squeeze %dma_wait3A_1455 : memref<1x1x128x64xf32, #tpu.memory_space<vmem>> -> memref<128x64xf32, #tpu.memory_space<vmem>>
        %dma_wait3A_1457 = arith.constant 0 : i32
        %dma_wait3A_1458 = tpu.memref_slice %arg4[%add3A_1450, %dma_wait3A_1457] : memref<819200x64xf32, #tpu.memory_space<hbm>> -> memref<128x64xf32, #tpu.memory_space<hbm>>
        %dma_wait3A_1459 = arith.constant 0 : i32
        %dma_wait3A_1460 = tpu.memref_slice %arg4[%add3A_1450, %dma_wait3A_1459] : memref<819200x64xf32, #tpu.memory_space<hbm>> -> memref<128x64xf32, #tpu.memory_space<hbm>>
        %dma_wait3A_1461 = arith.constant 0 : i32
        %dma_wait3A_1462 = arith.constant 0 : i32
        %dma_wait3A_1463 = tpu.memref_slice %run_scoped3A_3[%dma_wait3A_1451, %dma_wait3A_1452, %dma_wait3A_1461, %dma_wait3A_1462] : memref<3x4x128x64xf32, #tpu.memory_space<vmem>> -> memref<1x1x128x64xf32, #tpu.memory_space<vmem>>
        %dma_wait3A_1464 = tpu.memref_squeeze %dma_wait3A_1463 : memref<1x1x128x64xf32, #tpu.memory_space<vmem>> -> memref<128x64xf32, #tpu.memory_space<vmem>>
        tpu.wait_dma2 semaphore(%run_scoped3A_8 : memref<!tpu.dma_semaphore, #tpu.memory_space<semaphore_mem>>) src(%dma_wait3A_1464 : memref<128x64xf32, #tpu.memory_space<vmem>>) dst(%dma_wait3A_1460 : memref<128x64xf32, #tpu.memory_space<hbm>>)
        %mul3A_1465 = arith.constant 4 : i32
        %mul3A_1466 = arith.muli %sub3A_1401, %mul3A_1465 : i32
        %add3A_1467 = arith.constant 3 : i32
        %add3A_1468 = arith.addi %mul3A_1466, %add3A_1467 : i32
        %mul3A_1469 = arith.constant 128 : i32
        %mul3A_1470 = arith.muli %add3A_1468, %mul3A_1469 : i32
        %add3A_1471 = arith.addi %mul3A_2, %mul3A_1470 : i32
        %dma_wait3A_1472 = arith.constant 1 : i32
        %dma_wait3A_1473 = arith.constant 3 : i32
        %dma_wait3A_1474 = arith.constant 0 : i32
        %dma_wait3A_1475 = arith.constant 0 : i32
        %dma_wait3A_1476 = tpu.memref_slice %run_scoped3A_3[%dma_wait3A_1472, %dma_wait3A_1473, %dma_wait3A_1474, %dma_wait3A_1475] : memref<3x4x128x64xf32, #tpu.memory_space<vmem>> -> memref<1x1x128x64xf32, #tpu.memory_space<vmem>>
        %dma_wait3A_1477 = tpu.memref_squeeze %dma_wait3A_1476 : memref<1x1x128x64xf32, #tpu.memory_space<vmem>> -> memref<128x64xf32, #tpu.memory_space<vmem>>
        %dma_wait3A_1478 = arith.constant 0 : i32
        %dma_wait3A_1479 = tpu.memref_slice %arg4[%add3A_1471, %dma_wait3A_1478] : memref<819200x64xf32, #tpu.memory_space<hbm>> -> memref<128x64xf32, #tpu.memory_space<hbm>>
        %dma_wait3A_1480 = arith.constant 0 : i32
        %dma_wait3A_1481 = tpu.memref_slice %arg4[%add3A_1471, %dma_wait3A_1480] : memref<819200x64xf32, #tpu.memory_space<hbm>> -> memref<128x64xf32, #tpu.memory_space<hbm>>
        %dma_wait3A_1482 = arith.constant 0 : i32
        %dma_wait3A_1483 = arith.constant 0 : i32
        %dma_wait3A_1484 = tpu.memref_slice %run_scoped3A_3[%dma_wait3A_1472, %dma_wait3A_1473, %dma_wait3A_1482, %dma_wait3A_1483] : memref<3x4x128x64xf32, #tpu.memory_space<vmem>> -> memref<1x1x128x64xf32, #tpu.memory_space<vmem>>
        %dma_wait3A_1485 = tpu.memref_squeeze %dma_wait3A_1484 : memref<1x1x128x64xf32, #tpu.memory_space<vmem>> -> memref<128x64xf32, #tpu.memory_space<vmem>>
        tpu.wait_dma2 semaphore(%run_scoped3A_8 : memref<!tpu.dma_semaphore, #tpu.memory_space<semaphore_mem>>) src(%dma_wait3A_1485 : memref<128x64xf32, #tpu.memory_space<vmem>>) dst(%dma_wait3A_1481 : memref<128x64xf32, #tpu.memory_space<hbm>>)
        %add3A_1486 = arith.constant 1 : i32
        %add3A_1487 = arith.addi %add3A_1399, %add3A_1486 : i32
        %mul3A_1488 = arith.constant 4 : i32
        %mul3A_1489 = arith.muli %add3A_1487, %mul3A_1488 : i32
        %add3A_1490 = arith.constant 0 : i32
        %add3A_1491 = arith.addi %mul3A_1489, %add3A_1490 : i32
        %mul3A_1492 = arith.constant 128 : i32
        %mul3A_1493 = arith.muli %add3A_1491, %mul3A_1492 : i32
        %dma_start3A_1494 = arith.constant 1 : i32
        %dma_start3A_1495 = arith.constant 0 : i32
        %dma_start3A_1496 = arith.constant 0 : i32
        %dma_start3A_1497 = arith.constant 0 : i32
        %dma_start3A_1498 = tpu.memref_slice %run_scoped3A_3[%dma_start3A_1494, %dma_start3A_1495, %dma_start3A_1496, %dma_start3A_1497] : memref<3x4x128x64xf32, #tpu.memory_space<vmem>> -> memref<1x1x128x64xf32, #tpu.memory_space<vmem>>
        %dma_start3A_1499 = tpu.memref_squeeze %dma_start3A_1498 : memref<1x1x128x64xf32, #tpu.memory_space<vmem>> -> memref<128x64xf32, #tpu.memory_space<vmem>>
        %dma_start3A_1500 = tpu.memref_slice %run_scoped3A[%mul3A_1493] : memref<25600xi32, #tpu.memory_space<vmem>> -> memref<128xi32, #tpu.memory_space<vmem>>
        %dma_start3A_1501 = arith.constant 0 : i32
        %dma_start3A_1502 = arith.constant 0 : i32
        %dma_start3A_1503 = tpu.memref_slice %arg3[%dma_start3A_1501, %dma_start3A_1502] : memref<1000000x64xf32, #tpu.memory_space<hbm>> -> memref<1000000x64xf32, #tpu.memory_space<hbm>>
        tpu.enqueue_indirect_dma source(%dma_start3A_1503 : memref<1000000x64xf32, #tpu.memory_space<hbm>>) target(%dma_start3A_1499 : memref<128x64xf32, #tpu.memory_space<vmem>>) offsets(%dma_start3A_1500 : memref<128xi32, #tpu.memory_space<vmem>>) semaphore(%run_scoped3A_5 : memref<!tpu.dma_semaphore, #tpu.memory_space<semaphore_mem>>)
        %mul3A_1504 = arith.constant 4 : i32
        %mul3A_1505 = arith.muli %add3A_1487, %mul3A_1504 : i32
        %add3A_1506 = arith.constant 1 : i32
        %add3A_1507 = arith.addi %mul3A_1505, %add3A_1506 : i32
        %mul3A_1508 = arith.constant 128 : i32
        %mul3A_1509 = arith.muli %add3A_1507, %mul3A_1508 : i32
        %dma_start3A_1510 = arith.constant 1 : i32
        %dma_start3A_1511 = arith.constant 1 : i32
        %dma_start3A_1512 = arith.constant 0 : i32
        %dma_start3A_1513 = arith.constant 0 : i32
        %dma_start3A_1514 = tpu.memref_slice %run_scoped3A_3[%dma_start3A_1510, %dma_start3A_1511, %dma_start3A_1512, %dma_start3A_1513] : memref<3x4x128x64xf32, #tpu.memory_space<vmem>> -> memref<1x1x128x64xf32, #tpu.memory_space<vmem>>
        %dma_start3A_1515 = tpu.memref_squeeze %dma_start3A_1514 : memref<1x1x128x64xf32, #tpu.memory_space<vmem>> -> memref<128x64xf32, #tpu.memory_space<vmem>>
        %dma_start3A_1516 = tpu.memref_slice %run_scoped3A[%mul3A_1509] : memref<25600xi32, #tpu.memory_space<vmem>> -> memref<128xi32, #tpu.memory_space<vmem>>
        %dma_start3A_1517 = arith.constant 0 : i32
        %dma_start3A_1518 = arith.constant 0 : i32
        %dma_start3A_1519 = tpu.memref_slice %arg3[%dma_start3A_1517, %dma_start3A_1518] : memref<1000000x64xf32, #tpu.memory_space<hbm>> -> memref<1000000x64xf32, #tpu.memory_space<hbm>>
        tpu.enqueue_indirect_dma source(%dma_start3A_1519 : memref<1000000x64xf32, #tpu.memory_space<hbm>>) target(%dma_start3A_1515 : memref<128x64xf32, #tpu.memory_space<vmem>>) offsets(%dma_start3A_1516 : memref<128xi32, #tpu.memory_space<vmem>>) semaphore(%run_scoped3A_5 : memref<!tpu.dma_semaphore, #tpu.memory_space<semaphore_mem>>)
        %mul3A_1520 = arith.constant 4 : i32
        %mul3A_1521 = arith.muli %add3A_1487, %mul3A_1520 : i32
        %add3A_1522 = arith.constant 2 : i32
        %add3A_1523 = arith.addi %mul3A_1521, %add3A_1522 : i32
        %mul3A_1524 = arith.constant 128 : i32
        %mul3A_1525 = arith.muli %add3A_1523, %mul3A_1524 : i32
        %dma_start3A_1526 = arith.constant 1 : i32
        %dma_start3A_1527 = arith.constant 2 : i32
        %dma_start3A_1528 = arith.constant 0 : i32
        %dma_start3A_1529 = arith.constant 0 : i32
        %dma_start3A_1530 = tpu.memref_slice %run_scoped3A_3[%dma_start3A_1526, %dma_start3A_1527, %dma_start3A_1528, %dma_start3A_1529] : memref<3x4x128x64xf32, #tpu.memory_space<vmem>> -> memref<1x1x128x64xf32, #tpu.memory_space<vmem>>
        %dma_start3A_1531 = tpu.memref_squeeze %dma_start3A_1530 : memref<1x1x128x64xf32, #tpu.memory_space<vmem>> -> memref<128x64xf32, #tpu.memory_space<vmem>>
        %dma_start3A_1532 = tpu.memref_slice %run_scoped3A[%mul3A_1525] : memref<25600xi32, #tpu.memory_space<vmem>> -> memref<128xi32, #tpu.memory_space<vmem>>
        %dma_start3A_1533 = arith.constant 0 : i32
        %dma_start3A_1534 = arith.constant 0 : i32
        %dma_start3A_1535 = tpu.memref_slice %arg3[%dma_start3A_1533, %dma_start3A_1534] : memref<1000000x64xf32, #tpu.memory_space<hbm>> -> memref<1000000x64xf32, #tpu.memory_space<hbm>>
        tpu.enqueue_indirect_dma source(%dma_start3A_1535 : memref<1000000x64xf32, #tpu.memory_space<hbm>>) target(%dma_start3A_1531 : memref<128x64xf32, #tpu.memory_space<vmem>>) offsets(%dma_start3A_1532 : memref<128xi32, #tpu.memory_space<vmem>>) semaphore(%run_scoped3A_5 : memref<!tpu.dma_semaphore, #tpu.memory_space<semaphore_mem>>)
        %mul3A_1536 = arith.constant 4 : i32
        %mul3A_1537 = arith.muli %add3A_1487, %mul3A_1536 : i32
        %add3A_1538 = arith.constant 3 : i32
        %add3A_1539 = arith.addi %mul3A_1537, %add3A_1538 : i32
        %mul3A_1540 = arith.constant 128 : i32
        %mul3A_1541 = arith.muli %add3A_1539, %mul3A_1540 : i32
        %dma_start3A_1542 = arith.constant 1 : i32
        %dma_start3A_1543 = arith.constant 3 : i32
        %dma_start3A_1544 = arith.constant 0 : i32
        %dma_start3A_1545 = arith.constant 0 : i32
        %dma_start3A_1546 = tpu.memref_slice %run_scoped3A_3[%dma_start3A_1542, %dma_start3A_1543, %dma_start3A_1544, %dma_start3A_1545] : memref<3x4x128x64xf32, #tpu.memory_space<vmem>> -> memref<1x1x128x64xf32, #tpu.memory_space<vmem>>
        %dma_start3A_1547 = tpu.memref_squeeze %dma_start3A_1546 : memref<1x1x128x64xf32, #tpu.memory_space<vmem>> -> memref<128x64xf32, #tpu.memory_space<vmem>>
        %dma_start3A_1548 = tpu.memref_slice %run_scoped3A[%mul3A_1541] : memref<25600xi32, #tpu.memory_space<vmem>> -> memref<128xi32, #tpu.memory_space<vmem>>
        %dma_start3A_1549 = arith.constant 0 : i32
        %dma_start3A_1550 = arith.constant 0 : i32
        %dma_start3A_1551 = tpu.memref_slice %arg3[%dma_start3A_1549, %dma_start3A_1550] : memref<1000000x64xf32, #tpu.memory_space<hbm>> -> memref<1000000x64xf32, #tpu.memory_space<hbm>>
        tpu.enqueue_indirect_dma source(%dma_start3A_1551 : memref<1000000x64xf32, #tpu.memory_space<hbm>>) target(%dma_start3A_1547 : memref<128x64xf32, #tpu.memory_space<vmem>>) offsets(%dma_start3A_1548 : memref<128xi32, #tpu.memory_space<vmem>>) semaphore(%run_scoped3A_5 : memref<!tpu.dma_semaphore, #tpu.memory_space<semaphore_mem>>)
        %mul3A_1552 = arith.constant 4 : i32
        %mul3A_1553 = arith.muli %add3A_1399, %mul3A_1552 : i32
        %add3A_1554 = arith.constant 0 : i32
        %add3A_1555 = arith.addi %mul3A_1553, %add3A_1554 : i32
        %mul3A_1556 = arith.constant 128 : i32
        %mul3A_1557 = arith.muli %add3A_1555, %mul3A_1556 : i32
        %dma_wait3A_1558 = arith.constant 0 : i32
        %dma_wait3A_1559 = arith.constant 0 : i32
        %dma_wait3A_1560 = arith.constant 0 : i32
        %dma_wait3A_1561 = arith.constant 0 : i32
        %dma_wait3A_1562 = tpu.memref_slice %run_scoped3A_3[%dma_wait3A_1558, %dma_wait3A_1559, %dma_wait3A_1560, %dma_wait3A_1561] : memref<3x4x128x64xf32, #tpu.memory_space<vmem>> -> memref<1x1x128x64xf32, #tpu.memory_space<vmem>>
        %dma_wait3A_1563 = tpu.memref_squeeze %dma_wait3A_1562 : memref<1x1x128x64xf32, #tpu.memory_space<vmem>> -> memref<128x64xf32, #tpu.memory_space<vmem>>
        %dma_wait3A_1564 = tpu.memref_slice %run_scoped3A[%mul3A_1557] : memref<25600xi32, #tpu.memory_space<vmem>> -> memref<128xi32, #tpu.memory_space<vmem>>
        %dma_wait3A_1565 = arith.constant 0 : i32
        %dma_wait3A_1566 = arith.constant 0 : i32
        %dma_wait3A_1567 = tpu.memref_slice %arg3[%dma_wait3A_1565, %dma_wait3A_1566] : memref<1000000x64xf32, #tpu.memory_space<hbm>> -> memref<1000000x64xf32, #tpu.memory_space<hbm>>
        tpu.wait_indirect_dma semaphore(%run_scoped3A_4 : memref<!tpu.dma_semaphore, #tpu.memory_space<semaphore_mem>>) src(%dma_wait3A_1567 : memref<1000000x64xf32, #tpu.memory_space<hbm>>) dst(%dma_wait3A_1563 : memref<128x64xf32, #tpu.memory_space<vmem>>)
        %mul3A_1568 = arith.constant 4 : i32
        %mul3A_1569 = arith.muli %add3A_1399, %mul3A_1568 : i32
        %add3A_1570 = arith.constant 1 : i32
        %add3A_1571 = arith.addi %mul3A_1569, %add3A_1570 : i32
        %mul3A_1572 = arith.constant 128 : i32
        %mul3A_1573 = arith.muli %add3A_1571, %mul3A_1572 : i32
        %dma_wait3A_1574 = arith.constant 0 : i32
        %dma_wait3A_1575 = arith.constant 1 : i32
        %dma_wait3A_1576 = arith.constant 0 : i32
        %dma_wait3A_1577 = arith.constant 0 : i32
        %dma_wait3A_1578 = tpu.memref_slice %run_scoped3A_3[%dma_wait3A_1574, %dma_wait3A_1575, %dma_wait3A_1576, %dma_wait3A_1577] : memref<3x4x128x64xf32, #tpu.memory_space<vmem>> -> memref<1x1x128x64xf32, #tpu.memory_space<vmem>>
        %dma_wait3A_1579 = tpu.memref_squeeze %dma_wait3A_1578 : memref<1x1x128x64xf32, #tpu.memory_space<vmem>> -> memref<128x64xf32, #tpu.memory_space<vmem>>
        %dma_wait3A_1580 = tpu.memref_slice %run_scoped3A[%mul3A_1573] : memref<25600xi32, #tpu.memory_space<vmem>> -> memref<128xi32, #tpu.memory_space<vmem>>
        %dma_wait3A_1581 = arith.constant 0 : i32
        %dma_wait3A_1582 = arith.constant 0 : i32
        %dma_wait3A_1583 = tpu.memref_slice %arg3[%dma_wait3A_1581, %dma_wait3A_1582] : memref<1000000x64xf32, #tpu.memory_space<hbm>> -> memref<1000000x64xf32, #tpu.memory_space<hbm>>
        tpu.wait_indirect_dma semaphore(%run_scoped3A_4 : memref<!tpu.dma_semaphore, #tpu.memory_space<semaphore_mem>>) src(%dma_wait3A_1583 : memref<1000000x64xf32, #tpu.memory_space<hbm>>) dst(%dma_wait3A_1579 : memref<128x64xf32, #tpu.memory_space<vmem>>)
        %mul3A_1584 = arith.constant 4 : i32
        %mul3A_1585 = arith.muli %add3A_1399, %mul3A_1584 : i32
        %add3A_1586 = arith.constant 2 : i32
        %add3A_1587 = arith.addi %mul3A_1585, %add3A_1586 : i32
        %mul3A_1588 = arith.constant 128 : i32
        %mul3A_1589 = arith.muli %add3A_1587, %mul3A_1588 : i32
        %dma_wait3A_1590 = arith.constant 0 : i32
        %dma_wait3A_1591 = arith.constant 2 : i32
        %dma_wait3A_1592 = arith.constant 0 : i32
        %dma_wait3A_1593 = arith.constant 0 : i32
        %dma_wait3A_1594 = tpu.memref_slice %run_scoped3A_3[%dma_wait3A_1590, %dma_wait3A_1591, %dma_wait3A_1592, %dma_wait3A_1593] : memref<3x4x128x64xf32, #tpu.memory_space<vmem>> -> memref<1x1x128x64xf32, #tpu.memory_space<vmem>>
        %dma_wait3A_1595 = tpu.memref_squeeze %dma_wait3A_1594 : memref<1x1x128x64xf32, #tpu.memory_space<vmem>> -> memref<128x64xf32, #tpu.memory_space<vmem>>
        %dma_wait3A_1596 = tpu.memref_slice %run_scoped3A[%mul3A_1589] : memref<25600xi32, #tpu.memory_space<vmem>> -> memref<128xi32, #tpu.memory_space<vmem>>
        %dma_wait3A_1597 = arith.constant 0 : i32
        %dma_wait3A_1598 = arith.constant 0 : i32
        %dma_wait3A_1599 = tpu.memref_slice %arg3[%dma_wait3A_1597, %dma_wait3A_1598] : memref<1000000x64xf32, #tpu.memory_space<hbm>> -> memref<1000000x64xf32, #tpu.memory_space<hbm>>
        tpu.wait_indirect_dma semaphore(%run_scoped3A_4 : memref<!tpu.dma_semaphore, #tpu.memory_space<semaphore_mem>>) src(%dma_wait3A_1599 : memref<1000000x64xf32, #tpu.memory_space<hbm>>) dst(%dma_wait3A_1595 : memref<128x64xf32, #tpu.memory_space<vmem>>)
        %mul3A_1600 = arith.constant 4 : i32
        %mul3A_1601 = arith.muli %add3A_1399, %mul3A_1600 : i32
        %add3A_1602 = arith.constant 3 : i32
        %add3A_1603 = arith.addi %mul3A_1601, %add3A_1602 : i32
        %mul3A_1604 = arith.constant 128 : i32
        %mul3A_1605 = arith.muli %add3A_1603, %mul3A_1604 : i32
        %dma_wait3A_1606 = arith.constant 0 : i32
        %dma_wait3A_1607 = arith.constant 3 : i32
        %dma_wait3A_1608 = arith.constant 0 : i32
        %dma_wait3A_1609 = arith.constant 0 : i32
        %dma_wait3A_1610 = tpu.memref_slice %run_scoped3A_3[%dma_wait3A_1606, %dma_wait3A_1607, %dma_wait3A_1608, %dma_wait3A_1609] : memref<3x4x128x64xf32, #tpu.memory_space<vmem>> -> memref<1x1x128x64xf32, #tpu.memory_space<vmem>>
        %dma_wait3A_1611 = tpu.memref_squeeze %dma_wait3A_1610 : memref<1x1x128x64xf32, #tpu.memory_space<vmem>> -> memref<128x64xf32, #tpu.memory_space<vmem>>
        %dma_wait3A_1612 = tpu.memref_slice %run_scoped3A[%mul3A_1605] : memref<25600xi32, #tpu.memory_space<vmem>> -> memref<128xi32, #tpu.memory_space<vmem>>
        %dma_wait3A_1613 = arith.constant 0 : i32
        %dma_wait3A_1614 = arith.constant 0 : i32
        %dma_wait3A_1615 = tpu.memref_slice %arg3[%dma_wait3A_1613, %dma_wait3A_1614] : memref<1000000x64xf32, #tpu.memory_space<hbm>> -> memref<1000000x64xf32, #tpu.memory_space<hbm>>
        tpu.wait_indirect_dma semaphore(%run_scoped3A_4 : memref<!tpu.dma_semaphore, #tpu.memory_space<semaphore_mem>>) src(%dma_wait3A_1615 : memref<1000000x64xf32, #tpu.memory_space<hbm>>) dst(%dma_wait3A_1611 : memref<128x64xf32, #tpu.memory_space<vmem>>)
        %mul3A_1616 = arith.constant 4 : i32
        %mul3A_1617 = arith.muli %add3A_1399, %mul3A_1616 : i32
        %add3A_1618 = arith.constant 0 : i32
        %add3A_1619 = arith.addi %mul3A_1617, %add3A_1618 : i32
        %mul3A_1620 = arith.constant 128 : i32
        %mul3A_1621 = arith.muli %add3A_1619, %mul3A_1620 : i32
        %add3A_1622 = arith.addi %mul3A_2, %mul3A_1621 : i32
        %dma_start3A_1623 = arith.constant 0 : i32
        %dma_start3A_1624 = arith.constant 0 : i32
        %dma_start3A_1625 = arith.constant 0 : i32
        %dma_start3A_1626 = arith.constant 0 : i32
        %dma_start3A_1627 = tpu.memref_slice %run_scoped3A_3[%dma_start3A_1623, %dma_start3A_1624, %dma_start3A_1625, %dma_start3A_1626] : memref<3x4x128x64xf32, #tpu.memory_space<vmem>> -> memref<1x1x128x64xf32, #tpu.memory_space<vmem>>
        %dma_start3A_1628 = tpu.memref_squeeze %dma_start3A_1627 : memref<1x1x128x64xf32, #tpu.memory_space<vmem>> -> memref<128x64xf32, #tpu.memory_space<vmem>>
        %dma_start3A_1629 = arith.constant 0 : i32
        %dma_start3A_1630 = tpu.memref_slice %arg4[%add3A_1622, %dma_start3A_1629] : memref<819200x64xf32, #tpu.memory_space<hbm>> -> memref<128x64xf32, #tpu.memory_space<hbm>>
        %dma_start3A_1631 = arith.constant 0 : i32
        %dma_start3A_1632 = tpu.memref_slice %arg4[%add3A_1622, %dma_start3A_1631] : memref<819200x64xf32, #tpu.memory_space<hbm>> -> memref<128x64xf32, #tpu.memory_space<hbm>>
        %dma_start3A_1633 = arith.constant 0 : i32
        %dma_start3A_1634 = arith.constant 0 : i32
        %dma_start3A_1635 = tpu.memref_slice %run_scoped3A_3[%dma_start3A_1623, %dma_start3A_1624, %dma_start3A_1633, %dma_start3A_1634] : memref<3x4x128x64xf32, #tpu.memory_space<vmem>> -> memref<1x1x128x64xf32, #tpu.memory_space<vmem>>
        %dma_start3A_1636 = tpu.memref_squeeze %dma_start3A_1635 : memref<1x1x128x64xf32, #tpu.memory_space<vmem>> -> memref<128x64xf32, #tpu.memory_space<vmem>>
        tpu.enqueue_dma source(%dma_start3A_1636 : memref<128x64xf32, #tpu.memory_space<vmem>>) target(%dma_start3A_1632 : memref<128x64xf32, #tpu.memory_space<hbm>>) target_semaphore(%run_scoped3A_7 : memref<!tpu.dma_semaphore, #tpu.memory_space<semaphore_mem>>)
        %mul3A_1637 = arith.constant 4 : i32
        %mul3A_1638 = arith.muli %add3A_1399, %mul3A_1637 : i32
        %add3A_1639 = arith.constant 1 : i32
        %add3A_1640 = arith.addi %mul3A_1638, %add3A_1639 : i32
        %mul3A_1641 = arith.constant 128 : i32
        %mul3A_1642 = arith.muli %add3A_1640, %mul3A_1641 : i32
        %add3A_1643 = arith.addi %mul3A_2, %mul3A_1642 : i32
        %dma_start3A_1644 = arith.constant 0 : i32
        %dma_start3A_1645 = arith.constant 1 : i32
        %dma_start3A_1646 = arith.constant 0 : i32
        %dma_start3A_1647 = arith.constant 0 : i32
        %dma_start3A_1648 = tpu.memref_slice %run_scoped3A_3[%dma_start3A_1644, %dma_start3A_1645, %dma_start3A_1646, %dma_start3A_1647] : memref<3x4x128x64xf32, #tpu.memory_space<vmem>> -> memref<1x1x128x64xf32, #tpu.memory_space<vmem>>
        %dma_start3A_1649 = tpu.memref_squeeze %dma_start3A_1648 : memref<1x1x128x64xf32, #tpu.memory_space<vmem>> -> memref<128x64xf32, #tpu.memory_space<vmem>>
        %dma_start3A_1650 = arith.constant 0 : i32
        %dma_start3A_1651 = tpu.memref_slice %arg4[%add3A_1643, %dma_start3A_1650] : memref<819200x64xf32, #tpu.memory_space<hbm>> -> memref<128x64xf32, #tpu.memory_space<hbm>>
        %dma_start3A_1652 = arith.constant 0 : i32
        %dma_start3A_1653 = tpu.memref_slice %arg4[%add3A_1643, %dma_start3A_1652] : memref<819200x64xf32, #tpu.memory_space<hbm>> -> memref<128x64xf32, #tpu.memory_space<hbm>>
        %dma_start3A_1654 = arith.constant 0 : i32
        %dma_start3A_1655 = arith.constant 0 : i32
        %dma_start3A_1656 = tpu.memref_slice %run_scoped3A_3[%dma_start3A_1644, %dma_start3A_1645, %dma_start3A_1654, %dma_start3A_1655] : memref<3x4x128x64xf32, #tpu.memory_space<vmem>> -> memref<1x1x128x64xf32, #tpu.memory_space<vmem>>
        %dma_start3A_1657 = tpu.memref_squeeze %dma_start3A_1656 : memref<1x1x128x64xf32, #tpu.memory_space<vmem>> -> memref<128x64xf32, #tpu.memory_space<vmem>>
        tpu.enqueue_dma source(%dma_start3A_1657 : memref<128x64xf32, #tpu.memory_space<vmem>>) target(%dma_start3A_1653 : memref<128x64xf32, #tpu.memory_space<hbm>>) target_semaphore(%run_scoped3A_7 : memref<!tpu.dma_semaphore, #tpu.memory_space<semaphore_mem>>)
        %mul3A_1658 = arith.constant 4 : i32
        %mul3A_1659 = arith.muli %add3A_1399, %mul3A_1658 : i32
        %add3A_1660 = arith.constant 2 : i32
        %add3A_1661 = arith.addi %mul3A_1659, %add3A_1660 : i32
        %mul3A_1662 = arith.constant 128 : i32
        %mul3A_1663 = arith.muli %add3A_1661, %mul3A_1662 : i32
        %add3A_1664 = arith.addi %mul3A_2, %mul3A_1663 : i32
        %dma_start3A_1665 = arith.constant 0 : i32
        %dma_start3A_1666 = arith.constant 2 : i32
        %dma_start3A_1667 = arith.constant 0 : i32
        %dma_start3A_1668 = arith.constant 0 : i32
        %dma_start3A_1669 = tpu.memref_slice %run_scoped3A_3[%dma_start3A_1665, %dma_start3A_1666, %dma_start3A_1667, %dma_start3A_1668] : memref<3x4x128x64xf32, #tpu.memory_space<vmem>> -> memref<1x1x128x64xf32, #tpu.memory_space<vmem>>
        %dma_start3A_1670 = tpu.memref_squeeze %dma_start3A_1669 : memref<1x1x128x64xf32, #tpu.memory_space<vmem>> -> memref<128x64xf32, #tpu.memory_space<vmem>>
        %dma_start3A_1671 = arith.constant 0 : i32
        %dma_start3A_1672 = tpu.memref_slice %arg4[%add3A_1664, %dma_start3A_1671] : memref<819200x64xf32, #tpu.memory_space<hbm>> -> memref<128x64xf32, #tpu.memory_space<hbm>>
        %dma_start3A_1673 = arith.constant 0 : i32
        %dma_start3A_1674 = tpu.memref_slice %arg4[%add3A_1664, %dma_start3A_1673] : memref<819200x64xf32, #tpu.memory_space<hbm>> -> memref<128x64xf32, #tpu.memory_space<hbm>>
        %dma_start3A_1675 = arith.constant 0 : i32
        %dma_start3A_1676 = arith.constant 0 : i32
        %dma_start3A_1677 = tpu.memref_slice %run_scoped3A_3[%dma_start3A_1665, %dma_start3A_1666, %dma_start3A_1675, %dma_start3A_1676] : memref<3x4x128x64xf32, #tpu.memory_space<vmem>> -> memref<1x1x128x64xf32, #tpu.memory_space<vmem>>
        %dma_start3A_1678 = tpu.memref_squeeze %dma_start3A_1677 : memref<1x1x128x64xf32, #tpu.memory_space<vmem>> -> memref<128x64xf32, #tpu.memory_space<vmem>>
        tpu.enqueue_dma source(%dma_start3A_1678 : memref<128x64xf32, #tpu.memory_space<vmem>>) target(%dma_start3A_1674 : memref<128x64xf32, #tpu.memory_space<hbm>>) target_semaphore(%run_scoped3A_7 : memref<!tpu.dma_semaphore, #tpu.memory_space<semaphore_mem>>)
        %mul3A_1679 = arith.constant 4 : i32
        %mul3A_1680 = arith.muli %add3A_1399, %mul3A_1679 : i32
        %add3A_1681 = arith.constant 3 : i32
        %add3A_1682 = arith.addi %mul3A_1680, %add3A_1681 : i32
        %mul3A_1683 = arith.constant 128 : i32
        %mul3A_1684 = arith.muli %add3A_1682, %mul3A_1683 : i32
        %add3A_1685 = arith.addi %mul3A_2, %mul3A_1684 : i32
        %dma_start3A_1686 = arith.constant 0 : i32
        %dma_start3A_1687 = arith.constant 3 : i32
        %dma_start3A_1688 = arith.constant 0 : i32
        %dma_start3A_1689 = arith.constant 0 : i32
        %dma_start3A_1690 = tpu.memref_slice %run_scoped3A_3[%dma_start3A_1686, %dma_start3A_1687, %dma_start3A_1688, %dma_start3A_1689] : memref<3x4x128x64xf32, #tpu.memory_space<vmem>> -> memref<1x1x128x64xf32, #tpu.memory_space<vmem>>
        %dma_start3A_1691 = tpu.memref_squeeze %dma_start3A_1690 : memref<1x1x128x64xf32, #tpu.memory_space<vmem>> -> memref<128x64xf32, #tpu.memory_space<vmem>>
        %dma_start3A_1692 = arith.constant 0 : i32
        %dma_start3A_1693 = tpu.memref_slice %arg4[%add3A_1685, %dma_start3A_1692] : memref<819200x64xf32, #tpu.memory_space<hbm>> -> memref<128x64xf32, #tpu.memory_space<hbm>>
        %dma_start3A_1694 = arith.constant 0 : i32
        %dma_start3A_1695 = tpu.memref_slice %arg4[%add3A_1685, %dma_start3A_1694] : memref<819200x64xf32, #tpu.memory_space<hbm>> -> memref<128x64xf32, #tpu.memory_space<hbm>>
        %dma_start3A_1696 = arith.constant 0 : i32
        %dma_start3A_1697 = arith.constant 0 : i32
        %dma_start3A_1698 = tpu.memref_slice %run_scoped3A_3[%dma_start3A_1686, %dma_start3A_1687, %dma_start3A_1696, %dma_start3A_1697] : memref<3x4x128x64xf32, #tpu.memory_space<vmem>> -> memref<1x1x128x64xf32, #tpu.memory_space<vmem>>
        %dma_start3A_1699 = tpu.memref_squeeze %dma_start3A_1698 : memref<1x1x128x64xf32, #tpu.memory_space<vmem>> -> memref<128x64xf32, #tpu.memory_space<vmem>>
        tpu.enqueue_dma source(%dma_start3A_1699 : memref<128x64xf32, #tpu.memory_space<vmem>>) target(%dma_start3A_1695 : memref<128x64xf32, #tpu.memory_space<hbm>>) target_semaphore(%run_scoped3A_7 : memref<!tpu.dma_semaphore, #tpu.memory_space<semaphore_mem>>)
        %add3A_1700 = arith.constant 2 : i32
        %add3A_1701 = arith.addi %add3A_1096, %add3A_1700 : i32
        %sub3A_1702 = arith.constant 2 : i32
        %sub3A_1703 = arith.subi %add3A_1701, %sub3A_1702 : i32
        %mul3A_1704 = arith.constant 4 : i32
        %mul3A_1705 = arith.muli %sub3A_1703, %mul3A_1704 : i32
        %add3A_1706 = arith.constant 0 : i32
        %add3A_1707 = arith.addi %mul3A_1705, %add3A_1706 : i32
        %mul3A_1708 = arith.constant 128 : i32
        %mul3A_1709 = arith.muli %add3A_1707, %mul3A_1708 : i32
        %add3A_1710 = arith.addi %mul3A_2, %mul3A_1709 : i32
        %dma_wait3A_1711 = arith.constant 2 : i32
        %dma_wait3A_1712 = arith.constant 0 : i32
        %dma_wait3A_1713 = arith.constant 0 : i32
        %dma_wait3A_1714 = arith.constant 0 : i32
        %dma_wait3A_1715 = tpu.memref_slice %run_scoped3A_3[%dma_wait3A_1711, %dma_wait3A_1712, %dma_wait3A_1713, %dma_wait3A_1714] : memref<3x4x128x64xf32, #tpu.memory_space<vmem>> -> memref<1x1x128x64xf32, #tpu.memory_space<vmem>>
        %dma_wait3A_1716 = tpu.memref_squeeze %dma_wait3A_1715 : memref<1x1x128x64xf32, #tpu.memory_space<vmem>> -> memref<128x64xf32, #tpu.memory_space<vmem>>
        %dma_wait3A_1717 = arith.constant 0 : i32
        %dma_wait3A_1718 = tpu.memref_slice %arg4[%add3A_1710, %dma_wait3A_1717] : memref<819200x64xf32, #tpu.memory_space<hbm>> -> memref<128x64xf32, #tpu.memory_space<hbm>>
        %dma_wait3A_1719 = arith.constant 0 : i32
        %dma_wait3A_1720 = tpu.memref_slice %arg4[%add3A_1710, %dma_wait3A_1719] : memref<819200x64xf32, #tpu.memory_space<hbm>> -> memref<128x64xf32, #tpu.memory_space<hbm>>
        %dma_wait3A_1721 = arith.constant 0 : i32
        %dma_wait3A_1722 = arith.constant 0 : i32
        %dma_wait3A_1723 = tpu.memref_slice %run_scoped3A_3[%dma_wait3A_1711, %dma_wait3A_1712, %dma_wait3A_1721, %dma_wait3A_1722] : memref<3x4x128x64xf32, #tpu.memory_space<vmem>> -> memref<1x1x128x64xf32, #tpu.memory_space<vmem>>
        %dma_wait3A_1724 = tpu.memref_squeeze %dma_wait3A_1723 : memref<1x1x128x64xf32, #tpu.memory_space<vmem>> -> memref<128x64xf32, #tpu.memory_space<vmem>>
        tpu.wait_dma2 semaphore(%run_scoped3A_9 : memref<!tpu.dma_semaphore, #tpu.memory_space<semaphore_mem>>) src(%dma_wait3A_1724 : memref<128x64xf32, #tpu.memory_space<vmem>>) dst(%dma_wait3A_1720 : memref<128x64xf32, #tpu.memory_space<hbm>>)
        %mul3A_1725 = arith.constant 4 : i32
        %mul3A_1726 = arith.muli %sub3A_1703, %mul3A_1725 : i32
        %add3A_1727 = arith.constant 1 : i32
        %add3A_1728 = arith.addi %mul3A_1726, %add3A_1727 : i32
        %mul3A_1729 = arith.constant 128 : i32
        %mul3A_1730 = arith.muli %add3A_1728, %mul3A_1729 : i32
        %add3A_1731 = arith.addi %mul3A_2, %mul3A_1730 : i32
        %dma_wait3A_1732 = arith.constant 2 : i32
        %dma_wait3A_1733 = arith.constant 1 : i32
        %dma_wait3A_1734 = arith.constant 0 : i32
        %dma_wait3A_1735 = arith.constant 0 : i32
        %dma_wait3A_1736 = tpu.memref_slice %run_scoped3A_3[%dma_wait3A_1732, %dma_wait3A_1733, %dma_wait3A_1734, %dma_wait3A_1735] : memref<3x4x128x64xf32, #tpu.memory_space<vmem>> -> memref<1x1x128x64xf32, #tpu.memory_space<vmem>>
        %dma_wait3A_1737 = tpu.memref_squeeze %dma_wait3A_1736 : memref<1x1x128x64xf32, #tpu.memory_space<vmem>> -> memref<128x64xf32, #tpu.memory_space<vmem>>
        %dma_wait3A_1738 = arith.constant 0 : i32
        %dma_wait3A_1739 = tpu.memref_slice %arg4[%add3A_1731, %dma_wait3A_1738] : memref<819200x64xf32, #tpu.memory_space<hbm>> -> memref<128x64xf32, #tpu.memory_space<hbm>>
        %dma_wait3A_1740 = arith.constant 0 : i32
        %dma_wait3A_1741 = tpu.memref_slice %arg4[%add3A_1731, %dma_wait3A_1740] : memref<819200x64xf32, #tpu.memory_space<hbm>> -> memref<128x64xf32, #tpu.memory_space<hbm>>
        %dma_wait3A_1742 = arith.constant 0 : i32
        %dma_wait3A_1743 = arith.constant 0 : i32
        %dma_wait3A_1744 = tpu.memref_slice %run_scoped3A_3[%dma_wait3A_1732, %dma_wait3A_1733, %dma_wait3A_1742, %dma_wait3A_1743] : memref<3x4x128x64xf32, #tpu.memory_space<vmem>> -> memref<1x1x128x64xf32, #tpu.memory_space<vmem>>
        %dma_wait3A_1745 = tpu.memref_squeeze %dma_wait3A_1744 : memref<1x1x128x64xf32, #tpu.memory_space<vmem>> -> memref<128x64xf32, #tpu.memory_space<vmem>>
        tpu.wait_dma2 semaphore(%run_scoped3A_9 : memref<!tpu.dma_semaphore, #tpu.memory_space<semaphore_mem>>) src(%dma_wait3A_1745 : memref<128x64xf32, #tpu.memory_space<vmem>>) dst(%dma_wait3A_1741 : memref<128x64xf32, #tpu.memory_space<hbm>>)
        %mul3A_1746 = arith.constant 4 : i32
        %mul3A_1747 = arith.muli %sub3A_1703, %mul3A_1746 : i32
        %add3A_1748 = arith.constant 2 : i32
        %add3A_1749 = arith.addi %mul3A_1747, %add3A_1748 : i32
        %mul3A_1750 = arith.constant 128 : i32
        %mul3A_1751 = arith.muli %add3A_1749, %mul3A_1750 : i32
        %add3A_1752 = arith.addi %mul3A_2, %mul3A_1751 : i32
        %dma_wait3A_1753 = arith.constant 2 : i32
        %dma_wait3A_1754 = arith.constant 2 : i32
        %dma_wait3A_1755 = arith.constant 0 : i32
        %dma_wait3A_1756 = arith.constant 0 : i32
        %dma_wait3A_1757 = tpu.memref_slice %run_scoped3A_3[%dma_wait3A_1753, %dma_wait3A_1754, %dma_wait3A_1755, %dma_wait3A_1756] : memref<3x4x128x64xf32, #tpu.memory_space<vmem>> -> memref<1x1x128x64xf32, #tpu.memory_space<vmem>>
        %dma_wait3A_1758 = tpu.memref_squeeze %dma_wait3A_1757 : memref<1x1x128x64xf32, #tpu.memory_space<vmem>> -> memref<128x64xf32, #tpu.memory_space<vmem>>
        %dma_wait3A_1759 = arith.constant 0 : i32
        %dma_wait3A_1760 = tpu.memref_slice %arg4[%add3A_1752, %dma_wait3A_1759] : memref<819200x64xf32, #tpu.memory_space<hbm>> -> memref<128x64xf32, #tpu.memory_space<hbm>>
        %dma_wait3A_1761 = arith.constant 0 : i32
        %dma_wait3A_1762 = tpu.memref_slice %arg4[%add3A_1752, %dma_wait3A_1761] : memref<819200x64xf32, #tpu.memory_space<hbm>> -> memref<128x64xf32, #tpu.memory_space<hbm>>
        %dma_wait3A_1763 = arith.constant 0 : i32
        %dma_wait3A_1764 = arith.constant 0 : i32
        %dma_wait3A_1765 = tpu.memref_slice %run_scoped3A_3[%dma_wait3A_1753, %dma_wait3A_1754, %dma_wait3A_1763, %dma_wait3A_1764] : memref<3x4x128x64xf32, #tpu.memory_space<vmem>> -> memref<1x1x128x64xf32, #tpu.memory_space<vmem>>
        %dma_wait3A_1766 = tpu.memref_squeeze %dma_wait3A_1765 : memref<1x1x128x64xf32, #tpu.memory_space<vmem>> -> memref<128x64xf32, #tpu.memory_space<vmem>>
        tpu.wait_dma2 semaphore(%run_scoped3A_9 : memref<!tpu.dma_semaphore, #tpu.memory_space<semaphore_mem>>) src(%dma_wait3A_1766 : memref<128x64xf32, #tpu.memory_space<vmem>>) dst(%dma_wait3A_1762 : memref<128x64xf32, #tpu.memory_space<hbm>>)
        %mul3A_1767 = arith.constant 4 : i32
        %mul3A_1768 = arith.muli %sub3A_1703, %mul3A_1767 : i32
        %add3A_1769 = arith.constant 3 : i32
        %add3A_1770 = arith.addi %mul3A_1768, %add3A_1769 : i32
        %mul3A_1771 = arith.constant 128 : i32
        %mul3A_1772 = arith.muli %add3A_1770, %mul3A_1771 : i32
        %add3A_1773 = arith.addi %mul3A_2, %mul3A_1772 : i32
        %dma_wait3A_1774 = arith.constant 2 : i32
        %dma_wait3A_1775 = arith.constant 3 : i32
        %dma_wait3A_1776 = arith.constant 0 : i32
        %dma_wait3A_1777 = arith.constant 0 : i32
        %dma_wait3A_1778 = tpu.memref_slice %run_scoped3A_3[%dma_wait3A_1774, %dma_wait3A_1775, %dma_wait3A_1776, %dma_wait3A_1777] : memref<3x4x128x64xf32, #tpu.memory_space<vmem>> -> memref<1x1x128x64xf32, #tpu.memory_space<vmem>>
        %dma_wait3A_1779 = tpu.memref_squeeze %dma_wait3A_1778 : memref<1x1x128x64xf32, #tpu.memory_space<vmem>> -> memref<128x64xf32, #tpu.memory_space<vmem>>
        %dma_wait3A_1780 = arith.constant 0 : i32
        %dma_wait3A_1781 = tpu.memref_slice %arg4[%add3A_1773, %dma_wait3A_1780] : memref<819200x64xf32, #tpu.memory_space<hbm>> -> memref<128x64xf32, #tpu.memory_space<hbm>>
        %dma_wait3A_1782 = arith.constant 0 : i32
        %dma_wait3A_1783 = tpu.memref_slice %arg4[%add3A_1773, %dma_wait3A_1782] : memref<819200x64xf32, #tpu.memory_space<hbm>> -> memref<128x64xf32, #tpu.memory_space<hbm>>
        %dma_wait3A_1784 = arith.constant 0 : i32
        %dma_wait3A_1785 = arith.constant 0 : i32
        %dma_wait3A_1786 = tpu.memref_slice %run_scoped3A_3[%dma_wait3A_1774, %dma_wait3A_1775, %dma_wait3A_1784, %dma_wait3A_1785] : memref<3x4x128x64xf32, #tpu.memory_space<vmem>> -> memref<1x1x128x64xf32, #tpu.memory_space<vmem>>
        %dma_wait3A_1787 = tpu.memref_squeeze %dma_wait3A_1786 : memref<1x1x128x64xf32, #tpu.memory_space<vmem>> -> memref<128x64xf32, #tpu.memory_space<vmem>>
        tpu.wait_dma2 semaphore(%run_scoped3A_9 : memref<!tpu.dma_semaphore, #tpu.memory_space<semaphore_mem>>) src(%dma_wait3A_1787 : memref<128x64xf32, #tpu.memory_space<vmem>>) dst(%dma_wait3A_1783 : memref<128x64xf32, #tpu.memory_space<hbm>>)
        %add3A_1788 = arith.constant 1 : i32
        %add3A_1789 = arith.addi %add3A_1701, %add3A_1788 : i32
        %mul3A_1790 = arith.constant 4 : i32
        %mul3A_1791 = arith.muli %add3A_1789, %mul3A_1790 : i32
        %add3A_1792 = arith.constant 0 : i32
        %add3A_1793 = arith.addi %mul3A_1791, %add3A_1792 : i32
        %mul3A_1794 = arith.constant 128 : i32
        %mul3A_1795 = arith.muli %add3A_1793, %mul3A_1794 : i32
        %dma_start3A_1796 = arith.constant 2 : i32
        %dma_start3A_1797 = arith.constant 0 : i32
        %dma_start3A_1798 = arith.constant 0 : i32
        %dma_start3A_1799 = arith.constant 0 : i32
        %dma_start3A_1800 = tpu.memref_slice %run_scoped3A_3[%dma_start3A_1796, %dma_start3A_1797, %dma_start3A_1798, %dma_start3A_1799] : memref<3x4x128x64xf32, #tpu.memory_space<vmem>> -> memref<1x1x128x64xf32, #tpu.memory_space<vmem>>
        %dma_start3A_1801 = tpu.memref_squeeze %dma_start3A_1800 : memref<1x1x128x64xf32, #tpu.memory_space<vmem>> -> memref<128x64xf32, #tpu.memory_space<vmem>>
        %dma_start3A_1802 = tpu.memref_slice %run_scoped3A[%mul3A_1795] : memref<25600xi32, #tpu.memory_space<vmem>> -> memref<128xi32, #tpu.memory_space<vmem>>
        %dma_start3A_1803 = arith.constant 0 : i32
        %dma_start3A_1804 = arith.constant 0 : i32
        %dma_start3A_1805 = tpu.memref_slice %arg3[%dma_start3A_1803, %dma_start3A_1804] : memref<1000000x64xf32, #tpu.memory_space<hbm>> -> memref<1000000x64xf32, #tpu.memory_space<hbm>>
        tpu.enqueue_indirect_dma source(%dma_start3A_1805 : memref<1000000x64xf32, #tpu.memory_space<hbm>>) target(%dma_start3A_1801 : memref<128x64xf32, #tpu.memory_space<vmem>>) offsets(%dma_start3A_1802 : memref<128xi32, #tpu.memory_space<vmem>>) semaphore(%run_scoped3A_6 : memref<!tpu.dma_semaphore, #tpu.memory_space<semaphore_mem>>)
        %mul3A_1806 = arith.constant 4 : i32
        %mul3A_1807 = arith.muli %add3A_1789, %mul3A_1806 : i32
        %add3A_1808 = arith.constant 1 : i32
        %add3A_1809 = arith.addi %mul3A_1807, %add3A_1808 : i32
        %mul3A_1810 = arith.constant 128 : i32
        %mul3A_1811 = arith.muli %add3A_1809, %mul3A_1810 : i32
        %dma_start3A_1812 = arith.constant 2 : i32
        %dma_start3A_1813 = arith.constant 1 : i32
        %dma_start3A_1814 = arith.constant 0 : i32
        %dma_start3A_1815 = arith.constant 0 : i32
        %dma_start3A_1816 = tpu.memref_slice %run_scoped3A_3[%dma_start3A_1812, %dma_start3A_1813, %dma_start3A_1814, %dma_start3A_1815] : memref<3x4x128x64xf32, #tpu.memory_space<vmem>> -> memref<1x1x128x64xf32, #tpu.memory_space<vmem>>
        %dma_start3A_1817 = tpu.memref_squeeze %dma_start3A_1816 : memref<1x1x128x64xf32, #tpu.memory_space<vmem>> -> memref<128x64xf32, #tpu.memory_space<vmem>>
        %dma_start3A_1818 = tpu.memref_slice %run_scoped3A[%mul3A_1811] : memref<25600xi32, #tpu.memory_space<vmem>> -> memref<128xi32, #tpu.memory_space<vmem>>
        %dma_start3A_1819 = arith.constant 0 : i32
        %dma_start3A_1820 = arith.constant 0 : i32
        %dma_start3A_1821 = tpu.memref_slice %arg3[%dma_start3A_1819, %dma_start3A_1820] : memref<1000000x64xf32, #tpu.memory_space<hbm>> -> memref<1000000x64xf32, #tpu.memory_space<hbm>>
        tpu.enqueue_indirect_dma source(%dma_start3A_1821 : memref<1000000x64xf32, #tpu.memory_space<hbm>>) target(%dma_start3A_1817 : memref<128x64xf32, #tpu.memory_space<vmem>>) offsets(%dma_start3A_1818 : memref<128xi32, #tpu.memory_space<vmem>>) semaphore(%run_scoped3A_6 : memref<!tpu.dma_semaphore, #tpu.memory_space<semaphore_mem>>)
        %mul3A_1822 = arith.constant 4 : i32
        %mul3A_1823 = arith.muli %add3A_1789, %mul3A_1822 : i32
        %add3A_1824 = arith.constant 2 : i32
        %add3A_1825 = arith.addi %mul3A_1823, %add3A_1824 : i32
        %mul3A_1826 = arith.constant 128 : i32
        %mul3A_1827 = arith.muli %add3A_1825, %mul3A_1826 : i32
        %dma_start3A_1828 = arith.constant 2 : i32
        %dma_start3A_1829 = arith.constant 2 : i32
        %dma_start3A_1830 = arith.constant 0 : i32
        %dma_start3A_1831 = arith.constant 0 : i32
        %dma_start3A_1832 = tpu.memref_slice %run_scoped3A_3[%dma_start3A_1828, %dma_start3A_1829, %dma_start3A_1830, %dma_start3A_1831] : memref<3x4x128x64xf32, #tpu.memory_space<vmem>> -> memref<1x1x128x64xf32, #tpu.memory_space<vmem>>
        %dma_start3A_1833 = tpu.memref_squeeze %dma_start3A_1832 : memref<1x1x128x64xf32, #tpu.memory_space<vmem>> -> memref<128x64xf32, #tpu.memory_space<vmem>>
        %dma_start3A_1834 = tpu.memref_slice %run_scoped3A[%mul3A_1827] : memref<25600xi32, #tpu.memory_space<vmem>> -> memref<128xi32, #tpu.memory_space<vmem>>
        %dma_start3A_1835 = arith.constant 0 : i32
        %dma_start3A_1836 = arith.constant 0 : i32
        %dma_start3A_1837 = tpu.memref_slice %arg3[%dma_start3A_1835, %dma_start3A_1836] : memref<1000000x64xf32, #tpu.memory_space<hbm>> -> memref<1000000x64xf32, #tpu.memory_space<hbm>>
        tpu.enqueue_indirect_dma source(%dma_start3A_1837 : memref<1000000x64xf32, #tpu.memory_space<hbm>>) target(%dma_start3A_1833 : memref<128x64xf32, #tpu.memory_space<vmem>>) offsets(%dma_start3A_1834 : memref<128xi32, #tpu.memory_space<vmem>>) semaphore(%run_scoped3A_6 : memref<!tpu.dma_semaphore, #tpu.memory_space<semaphore_mem>>)
        %mul3A_1838 = arith.constant 4 : i32
        %mul3A_1839 = arith.muli %add3A_1789, %mul3A_1838 : i32
        %add3A_1840 = arith.constant 3 : i32
        %add3A_1841 = arith.addi %mul3A_1839, %add3A_1840 : i32
        %mul3A_1842 = arith.constant 128 : i32
        %mul3A_1843 = arith.muli %add3A_1841, %mul3A_1842 : i32
        %dma_start3A_1844 = arith.constant 2 : i32
        %dma_start3A_1845 = arith.constant 3 : i32
        %dma_start3A_1846 = arith.constant 0 : i32
        %dma_start3A_1847 = arith.constant 0 : i32
        %dma_start3A_1848 = tpu.memref_slice %run_scoped3A_3[%dma_start3A_1844, %dma_start3A_1845, %dma_start3A_1846, %dma_start3A_1847] : memref<3x4x128x64xf32, #tpu.memory_space<vmem>> -> memref<1x1x128x64xf32, #tpu.memory_space<vmem>>
        %dma_start3A_1849 = tpu.memref_squeeze %dma_start3A_1848 : memref<1x1x128x64xf32, #tpu.memory_space<vmem>> -> memref<128x64xf32, #tpu.memory_space<vmem>>
        %dma_start3A_1850 = tpu.memref_slice %run_scoped3A[%mul3A_1843] : memref<25600xi32, #tpu.memory_space<vmem>> -> memref<128xi32, #tpu.memory_space<vmem>>
        %dma_start3A_1851 = arith.constant 0 : i32
        %dma_start3A_1852 = arith.constant 0 : i32
        %dma_start3A_1853 = tpu.memref_slice %arg3[%dma_start3A_1851, %dma_start3A_1852] : memref<1000000x64xf32, #tpu.memory_space<hbm>> -> memref<1000000x64xf32, #tpu.memory_space<hbm>>
        tpu.enqueue_indirect_dma source(%dma_start3A_1853 : memref<1000000x64xf32, #tpu.memory_space<hbm>>) target(%dma_start3A_1849 : memref<128x64xf32, #tpu.memory_space<vmem>>) offsets(%dma_start3A_1850 : memref<128xi32, #tpu.memory_space<vmem>>) semaphore(%run_scoped3A_6 : memref<!tpu.dma_semaphore, #tpu.memory_space<semaphore_mem>>)
        %mul3A_1854 = arith.constant 4 : i32
        %mul3A_1855 = arith.muli %add3A_1701, %mul3A_1854 : i32
        %add3A_1856 = arith.constant 0 : i32
        %add3A_1857 = arith.addi %mul3A_1855, %add3A_1856 : i32
        %mul3A_1858 = arith.constant 128 : i32
        %mul3A_1859 = arith.muli %add3A_1857, %mul3A_1858 : i32
        %dma_wait3A_1860 = arith.constant 1 : i32
        %dma_wait3A_1861 = arith.constant 0 : i32
        %dma_wait3A_1862 = arith.constant 0 : i32
        %dma_wait3A_1863 = arith.constant 0 : i32
        %dma_wait3A_1864 = tpu.memref_slice %run_scoped3A_3[%dma_wait3A_1860, %dma_wait3A_1861, %dma_wait3A_1862, %dma_wait3A_1863] : memref<3x4x128x64xf32, #tpu.memory_space<vmem>> -> memref<1x1x128x64xf32, #tpu.memory_space<vmem>>
        %dma_wait3A_1865 = tpu.memref_squeeze %dma_wait3A_1864 : memref<1x1x128x64xf32, #tpu.memory_space<vmem>> -> memref<128x64xf32, #tpu.memory_space<vmem>>
        %dma_wait3A_1866 = tpu.memref_slice %run_scoped3A[%mul3A_1859] : memref<25600xi32, #tpu.memory_space<vmem>> -> memref<128xi32, #tpu.memory_space<vmem>>
        %dma_wait3A_1867 = arith.constant 0 : i32
        %dma_wait3A_1868 = arith.constant 0 : i32
        %dma_wait3A_1869 = tpu.memref_slice %arg3[%dma_wait3A_1867, %dma_wait3A_1868] : memref<1000000x64xf32, #tpu.memory_space<hbm>> -> memref<1000000x64xf32, #tpu.memory_space<hbm>>
        tpu.wait_indirect_dma semaphore(%run_scoped3A_5 : memref<!tpu.dma_semaphore, #tpu.memory_space<semaphore_mem>>) src(%dma_wait3A_1869 : memref<1000000x64xf32, #tpu.memory_space<hbm>>) dst(%dma_wait3A_1865 : memref<128x64xf32, #tpu.memory_space<vmem>>)
        %mul3A_1870 = arith.constant 4 : i32
        %mul3A_1871 = arith.muli %add3A_1701, %mul3A_1870 : i32
        %add3A_1872 = arith.constant 1 : i32
        %add3A_1873 = arith.addi %mul3A_1871, %add3A_1872 : i32
        %mul3A_1874 = arith.constant 128 : i32
        %mul3A_1875 = arith.muli %add3A_1873, %mul3A_1874 : i32
        %dma_wait3A_1876 = arith.constant 1 : i32
        %dma_wait3A_1877 = arith.constant 1 : i32
        %dma_wait3A_1878 = arith.constant 0 : i32
        %dma_wait3A_1879 = arith.constant 0 : i32
        %dma_wait3A_1880 = tpu.memref_slice %run_scoped3A_3[%dma_wait3A_1876, %dma_wait3A_1877, %dma_wait3A_1878, %dma_wait3A_1879] : memref<3x4x128x64xf32, #tpu.memory_space<vmem>> -> memref<1x1x128x64xf32, #tpu.memory_space<vmem>>
        %dma_wait3A_1881 = tpu.memref_squeeze %dma_wait3A_1880 : memref<1x1x128x64xf32, #tpu.memory_space<vmem>> -> memref<128x64xf32, #tpu.memory_space<vmem>>
        %dma_wait3A_1882 = tpu.memref_slice %run_scoped3A[%mul3A_1875] : memref<25600xi32, #tpu.memory_space<vmem>> -> memref<128xi32, #tpu.memory_space<vmem>>
        %dma_wait3A_1883 = arith.constant 0 : i32
        %dma_wait3A_1884 = arith.constant 0 : i32
        %dma_wait3A_1885 = tpu.memref_slice %arg3[%dma_wait3A_1883, %dma_wait3A_1884] : memref<1000000x64xf32, #tpu.memory_space<hbm>> -> memref<1000000x64xf32, #tpu.memory_space<hbm>>
        tpu.wait_indirect_dma semaphore(%run_scoped3A_5 : memref<!tpu.dma_semaphore, #tpu.memory_space<semaphore_mem>>) src(%dma_wait3A_1885 : memref<1000000x64xf32, #tpu.memory_space<hbm>>) dst(%dma_wait3A_1881 : memref<128x64xf32, #tpu.memory_space<vmem>>)
        %mul3A_1886 = arith.constant 4 : i32
        %mul3A_1887 = arith.muli %add3A_1701, %mul3A_1886 : i32
        %add3A_1888 = arith.constant 2 : i32
        %add3A_1889 = arith.addi %mul3A_1887, %add3A_1888 : i32
        %mul3A_1890 = arith.constant 128 : i32
        %mul3A_1891 = arith.muli %add3A_1889, %mul3A_1890 : i32
        %dma_wait3A_1892 = arith.constant 1 : i32
        %dma_wait3A_1893 = arith.constant 2 : i32
        %dma_wait3A_1894 = arith.constant 0 : i32
        %dma_wait3A_1895 = arith.constant 0 : i32
        %dma_wait3A_1896 = tpu.memref_slice %run_scoped3A_3[%dma_wait3A_1892, %dma_wait3A_1893, %dma_wait3A_1894, %dma_wait3A_1895] : memref<3x4x128x64xf32, #tpu.memory_space<vmem>> -> memref<1x1x128x64xf32, #tpu.memory_space<vmem>>
        %dma_wait3A_1897 = tpu.memref_squeeze %dma_wait3A_1896 : memref<1x1x128x64xf32, #tpu.memory_space<vmem>> -> memref<128x64xf32, #tpu.memory_space<vmem>>
        %dma_wait3A_1898 = tpu.memref_slice %run_scoped3A[%mul3A_1891] : memref<25600xi32, #tpu.memory_space<vmem>> -> memref<128xi32, #tpu.memory_space<vmem>>
        %dma_wait3A_1899 = arith.constant 0 : i32
        %dma_wait3A_1900 = arith.constant 0 : i32
        %dma_wait3A_1901 = tpu.memref_slice %arg3[%dma_wait3A_1899, %dma_wait3A_1900] : memref<1000000x64xf32, #tpu.memory_space<hbm>> -> memref<1000000x64xf32, #tpu.memory_space<hbm>>
        tpu.wait_indirect_dma semaphore(%run_scoped3A_5 : memref<!tpu.dma_semaphore, #tpu.memory_space<semaphore_mem>>) src(%dma_wait3A_1901 : memref<1000000x64xf32, #tpu.memory_space<hbm>>) dst(%dma_wait3A_1897 : memref<128x64xf32, #tpu.memory_space<vmem>>)
        %mul3A_1902 = arith.constant 4 : i32
        %mul3A_1903 = arith.muli %add3A_1701, %mul3A_1902 : i32
        %add3A_1904 = arith.constant 3 : i32
        %add3A_1905 = arith.addi %mul3A_1903, %add3A_1904 : i32
        %mul3A_1906 = arith.constant 128 : i32
        %mul3A_1907 = arith.muli %add3A_1905, %mul3A_1906 : i32
        %dma_wait3A_1908 = arith.constant 1 : i32
        %dma_wait3A_1909 = arith.constant 3 : i32
        %dma_wait3A_1910 = arith.constant 0 : i32
        %dma_wait3A_1911 = arith.constant 0 : i32
        %dma_wait3A_1912 = tpu.memref_slice %run_scoped3A_3[%dma_wait3A_1908, %dma_wait3A_1909, %dma_wait3A_1910, %dma_wait3A_1911] : memref<3x4x128x64xf32, #tpu.memory_space<vmem>> -> memref<1x1x128x64xf32, #tpu.memory_space<vmem>>
        %dma_wait3A_1913 = tpu.memref_squeeze %dma_wait3A_1912 : memref<1x1x128x64xf32, #tpu.memory_space<vmem>> -> memref<128x64xf32, #tpu.memory_space<vmem>>
        %dma_wait3A_1914 = tpu.memref_slice %run_scoped3A[%mul3A_1907] : memref<25600xi32, #tpu.memory_space<vmem>> -> memref<128xi32, #tpu.memory_space<vmem>>
        %dma_wait3A_1915 = arith.constant 0 : i32
        %dma_wait3A_1916 = arith.constant 0 : i32
        %dma_wait3A_1917 = tpu.memref_slice %arg3[%dma_wait3A_1915, %dma_wait3A_1916] : memref<1000000x64xf32, #tpu.memory_space<hbm>> -> memref<1000000x64xf32, #tpu.memory_space<hbm>>
        tpu.wait_indirect_dma semaphore(%run_scoped3A_5 : memref<!tpu.dma_semaphore, #tpu.memory_space<semaphore_mem>>) src(%dma_wait3A_1917 : memref<1000000x64xf32, #tpu.memory_space<hbm>>) dst(%dma_wait3A_1913 : memref<128x64xf32, #tpu.memory_space<vmem>>)
        %mul3A_1918 = arith.constant 4 : i32
        %mul3A_1919 = arith.muli %add3A_1701, %mul3A_1918 : i32
        %add3A_1920 = arith.constant 0 : i32
        %add3A_1921 = arith.addi %mul3A_1919, %add3A_1920 : i32
        %mul3A_1922 = arith.constant 128 : i32
        %mul3A_1923 = arith.muli %add3A_1921, %mul3A_1922 : i32
        %add3A_1924 = arith.addi %mul3A_2, %mul3A_1923 : i32
        %dma_start3A_1925 = arith.constant 1 : i32
        %dma_start3A_1926 = arith.constant 0 : i32
        %dma_start3A_1927 = arith.constant 0 : i32
        %dma_start3A_1928 = arith.constant 0 : i32
        %dma_start3A_1929 = tpu.memref_slice %run_scoped3A_3[%dma_start3A_1925, %dma_start3A_1926, %dma_start3A_1927, %dma_start3A_1928] : memref<3x4x128x64xf32, #tpu.memory_space<vmem>> -> memref<1x1x128x64xf32, #tpu.memory_space<vmem>>
        %dma_start3A_1930 = tpu.memref_squeeze %dma_start3A_1929 : memref<1x1x128x64xf32, #tpu.memory_space<vmem>> -> memref<128x64xf32, #tpu.memory_space<vmem>>
        %dma_start3A_1931 = arith.constant 0 : i32
        %dma_start3A_1932 = tpu.memref_slice %arg4[%add3A_1924, %dma_start3A_1931] : memref<819200x64xf32, #tpu.memory_space<hbm>> -> memref<128x64xf32, #tpu.memory_space<hbm>>
        %dma_start3A_1933 = arith.constant 0 : i32
        %dma_start3A_1934 = tpu.memref_slice %arg4[%add3A_1924, %dma_start3A_1933] : memref<819200x64xf32, #tpu.memory_space<hbm>> -> memref<128x64xf32, #tpu.memory_space<hbm>>
        %dma_start3A_1935 = arith.constant 0 : i32
        %dma_start3A_1936 = arith.constant 0 : i32
        %dma_start3A_1937 = tpu.memref_slice %run_scoped3A_3[%dma_start3A_1925, %dma_start3A_1926, %dma_start3A_1935, %dma_start3A_1936] : memref<3x4x128x64xf32, #tpu.memory_space<vmem>> -> memref<1x1x128x64xf32, #tpu.memory_space<vmem>>
        %dma_start3A_1938 = tpu.memref_squeeze %dma_start3A_1937 : memref<1x1x128x64xf32, #tpu.memory_space<vmem>> -> memref<128x64xf32, #tpu.memory_space<vmem>>
        tpu.enqueue_dma source(%dma_start3A_1938 : memref<128x64xf32, #tpu.memory_space<vmem>>) target(%dma_start3A_1934 : memref<128x64xf32, #tpu.memory_space<hbm>>) target_semaphore(%run_scoped3A_8 : memref<!tpu.dma_semaphore, #tpu.memory_space<semaphore_mem>>)
        %mul3A_1939 = arith.constant 4 : i32
        %mul3A_1940 = arith.muli %add3A_1701, %mul3A_1939 : i32
        %add3A_1941 = arith.constant 1 : i32
        %add3A_1942 = arith.addi %mul3A_1940, %add3A_1941 : i32
        %mul3A_1943 = arith.constant 128 : i32
        %mul3A_1944 = arith.muli %add3A_1942, %mul3A_1943 : i32
        %add3A_1945 = arith.addi %mul3A_2, %mul3A_1944 : i32
        %dma_start3A_1946 = arith.constant 1 : i32
        %dma_start3A_1947 = arith.constant 1 : i32
        %dma_start3A_1948 = arith.constant 0 : i32
        %dma_start3A_1949 = arith.constant 0 : i32
        %dma_start3A_1950 = tpu.memref_slice %run_scoped3A_3[%dma_start3A_1946, %dma_start3A_1947, %dma_start3A_1948, %dma_start3A_1949] : memref<3x4x128x64xf32, #tpu.memory_space<vmem>> -> memref<1x1x128x64xf32, #tpu.memory_space<vmem>>
        %dma_start3A_1951 = tpu.memref_squeeze %dma_start3A_1950 : memref<1x1x128x64xf32, #tpu.memory_space<vmem>> -> memref<128x64xf32, #tpu.memory_space<vmem>>
        %dma_start3A_1952 = arith.constant 0 : i32
        %dma_start3A_1953 = tpu.memref_slice %arg4[%add3A_1945, %dma_start3A_1952] : memref<819200x64xf32, #tpu.memory_space<hbm>> -> memref<128x64xf32, #tpu.memory_space<hbm>>
        %dma_start3A_1954 = arith.constant 0 : i32
        %dma_start3A_1955 = tpu.memref_slice %arg4[%add3A_1945, %dma_start3A_1954] : memref<819200x64xf32, #tpu.memory_space<hbm>> -> memref<128x64xf32, #tpu.memory_space<hbm>>
        %dma_start3A_1956 = arith.constant 0 : i32
        %dma_start3A_1957 = arith.constant 0 : i32
        %dma_start3A_1958 = tpu.memref_slice %run_scoped3A_3[%dma_start3A_1946, %dma_start3A_1947, %dma_start3A_1956, %dma_start3A_1957] : memref<3x4x128x64xf32, #tpu.memory_space<vmem>> -> memref<1x1x128x64xf32, #tpu.memory_space<vmem>>
        %dma_start3A_1959 = tpu.memref_squeeze %dma_start3A_1958 : memref<1x1x128x64xf32, #tpu.memory_space<vmem>> -> memref<128x64xf32, #tpu.memory_space<vmem>>
        tpu.enqueue_dma source(%dma_start3A_1959 : memref<128x64xf32, #tpu.memory_space<vmem>>) target(%dma_start3A_1955 : memref<128x64xf32, #tpu.memory_space<hbm>>) target_semaphore(%run_scoped3A_8 : memref<!tpu.dma_semaphore, #tpu.memory_space<semaphore_mem>>)
        %mul3A_1960 = arith.constant 4 : i32
        %mul3A_1961 = arith.muli %add3A_1701, %mul3A_1960 : i32
        %add3A_1962 = arith.constant 2 : i32
        %add3A_1963 = arith.addi %mul3A_1961, %add3A_1962 : i32
        %mul3A_1964 = arith.constant 128 : i32
        %mul3A_1965 = arith.muli %add3A_1963, %mul3A_1964 : i32
        %add3A_1966 = arith.addi %mul3A_2, %mul3A_1965 : i32
        %dma_start3A_1967 = arith.constant 1 : i32
        %dma_start3A_1968 = arith.constant 2 : i32
        %dma_start3A_1969 = arith.constant 0 : i32
        %dma_start3A_1970 = arith.constant 0 : i32
        %dma_start3A_1971 = tpu.memref_slice %run_scoped3A_3[%dma_start3A_1967, %dma_start3A_1968, %dma_start3A_1969, %dma_start3A_1970] : memref<3x4x128x64xf32, #tpu.memory_space<vmem>> -> memref<1x1x128x64xf32, #tpu.memory_space<vmem>>
        %dma_start3A_1972 = tpu.memref_squeeze %dma_start3A_1971 : memref<1x1x128x64xf32, #tpu.memory_space<vmem>> -> memref<128x64xf32, #tpu.memory_space<vmem>>
        %dma_start3A_1973 = arith.constant 0 : i32
        %dma_start3A_1974 = tpu.memref_slice %arg4[%add3A_1966, %dma_start3A_1973] : memref<819200x64xf32, #tpu.memory_space<hbm>> -> memref<128x64xf32, #tpu.memory_space<hbm>>
        %dma_start3A_1975 = arith.constant 0 : i32
        %dma_start3A_1976 = tpu.memref_slice %arg4[%add3A_1966, %dma_start3A_1975] : memref<819200x64xf32, #tpu.memory_space<hbm>> -> memref<128x64xf32, #tpu.memory_space<hbm>>
        %dma_start3A_1977 = arith.constant 0 : i32
        %dma_start3A_1978 = arith.constant 0 : i32
        %dma_start3A_1979 = tpu.memref_slice %run_scoped3A_3[%dma_start3A_1967, %dma_start3A_1968, %dma_start3A_1977, %dma_start3A_1978] : memref<3x4x128x64xf32, #tpu.memory_space<vmem>> -> memref<1x1x128x64xf32, #tpu.memory_space<vmem>>
        %dma_start3A_1980 = tpu.memref_squeeze %dma_start3A_1979 : memref<1x1x128x64xf32, #tpu.memory_space<vmem>> -> memref<128x64xf32, #tpu.memory_space<vmem>>
        tpu.enqueue_dma source(%dma_start3A_1980 : memref<128x64xf32, #tpu.memory_space<vmem>>) target(%dma_start3A_1976 : memref<128x64xf32, #tpu.memory_space<hbm>>) target_semaphore(%run_scoped3A_8 : memref<!tpu.dma_semaphore, #tpu.memory_space<semaphore_mem>>)
        %mul3A_1981 = arith.constant 4 : i32
        %mul3A_1982 = arith.muli %add3A_1701, %mul3A_1981 : i32
        %add3A_1983 = arith.constant 3 : i32
        %add3A_1984 = arith.addi %mul3A_1982, %add3A_1983 : i32
        %mul3A_1985 = arith.constant 128 : i32
        %mul3A_1986 = arith.muli %add3A_1984, %mul3A_1985 : i32
        %add3A_1987 = arith.addi %mul3A_2, %mul3A_1986 : i32
        %dma_start3A_1988 = arith.constant 1 : i32
        %dma_start3A_1989 = arith.constant 3 : i32
        %dma_start3A_1990 = arith.constant 0 : i32
        %dma_start3A_1991 = arith.constant 0 : i32
        %dma_start3A_1992 = tpu.memref_slice %run_scoped3A_3[%dma_start3A_1988, %dma_start3A_1989, %dma_start3A_1990, %dma_start3A_1991] : memref<3x4x128x64xf32, #tpu.memory_space<vmem>> -> memref<1x1x128x64xf32, #tpu.memory_space<vmem>>
        %dma_start3A_1993 = tpu.memref_squeeze %dma_start3A_1992 : memref<1x1x128x64xf32, #tpu.memory_space<vmem>> -> memref<128x64xf32, #tpu.memory_space<vmem>>
        %dma_start3A_1994 = arith.constant 0 : i32
        %dma_start3A_1995 = tpu.memref_slice %arg4[%add3A_1987, %dma_start3A_1994] : memref<819200x64xf32, #tpu.memory_space<hbm>> -> memref<128x64xf32, #tpu.memory_space<hbm>>
        %dma_start3A_1996 = arith.constant 0 : i32
        %dma_start3A_1997 = tpu.memref_slice %arg4[%add3A_1987, %dma_start3A_1996] : memref<819200x64xf32, #tpu.memory_space<hbm>> -> memref<128x64xf32, #tpu.memory_space<hbm>>
        %dma_start3A_1998 = arith.constant 0 : i32
        %dma_start3A_1999 = arith.constant 0 : i32
        %dma_start3A_2000 = tpu.memref_slice %run_scoped3A_3[%dma_start3A_1988, %dma_start3A_1989, %dma_start3A_1998, %dma_start3A_1999] : memref<3x4x128x64xf32, #tpu.memory_space<vmem>> -> memref<1x1x128x64xf32, #tpu.memory_space<vmem>>
        %dma_start3A_2001 = tpu.memref_squeeze %dma_start3A_2000 : memref<1x1x128x64xf32, #tpu.memory_space<vmem>> -> memref<128x64xf32, #tpu.memory_space<vmem>>
        tpu.enqueue_dma source(%dma_start3A_2001 : memref<128x64xf32, #tpu.memory_space<vmem>>) target(%dma_start3A_1997 : memref<128x64xf32, #tpu.memory_space<hbm>>) target_semaphore(%run_scoped3A_8 : memref<!tpu.dma_semaphore, #tpu.memory_space<semaphore_mem>>)
      }
      %scan3A_359 = arith.constant 15 : i32
      %add3A_360 = arith.constant 23040 : i32
      %add3A_361 = arith.addi %mul3A_2, %add3A_360 : i32
      %dma_wait3A_362 = arith.constant 0 : i32
      %dma_wait3A_363 = arith.constant 0 : i32
      %dma_wait3A_364 = arith.constant 0 : i32
      %dma_wait3A_365 = arith.constant 0 : i32
      %dma_wait3A_366 = tpu.memref_slice %run_scoped3A_3[%dma_wait3A_362, %dma_wait3A_363, %dma_wait3A_364, %dma_wait3A_365] : memref<3x4x128x64xf32, #tpu.memory_space<vmem>> -> memref<1x1x128x64xf32, #tpu.memory_space<vmem>>
      %dma_wait3A_367 = tpu.memref_squeeze %dma_wait3A_366 : memref<1x1x128x64xf32, #tpu.memory_space<vmem>> -> memref<128x64xf32, #tpu.memory_space<vmem>>
      %dma_wait3A_368 = arith.constant 0 : i32
      %dma_wait3A_369 = tpu.memref_slice %arg4[%add3A_361, %dma_wait3A_368] : memref<819200x64xf32, #tpu.memory_space<hbm>> -> memref<128x64xf32, #tpu.memory_space<hbm>>
      %dma_wait3A_370 = arith.constant 0 : i32
      %dma_wait3A_371 = tpu.memref_slice %arg4[%add3A_361, %dma_wait3A_370] : memref<819200x64xf32, #tpu.memory_space<hbm>> -> memref<128x64xf32, #tpu.memory_space<hbm>>
      %dma_wait3A_372 = arith.constant 0 : i32
      %dma_wait3A_373 = arith.constant 0 : i32
      %dma_wait3A_374 = tpu.memref_slice %run_scoped3A_3[%dma_wait3A_362, %dma_wait3A_363, %dma_wait3A_372, %dma_wait3A_373] : memref<3x4x128x64xf32, #tpu.memory_space<vmem>> -> memref<1x1x128x64xf32, #tpu.memory_space<vmem>>
      %dma_wait3A_375 = tpu.memref_squeeze %dma_wait3A_374 : memref<1x1x128x64xf32, #tpu.memory_space<vmem>> -> memref<128x64xf32, #tpu.memory_space<vmem>>
      tpu.wait_dma2 semaphore(%run_scoped3A_7 : memref<!tpu.dma_semaphore, #tpu.memory_space<semaphore_mem>>) src(%dma_wait3A_375 : memref<128x64xf32, #tpu.memory_space<vmem>>) dst(%dma_wait3A_371 : memref<128x64xf32, #tpu.memory_space<hbm>>)
      %add3A_376 = arith.constant 23168 : i32
      %add3A_377 = arith.addi %mul3A_2, %add3A_376 : i32
      %dma_wait3A_378 = arith.constant 0 : i32
      %dma_wait3A_379 = arith.constant 1 : i32
      %dma_wait3A_380 = arith.constant 0 : i32
      %dma_wait3A_381 = arith.constant 0 : i32
      %dma_wait3A_382 = tpu.memref_slice %run_scoped3A_3[%dma_wait3A_378, %dma_wait3A_379, %dma_wait3A_380, %dma_wait3A_381] : memref<3x4x128x64xf32, #tpu.memory_space<vmem>> -> memref<1x1x128x64xf32, #tpu.memory_space<vmem>>
      %dma_wait3A_383 = tpu.memref_squeeze %dma_wait3A_382 : memref<1x1x128x64xf32, #tpu.memory_space<vmem>> -> memref<128x64xf32, #tpu.memory_space<vmem>>
      %dma_wait3A_384 = arith.constant 0 : i32
      %dma_wait3A_385 = tpu.memref_slice %arg4[%add3A_377, %dma_wait3A_384] : memref<819200x64xf32, #tpu.memory_space<hbm>> -> memref<128x64xf32, #tpu.memory_space<hbm>>
      %dma_wait3A_386 = arith.constant 0 : i32
      %dma_wait3A_387 = tpu.memref_slice %arg4[%add3A_377, %dma_wait3A_386] : memref<819200x64xf32, #tpu.memory_space<hbm>> -> memref<128x64xf32, #tpu.memory_space<hbm>>
      %dma_wait3A_388 = arith.constant 0 : i32
      %dma_wait3A_389 = arith.constant 0 : i32
      %dma_wait3A_390 = tpu.memref_slice %run_scoped3A_3[%dma_wait3A_378, %dma_wait3A_379, %dma_wait3A_388, %dma_wait3A_389] : memref<3x4x128x64xf32, #tpu.memory_space<vmem>> -> memref<1x1x128x64xf32, #tpu.memory_space<vmem>>
      %dma_wait3A_391 = tpu.memref_squeeze %dma_wait3A_390 : memref<1x1x128x64xf32, #tpu.memory_space<vmem>> -> memref<128x64xf32, #tpu.memory_space<vmem>>
      tpu.wait_dma2 semaphore(%run_scoped3A_7 : memref<!tpu.dma_semaphore, #tpu.memory_space<semaphore_mem>>) src(%dma_wait3A_391 : memref<128x64xf32, #tpu.memory_space<vmem>>) dst(%dma_wait3A_387 : memref<128x64xf32, #tpu.memory_space<hbm>>)
      %add3A_392 = arith.constant 23296 : i32
      %add3A_393 = arith.addi %mul3A_2, %add3A_392 : i32
      %dma_wait3A_394 = arith.constant 0 : i32
      %dma_wait3A_395 = arith.constant 2 : i32
      %dma_wait3A_396 = arith.constant 0 : i32
      %dma_wait3A_397 = arith.constant 0 : i32
      %dma_wait3A_398 = tpu.memref_slice %run_scoped3A_3[%dma_wait3A_394, %dma_wait3A_395, %dma_wait3A_396, %dma_wait3A_397] : memref<3x4x128x64xf32, #tpu.memory_space<vmem>> -> memref<1x1x128x64xf32, #tpu.memory_space<vmem>>
      %dma_wait3A_399 = tpu.memref_squeeze %dma_wait3A_398 : memref<1x1x128x64xf32, #tpu.memory_space<vmem>> -> memref<128x64xf32, #tpu.memory_space<vmem>>
      %dma_wait3A_400 = arith.constant 0 : i32
      %dma_wait3A_401 = tpu.memref_slice %arg4[%add3A_393, %dma_wait3A_400] : memref<819200x64xf32, #tpu.memory_space<hbm>> -> memref<128x64xf32, #tpu.memory_space<hbm>>
      %dma_wait3A_402 = arith.constant 0 : i32
      %dma_wait3A_403 = tpu.memref_slice %arg4[%add3A_393, %dma_wait3A_402] : memref<819200x64xf32, #tpu.memory_space<hbm>> -> memref<128x64xf32, #tpu.memory_space<hbm>>
      %dma_wait3A_404 = arith.constant 0 : i32
      %dma_wait3A_405 = arith.constant 0 : i32
      %dma_wait3A_406 = tpu.memref_slice %run_scoped3A_3[%dma_wait3A_394, %dma_wait3A_395, %dma_wait3A_404, %dma_wait3A_405] : memref<3x4x128x64xf32, #tpu.memory_space<vmem>> -> memref<1x1x128x64xf32, #tpu.memory_space<vmem>>
      %dma_wait3A_407 = tpu.memref_squeeze %dma_wait3A_406 : memref<1x1x128x64xf32, #tpu.memory_space<vmem>> -> memref<128x64xf32, #tpu.memory_space<vmem>>
      tpu.wait_dma2 semaphore(%run_scoped3A_7 : memref<!tpu.dma_semaphore, #tpu.memory_space<semaphore_mem>>) src(%dma_wait3A_407 : memref<128x64xf32, #tpu.memory_space<vmem>>) dst(%dma_wait3A_403 : memref<128x64xf32, #tpu.memory_space<hbm>>)
      %add3A_408 = arith.constant 23424 : i32
      %add3A_409 = arith.addi %mul3A_2, %add3A_408 : i32
      %dma_wait3A_410 = arith.constant 0 : i32
      %dma_wait3A_411 = arith.constant 3 : i32
      %dma_wait3A_412 = arith.constant 0 : i32
      %dma_wait3A_413 = arith.constant 0 : i32
      %dma_wait3A_414 = tpu.memref_slice %run_scoped3A_3[%dma_wait3A_410, %dma_wait3A_411, %dma_wait3A_412, %dma_wait3A_413] : memref<3x4x128x64xf32, #tpu.memory_space<vmem>> -> memref<1x1x128x64xf32, #tpu.memory_space<vmem>>
      %dma_wait3A_415 = tpu.memref_squeeze %dma_wait3A_414 : memref<1x1x128x64xf32, #tpu.memory_space<vmem>> -> memref<128x64xf32, #tpu.memory_space<vmem>>
      %dma_wait3A_416 = arith.constant 0 : i32
      %dma_wait3A_417 = tpu.memref_slice %arg4[%add3A_409, %dma_wait3A_416] : memref<819200x64xf32, #tpu.memory_space<hbm>> -> memref<128x64xf32, #tpu.memory_space<hbm>>
      %dma_wait3A_418 = arith.constant 0 : i32
      %dma_wait3A_419 = tpu.memref_slice %arg4[%add3A_409, %dma_wait3A_418] : memref<819200x64xf32, #tpu.memory_space<hbm>> -> memref<128x64xf32, #tpu.memory_space<hbm>>
      %dma_wait3A_420 = arith.constant 0 : i32
      %dma_wait3A_421 = arith.constant 0 : i32
      %dma_wait3A_422 = tpu.memref_slice %run_scoped3A_3[%dma_wait3A_410, %dma_wait3A_411, %dma_wait3A_420, %dma_wait3A_421] : memref<3x4x128x64xf32, #tpu.memory_space<vmem>> -> memref<1x1x128x64xf32, #tpu.memory_space<vmem>>
      %dma_wait3A_423 = tpu.memref_squeeze %dma_wait3A_422 : memref<1x1x128x64xf32, #tpu.memory_space<vmem>> -> memref<128x64xf32, #tpu.memory_space<vmem>>
      tpu.wait_dma2 semaphore(%run_scoped3A_7 : memref<!tpu.dma_semaphore, #tpu.memory_space<semaphore_mem>>) src(%dma_wait3A_423 : memref<128x64xf32, #tpu.memory_space<vmem>>) dst(%dma_wait3A_419 : memref<128x64xf32, #tpu.memory_space<hbm>>)
      %dma_start3A_424 = arith.constant 0 : i32
      %dma_start3A_425 = arith.constant 0 : i32
      %dma_start3A_426 = arith.constant 0 : i32
      %dma_start3A_427 = arith.constant 0 : i32
      %dma_start3A_428 = tpu.memref_slice %run_scoped3A_3[%dma_start3A_424, %dma_start3A_425, %dma_start3A_426, %dma_start3A_427] : memref<3x4x128x64xf32, #tpu.memory_space<vmem>> -> memref<1x1x128x64xf32, #tpu.memory_space<vmem>>
      %dma_start3A_429 = tpu.memref_squeeze %dma_start3A_428 : memref<1x1x128x64xf32, #tpu.memory_space<vmem>> -> memref<128x64xf32, #tpu.memory_space<vmem>>
      %dma_start3A_430 = arith.constant 24576 : i32
      %dma_start3A_431 = tpu.memref_slice %run_scoped3A[%dma_start3A_430] : memref<25600xi32, #tpu.memory_space<vmem>> -> memref<128xi32, #tpu.memory_space<vmem>>
      %dma_start3A_432 = arith.constant 0 : i32
      %dma_start3A_433 = arith.constant 0 : i32
      %dma_start3A_434 = tpu.memref_slice %arg3[%dma_start3A_432, %dma_start3A_433] : memref<1000000x64xf32, #tpu.memory_space<hbm>> -> memref<1000000x64xf32, #tpu.memory_space<hbm>>
      tpu.enqueue_indirect_dma source(%dma_start3A_434 : memref<1000000x64xf32, #tpu.memory_space<hbm>>) target(%dma_start3A_429 : memref<128x64xf32, #tpu.memory_space<vmem>>) offsets(%dma_start3A_431 : memref<128xi32, #tpu.memory_space<vmem>>) semaphore(%run_scoped3A_4 : memref<!tpu.dma_semaphore, #tpu.memory_space<semaphore_mem>>)
      %dma_start3A_435 = arith.constant 0 : i32
      %dma_start3A_436 = arith.constant 1 : i32
      %dma_start3A_437 = arith.constant 0 : i32
      %dma_start3A_438 = arith.constant 0 : i32
      %dma_start3A_439 = tpu.memref_slice %run_scoped3A_3[%dma_start3A_435, %dma_start3A_436, %dma_start3A_437, %dma_start3A_438] : memref<3x4x128x64xf32, #tpu.memory_space<vmem>> -> memref<1x1x128x64xf32, #tpu.memory_space<vmem>>
      %dma_start3A_440 = tpu.memref_squeeze %dma_start3A_439 : memref<1x1x128x64xf32, #tpu.memory_space<vmem>> -> memref<128x64xf32, #tpu.memory_space<vmem>>
      %dma_start3A_441 = arith.constant 24704 : i32
      %dma_start3A_442 = tpu.memref_slice %run_scoped3A[%dma_start3A_441] : memref<25600xi32, #tpu.memory_space<vmem>> -> memref<128xi32, #tpu.memory_space<vmem>>
      %dma_start3A_443 = arith.constant 0 : i32
      %dma_start3A_444 = arith.constant 0 : i32
      %dma_start3A_445 = tpu.memref_slice %arg3[%dma_start3A_443, %dma_start3A_444] : memref<1000000x64xf32, #tpu.memory_space<hbm>> -> memref<1000000x64xf32, #tpu.memory_space<hbm>>
      tpu.enqueue_indirect_dma source(%dma_start3A_445 : memref<1000000x64xf32, #tpu.memory_space<hbm>>) target(%dma_start3A_440 : memref<128x64xf32, #tpu.memory_space<vmem>>) offsets(%dma_start3A_442 : memref<128xi32, #tpu.memory_space<vmem>>) semaphore(%run_scoped3A_4 : memref<!tpu.dma_semaphore, #tpu.memory_space<semaphore_mem>>)
      %dma_start3A_446 = arith.constant 0 : i32
      %dma_start3A_447 = arith.constant 2 : i32
      %dma_start3A_448 = arith.constant 0 : i32
      %dma_start3A_449 = arith.constant 0 : i32
      %dma_start3A_450 = tpu.memref_slice %run_scoped3A_3[%dma_start3A_446, %dma_start3A_447, %dma_start3A_448, %dma_start3A_449] : memref<3x4x128x64xf32, #tpu.memory_space<vmem>> -> memref<1x1x128x64xf32, #tpu.memory_space<vmem>>
      %dma_start3A_451 = tpu.memref_squeeze %dma_start3A_450 : memref<1x1x128x64xf32, #tpu.memory_space<vmem>> -> memref<128x64xf32, #tpu.memory_space<vmem>>
      %dma_start3A_452 = arith.constant 24832 : i32
      %dma_start3A_453 = tpu.memref_slice %run_scoped3A[%dma_start3A_452] : memref<25600xi32, #tpu.memory_space<vmem>> -> memref<128xi32, #tpu.memory_space<vmem>>
      %dma_start3A_454 = arith.constant 0 : i32
      %dma_start3A_455 = arith.constant 0 : i32
      %dma_start3A_456 = tpu.memref_slice %arg3[%dma_start3A_454, %dma_start3A_455] : memref<1000000x64xf32, #tpu.memory_space<hbm>> -> memref<1000000x64xf32, #tpu.memory_space<hbm>>
      tpu.enqueue_indirect_dma source(%dma_start3A_456 : memref<1000000x64xf32, #tpu.memory_space<hbm>>) target(%dma_start3A_451 : memref<128x64xf32, #tpu.memory_space<vmem>>) offsets(%dma_start3A_453 : memref<128xi32, #tpu.memory_space<vmem>>) semaphore(%run_scoped3A_4 : memref<!tpu.dma_semaphore, #tpu.memory_space<semaphore_mem>>)
      %dma_start3A_457 = arith.constant 0 : i32
      %dma_start3A_458 = arith.constant 3 : i32
      %dma_start3A_459 = arith.constant 0 : i32
      %dma_start3A_460 = arith.constant 0 : i32
      %dma_start3A_461 = tpu.memref_slice %run_scoped3A_3[%dma_start3A_457, %dma_start3A_458, %dma_start3A_459, %dma_start3A_460] : memref<3x4x128x64xf32, #tpu.memory_space<vmem>> -> memref<1x1x128x64xf32, #tpu.memory_space<vmem>>
      %dma_start3A_462 = tpu.memref_squeeze %dma_start3A_461 : memref<1x1x128x64xf32, #tpu.memory_space<vmem>> -> memref<128x64xf32, #tpu.memory_space<vmem>>
      %dma_start3A_463 = arith.constant 24960 : i32
      %dma_start3A_464 = tpu.memref_slice %run_scoped3A[%dma_start3A_463] : memref<25600xi32, #tpu.memory_space<vmem>> -> memref<128xi32, #tpu.memory_space<vmem>>
      %dma_start3A_465 = arith.constant 0 : i32
      %dma_start3A_466 = arith.constant 0 : i32
      %dma_start3A_467 = tpu.memref_slice %arg3[%dma_start3A_465, %dma_start3A_466] : memref<1000000x64xf32, #tpu.memory_space<hbm>> -> memref<1000000x64xf32, #tpu.memory_space<hbm>>
      tpu.enqueue_indirect_dma source(%dma_start3A_467 : memref<1000000x64xf32, #tpu.memory_space<hbm>>) target(%dma_start3A_462 : memref<128x64xf32, #tpu.memory_space<vmem>>) offsets(%dma_start3A_464 : memref<128xi32, #tpu.memory_space<vmem>>) semaphore(%run_scoped3A_4 : memref<!tpu.dma_semaphore, #tpu.memory_space<semaphore_mem>>)
      %dma_wait3A_468 = arith.constant 2 : i32
      %dma_wait3A_469 = arith.constant 0 : i32
      %dma_wait3A_470 = arith.constant 0 : i32
      %dma_wait3A_471 = arith.constant 0 : i32
      %dma_wait3A_472 = tpu.memref_slice %run_scoped3A_3[%dma_wait3A_468, %dma_wait3A_469, %dma_wait3A_470, %dma_wait3A_471] : memref<3x4x128x64xf32, #tpu.memory_space<vmem>> -> memref<1x1x128x64xf32, #tpu.memory_space<vmem>>
      %dma_wait3A_473 = tpu.memref_squeeze %dma_wait3A_472 : memref<1x1x128x64xf32, #tpu.memory_space<vmem>> -> memref<128x64xf32, #tpu.memory_space<vmem>>
      %dma_wait3A_474 = arith.constant 24064 : i32
      %dma_wait3A_475 = tpu.memref_slice %run_scoped3A[%dma_wait3A_474] : memref<25600xi32, #tpu.memory_space<vmem>> -> memref<128xi32, #tpu.memory_space<vmem>>
      %dma_wait3A_476 = arith.constant 0 : i32
      %dma_wait3A_477 = arith.constant 0 : i32
      %dma_wait3A_478 = tpu.memref_slice %arg3[%dma_wait3A_476, %dma_wait3A_477] : memref<1000000x64xf32, #tpu.memory_space<hbm>> -> memref<1000000x64xf32, #tpu.memory_space<hbm>>
      tpu.wait_indirect_dma semaphore(%run_scoped3A_6 : memref<!tpu.dma_semaphore, #tpu.memory_space<semaphore_mem>>) src(%dma_wait3A_478 : memref<1000000x64xf32, #tpu.memory_space<hbm>>) dst(%dma_wait3A_473 : memref<128x64xf32, #tpu.memory_space<vmem>>)
      %dma_wait3A_479 = arith.constant 2 : i32
      %dma_wait3A_480 = arith.constant 1 : i32
      %dma_wait3A_481 = arith.constant 0 : i32
      %dma_wait3A_482 = arith.constant 0 : i32
      %dma_wait3A_483 = tpu.memref_slice %run_scoped3A_3[%dma_wait3A_479, %dma_wait3A_480, %dma_wait3A_481, %dma_wait3A_482] : memref<3x4x128x64xf32, #tpu.memory_space<vmem>> -> memref<1x1x128x64xf32, #tpu.memory_space<vmem>>
      %dma_wait3A_484 = tpu.memref_squeeze %dma_wait3A_483 : memref<1x1x128x64xf32, #tpu.memory_space<vmem>> -> memref<128x64xf32, #tpu.memory_space<vmem>>
      %dma_wait3A_485 = arith.constant 24192 : i32
      %dma_wait3A_486 = tpu.memref_slice %run_scoped3A[%dma_wait3A_485] : memref<25600xi32, #tpu.memory_space<vmem>> -> memref<128xi32, #tpu.memory_space<vmem>>
      %dma_wait3A_487 = arith.constant 0 : i32
      %dma_wait3A_488 = arith.constant 0 : i32
      %dma_wait3A_489 = tpu.memref_slice %arg3[%dma_wait3A_487, %dma_wait3A_488] : memref<1000000x64xf32, #tpu.memory_space<hbm>> -> memref<1000000x64xf32, #tpu.memory_space<hbm>>
      tpu.wait_indirect_dma semaphore(%run_scoped3A_6 : memref<!tpu.dma_semaphore, #tpu.memory_space<semaphore_mem>>) src(%dma_wait3A_489 : memref<1000000x64xf32, #tpu.memory_space<hbm>>) dst(%dma_wait3A_484 : memref<128x64xf32, #tpu.memory_space<vmem>>)
      %dma_wait3A_490 = arith.constant 2 : i32
      %dma_wait3A_491 = arith.constant 2 : i32
      %dma_wait3A_492 = arith.constant 0 : i32
      %dma_wait3A_493 = arith.constant 0 : i32
      %dma_wait3A_494 = tpu.memref_slice %run_scoped3A_3[%dma_wait3A_490, %dma_wait3A_491, %dma_wait3A_492, %dma_wait3A_493] : memref<3x4x128x64xf32, #tpu.memory_space<vmem>> -> memref<1x1x128x64xf32, #tpu.memory_space<vmem>>
      %dma_wait3A_495 = tpu.memref_squeeze %dma_wait3A_494 : memref<1x1x128x64xf32, #tpu.memory_space<vmem>> -> memref<128x64xf32, #tpu.memory_space<vmem>>
      %dma_wait3A_496 = arith.constant 24320 : i32
      %dma_wait3A_497 = tpu.memref_slice %run_scoped3A[%dma_wait3A_496] : memref<25600xi32, #tpu.memory_space<vmem>> -> memref<128xi32, #tpu.memory_space<vmem>>
      %dma_wait3A_498 = arith.constant 0 : i32
      %dma_wait3A_499 = arith.constant 0 : i32
      %dma_wait3A_500 = tpu.memref_slice %arg3[%dma_wait3A_498, %dma_wait3A_499] : memref<1000000x64xf32, #tpu.memory_space<hbm>> -> memref<1000000x64xf32, #tpu.memory_space<hbm>>
      tpu.wait_indirect_dma semaphore(%run_scoped3A_6 : memref<!tpu.dma_semaphore, #tpu.memory_space<semaphore_mem>>) src(%dma_wait3A_500 : memref<1000000x64xf32, #tpu.memory_space<hbm>>) dst(%dma_wait3A_495 : memref<128x64xf32, #tpu.memory_space<vmem>>)
      %dma_wait3A_501 = arith.constant 2 : i32
      %dma_wait3A_502 = arith.constant 3 : i32
      %dma_wait3A_503 = arith.constant 0 : i32
      %dma_wait3A_504 = arith.constant 0 : i32
      %dma_wait3A_505 = tpu.memref_slice %run_scoped3A_3[%dma_wait3A_501, %dma_wait3A_502, %dma_wait3A_503, %dma_wait3A_504] : memref<3x4x128x64xf32, #tpu.memory_space<vmem>> -> memref<1x1x128x64xf32, #tpu.memory_space<vmem>>
      %dma_wait3A_506 = tpu.memref_squeeze %dma_wait3A_505 : memref<1x1x128x64xf32, #tpu.memory_space<vmem>> -> memref<128x64xf32, #tpu.memory_space<vmem>>
      %dma_wait3A_507 = arith.constant 24448 : i32
      %dma_wait3A_508 = tpu.memref_slice %run_scoped3A[%dma_wait3A_507] : memref<25600xi32, #tpu.memory_space<vmem>> -> memref<128xi32, #tpu.memory_space<vmem>>
      %dma_wait3A_509 = arith.constant 0 : i32
      %dma_wait3A_510 = arith.constant 0 : i32
      %dma_wait3A_511 = tpu.memref_slice %arg3[%dma_wait3A_509, %dma_wait3A_510] : memref<1000000x64xf32, #tpu.memory_space<hbm>> -> memref<1000000x64xf32, #tpu.memory_space<hbm>>
      tpu.wait_indirect_dma semaphore(%run_scoped3A_6 : memref<!tpu.dma_semaphore, #tpu.memory_space<semaphore_mem>>) src(%dma_wait3A_511 : memref<1000000x64xf32, #tpu.memory_space<hbm>>) dst(%dma_wait3A_506 : memref<128x64xf32, #tpu.memory_space<vmem>>)
      %add3A_512 = arith.constant 24064 : i32
      %add3A_513 = arith.addi %mul3A_2, %add3A_512 : i32
      %dma_start3A_514 = arith.constant 2 : i32
      %dma_start3A_515 = arith.constant 0 : i32
      %dma_start3A_516 = arith.constant 0 : i32
      %dma_start3A_517 = arith.constant 0 : i32
      %dma_start3A_518 = tpu.memref_slice %run_scoped3A_3[%dma_start3A_514, %dma_start3A_515, %dma_start3A_516, %dma_start3A_517] : memref<3x4x128x64xf32, #tpu.memory_space<vmem>> -> memref<1x1x128x64xf32, #tpu.memory_space<vmem>>
      %dma_start3A_519 = tpu.memref_squeeze %dma_start3A_518 : memref<1x1x128x64xf32, #tpu.memory_space<vmem>> -> memref<128x64xf32, #tpu.memory_space<vmem>>
      %dma_start3A_520 = arith.constant 0 : i32
      %dma_start3A_521 = tpu.memref_slice %arg4[%add3A_513, %dma_start3A_520] : memref<819200x64xf32, #tpu.memory_space<hbm>> -> memref<128x64xf32, #tpu.memory_space<hbm>>
      %dma_start3A_522 = arith.constant 0 : i32
      %dma_start3A_523 = tpu.memref_slice %arg4[%add3A_513, %dma_start3A_522] : memref<819200x64xf32, #tpu.memory_space<hbm>> -> memref<128x64xf32, #tpu.memory_space<hbm>>
      %dma_start3A_524 = arith.constant 0 : i32
      %dma_start3A_525 = arith.constant 0 : i32
      %dma_start3A_526 = tpu.memref_slice %run_scoped3A_3[%dma_start3A_514, %dma_start3A_515, %dma_start3A_524, %dma_start3A_525] : memref<3x4x128x64xf32, #tpu.memory_space<vmem>> -> memref<1x1x128x64xf32, #tpu.memory_space<vmem>>
      %dma_start3A_527 = tpu.memref_squeeze %dma_start3A_526 : memref<1x1x128x64xf32, #tpu.memory_space<vmem>> -> memref<128x64xf32, #tpu.memory_space<vmem>>
      tpu.enqueue_dma source(%dma_start3A_527 : memref<128x64xf32, #tpu.memory_space<vmem>>) target(%dma_start3A_523 : memref<128x64xf32, #tpu.memory_space<hbm>>) target_semaphore(%run_scoped3A_9 : memref<!tpu.dma_semaphore, #tpu.memory_space<semaphore_mem>>)
      %add3A_528 = arith.constant 24192 : i32
      %add3A_529 = arith.addi %mul3A_2, %add3A_528 : i32
      %dma_start3A_530 = arith.constant 2 : i32
      %dma_start3A_531 = arith.constant 1 : i32
      %dma_start3A_532 = arith.constant 0 : i32
      %dma_start3A_533 = arith.constant 0 : i32
      %dma_start3A_534 = tpu.memref_slice %run_scoped3A_3[%dma_start3A_530, %dma_start3A_531, %dma_start3A_532, %dma_start3A_533] : memref<3x4x128x64xf32, #tpu.memory_space<vmem>> -> memref<1x1x128x64xf32, #tpu.memory_space<vmem>>
      %dma_start3A_535 = tpu.memref_squeeze %dma_start3A_534 : memref<1x1x128x64xf32, #tpu.memory_space<vmem>> -> memref<128x64xf32, #tpu.memory_space<vmem>>
      %dma_start3A_536 = arith.constant 0 : i32
      %dma_start3A_537 = tpu.memref_slice %arg4[%add3A_529, %dma_start3A_536] : memref<819200x64xf32, #tpu.memory_space<hbm>> -> memref<128x64xf32, #tpu.memory_space<hbm>>
      %dma_start3A_538 = arith.constant 0 : i32
      %dma_start3A_539 = tpu.memref_slice %arg4[%add3A_529, %dma_start3A_538] : memref<819200x64xf32, #tpu.memory_space<hbm>> -> memref<128x64xf32, #tpu.memory_space<hbm>>
      %dma_start3A_540 = arith.constant 0 : i32
      %dma_start3A_541 = arith.constant 0 : i32
      %dma_start3A_542 = tpu.memref_slice %run_scoped3A_3[%dma_start3A_530, %dma_start3A_531, %dma_start3A_540, %dma_start3A_541] : memref<3x4x128x64xf32, #tpu.memory_space<vmem>> -> memref<1x1x128x64xf32, #tpu.memory_space<vmem>>
      %dma_start3A_543 = tpu.memref_squeeze %dma_start3A_542 : memref<1x1x128x64xf32, #tpu.memory_space<vmem>> -> memref<128x64xf32, #tpu.memory_space<vmem>>
      tpu.enqueue_dma source(%dma_start3A_543 : memref<128x64xf32, #tpu.memory_space<vmem>>) target(%dma_start3A_539 : memref<128x64xf32, #tpu.memory_space<hbm>>) target_semaphore(%run_scoped3A_9 : memref<!tpu.dma_semaphore, #tpu.memory_space<semaphore_mem>>)
      %add3A_544 = arith.constant 24320 : i32
      %add3A_545 = arith.addi %mul3A_2, %add3A_544 : i32
      %dma_start3A_546 = arith.constant 2 : i32
      %dma_start3A_547 = arith.constant 2 : i32
      %dma_start3A_548 = arith.constant 0 : i32
      %dma_start3A_549 = arith.constant 0 : i32
      %dma_start3A_550 = tpu.memref_slice %run_scoped3A_3[%dma_start3A_546, %dma_start3A_547, %dma_start3A_548, %dma_start3A_549] : memref<3x4x128x64xf32, #tpu.memory_space<vmem>> -> memref<1x1x128x64xf32, #tpu.memory_space<vmem>>
      %dma_start3A_551 = tpu.memref_squeeze %dma_start3A_550 : memref<1x1x128x64xf32, #tpu.memory_space<vmem>> -> memref<128x64xf32, #tpu.memory_space<vmem>>
      %dma_start3A_552 = arith.constant 0 : i32
      %dma_start3A_553 = tpu.memref_slice %arg4[%add3A_545, %dma_start3A_552] : memref<819200x64xf32, #tpu.memory_space<hbm>> -> memref<128x64xf32, #tpu.memory_space<hbm>>
      %dma_start3A_554 = arith.constant 0 : i32
      %dma_start3A_555 = tpu.memref_slice %arg4[%add3A_545, %dma_start3A_554] : memref<819200x64xf32, #tpu.memory_space<hbm>> -> memref<128x64xf32, #tpu.memory_space<hbm>>
      %dma_start3A_556 = arith.constant 0 : i32
      %dma_start3A_557 = arith.constant 0 : i32
      %dma_start3A_558 = tpu.memref_slice %run_scoped3A_3[%dma_start3A_546, %dma_start3A_547, %dma_start3A_556, %dma_start3A_557] : memref<3x4x128x64xf32, #tpu.memory_space<vmem>> -> memref<1x1x128x64xf32, #tpu.memory_space<vmem>>
      %dma_start3A_559 = tpu.memref_squeeze %dma_start3A_558 : memref<1x1x128x64xf32, #tpu.memory_space<vmem>> -> memref<128x64xf32, #tpu.memory_space<vmem>>
      tpu.enqueue_dma source(%dma_start3A_559 : memref<128x64xf32, #tpu.memory_space<vmem>>) target(%dma_start3A_555 : memref<128x64xf32, #tpu.memory_space<hbm>>) target_semaphore(%run_scoped3A_9 : memref<!tpu.dma_semaphore, #tpu.memory_space<semaphore_mem>>)
      %add3A_560 = arith.constant 24448 : i32
      %add3A_561 = arith.addi %mul3A_2, %add3A_560 : i32
      %dma_start3A_562 = arith.constant 2 : i32
      %dma_start3A_563 = arith.constant 3 : i32
      %dma_start3A_564 = arith.constant 0 : i32
      %dma_start3A_565 = arith.constant 0 : i32
      %dma_start3A_566 = tpu.memref_slice %run_scoped3A_3[%dma_start3A_562, %dma_start3A_563, %dma_start3A_564, %dma_start3A_565] : memref<3x4x128x64xf32, #tpu.memory_space<vmem>> -> memref<1x1x128x64xf32, #tpu.memory_space<vmem>>
      %dma_start3A_567 = tpu.memref_squeeze %dma_start3A_566 : memref<1x1x128x64xf32, #tpu.memory_space<vmem>> -> memref<128x64xf32, #tpu.memory_space<vmem>>
      %dma_start3A_568 = arith.constant 0 : i32
      %dma_start3A_569 = tpu.memref_slice %arg4[%add3A_561, %dma_start3A_568] : memref<819200x64xf32, #tpu.memory_space<hbm>> -> memref<128x64xf32, #tpu.memory_space<hbm>>
      %dma_start3A_570 = arith.constant 0 : i32
      %dma_start3A_571 = tpu.memref_slice %arg4[%add3A_561, %dma_start3A_570] : memref<819200x64xf32, #tpu.memory_space<hbm>> -> memref<128x64xf32, #tpu.memory_space<hbm>>
      %dma_start3A_572 = arith.constant 0 : i32
      %dma_start3A_573 = arith.constant 0 : i32
      %dma_start3A_574 = tpu.memref_slice %run_scoped3A_3[%dma_start3A_562, %dma_start3A_563, %dma_start3A_572, %dma_start3A_573] : memref<3x4x128x64xf32, #tpu.memory_space<vmem>> -> memref<1x1x128x64xf32, #tpu.memory_space<vmem>>
      %dma_start3A_575 = tpu.memref_squeeze %dma_start3A_574 : memref<1x1x128x64xf32, #tpu.memory_space<vmem>> -> memref<128x64xf32, #tpu.memory_space<vmem>>
      tpu.enqueue_dma source(%dma_start3A_575 : memref<128x64xf32, #tpu.memory_space<vmem>>) target(%dma_start3A_571 : memref<128x64xf32, #tpu.memory_space<hbm>>) target_semaphore(%run_scoped3A_9 : memref<!tpu.dma_semaphore, #tpu.memory_space<semaphore_mem>>)
      %add3A_576 = arith.constant 23552 : i32
      %add3A_577 = arith.addi %mul3A_2, %add3A_576 : i32
      %dma_wait3A_578 = arith.constant 1 : i32
      %dma_wait3A_579 = arith.constant 0 : i32
      %dma_wait3A_580 = arith.constant 0 : i32
      %dma_wait3A_581 = arith.constant 0 : i32
      %dma_wait3A_582 = tpu.memref_slice %run_scoped3A_3[%dma_wait3A_578, %dma_wait3A_579, %dma_wait3A_580, %dma_wait3A_581] : memref<3x4x128x64xf32, #tpu.memory_space<vmem>> -> memref<1x1x128x64xf32, #tpu.memory_space<vmem>>
      %dma_wait3A_583 = tpu.memref_squeeze %dma_wait3A_582 : memref<1x1x128x64xf32, #tpu.memory_space<vmem>> -> memref<128x64xf32, #tpu.memory_space<vmem>>
      %dma_wait3A_584 = arith.constant 0 : i32
      %dma_wait3A_585 = tpu.memref_slice %arg4[%add3A_577, %dma_wait3A_584] : memref<819200x64xf32, #tpu.memory_space<hbm>> -> memref<128x64xf32, #tpu.memory_space<hbm>>
      %dma_wait3A_586 = arith.constant 0 : i32
      %dma_wait3A_587 = tpu.memref_slice %arg4[%add3A_577, %dma_wait3A_586] : memref<819200x64xf32, #tpu.memory_space<hbm>> -> memref<128x64xf32, #tpu.memory_space<hbm>>
      %dma_wait3A_588 = arith.constant 0 : i32
      %dma_wait3A_589 = arith.constant 0 : i32
      %dma_wait3A_590 = tpu.memref_slice %run_scoped3A_3[%dma_wait3A_578, %dma_wait3A_579, %dma_wait3A_588, %dma_wait3A_589] : memref<3x4x128x64xf32, #tpu.memory_space<vmem>> -> memref<1x1x128x64xf32, #tpu.memory_space<vmem>>
      %dma_wait3A_591 = tpu.memref_squeeze %dma_wait3A_590 : memref<1x1x128x64xf32, #tpu.memory_space<vmem>> -> memref<128x64xf32, #tpu.memory_space<vmem>>
      tpu.wait_dma2 semaphore(%run_scoped3A_8 : memref<!tpu.dma_semaphore, #tpu.memory_space<semaphore_mem>>) src(%dma_wait3A_591 : memref<128x64xf32, #tpu.memory_space<vmem>>) dst(%dma_wait3A_587 : memref<128x64xf32, #tpu.memory_space<hbm>>)
      %add3A_592 = arith.constant 23680 : i32
      %add3A_593 = arith.addi %mul3A_2, %add3A_592 : i32
      %dma_wait3A_594 = arith.constant 1 : i32
      %dma_wait3A_595 = arith.constant 1 : i32
      %dma_wait3A_596 = arith.constant 0 : i32
      %dma_wait3A_597 = arith.constant 0 : i32
      %dma_wait3A_598 = tpu.memref_slice %run_scoped3A_3[%dma_wait3A_594, %dma_wait3A_595, %dma_wait3A_596, %dma_wait3A_597] : memref<3x4x128x64xf32, #tpu.memory_space<vmem>> -> memref<1x1x128x64xf32, #tpu.memory_space<vmem>>
      %dma_wait3A_599 = tpu.memref_squeeze %dma_wait3A_598 : memref<1x1x128x64xf32, #tpu.memory_space<vmem>> -> memref<128x64xf32, #tpu.memory_space<vmem>>
      %dma_wait3A_600 = arith.constant 0 : i32
      %dma_wait3A_601 = tpu.memref_slice %arg4[%add3A_593, %dma_wait3A_600] : memref<819200x64xf32, #tpu.memory_space<hbm>> -> memref<128x64xf32, #tpu.memory_space<hbm>>
      %dma_wait3A_602 = arith.constant 0 : i32
      %dma_wait3A_603 = tpu.memref_slice %arg4[%add3A_593, %dma_wait3A_602] : memref<819200x64xf32, #tpu.memory_space<hbm>> -> memref<128x64xf32, #tpu.memory_space<hbm>>
      %dma_wait3A_604 = arith.constant 0 : i32
      %dma_wait3A_605 = arith.constant 0 : i32
      %dma_wait3A_606 = tpu.memref_slice %run_scoped3A_3[%dma_wait3A_594, %dma_wait3A_595, %dma_wait3A_604, %dma_wait3A_605] : memref<3x4x128x64xf32, #tpu.memory_space<vmem>> -> memref<1x1x128x64xf32, #tpu.memory_space<vmem>>
      %dma_wait3A_607 = tpu.memref_squeeze %dma_wait3A_606 : memref<1x1x128x64xf32, #tpu.memory_space<vmem>> -> memref<128x64xf32, #tpu.memory_space<vmem>>
      tpu.wait_dma2 semaphore(%run_scoped3A_8 : memref<!tpu.dma_semaphore, #tpu.memory_space<semaphore_mem>>) src(%dma_wait3A_607 : memref<128x64xf32, #tpu.memory_space<vmem>>) dst(%dma_wait3A_603 : memref<128x64xf32, #tpu.memory_space<hbm>>)
      %add3A_608 = arith.constant 23808 : i32
      %add3A_609 = arith.addi %mul3A_2, %add3A_608 : i32
      %dma_wait3A_610 = arith.constant 1 : i32
      %dma_wait3A_611 = arith.constant 2 : i32
      %dma_wait3A_612 = arith.constant 0 : i32
      %dma_wait3A_613 = arith.constant 0 : i32
      %dma_wait3A_614 = tpu.memref_slice %run_scoped3A_3[%dma_wait3A_610, %dma_wait3A_611, %dma_wait3A_612, %dma_wait3A_613] : memref<3x4x128x64xf32, #tpu.memory_space<vmem>> -> memref<1x1x128x64xf32, #tpu.memory_space<vmem>>
      %dma_wait3A_615 = tpu.memref_squeeze %dma_wait3A_614 : memref<1x1x128x64xf32, #tpu.memory_space<vmem>> -> memref<128x64xf32, #tpu.memory_space<vmem>>
      %dma_wait3A_616 = arith.constant 0 : i32
      %dma_wait3A_617 = tpu.memref_slice %arg4[%add3A_609, %dma_wait3A_616] : memref<819200x64xf32, #tpu.memory_space<hbm>> -> memref<128x64xf32, #tpu.memory_space<hbm>>
      %dma_wait3A_618 = arith.constant 0 : i32
      %dma_wait3A_619 = tpu.memref_slice %arg4[%add3A_609, %dma_wait3A_618] : memref<819200x64xf32, #tpu.memory_space<hbm>> -> memref<128x64xf32, #tpu.memory_space<hbm>>
      %dma_wait3A_620 = arith.constant 0 : i32
      %dma_wait3A_621 = arith.constant 0 : i32
      %dma_wait3A_622 = tpu.memref_slice %run_scoped3A_3[%dma_wait3A_610, %dma_wait3A_611, %dma_wait3A_620, %dma_wait3A_621] : memref<3x4x128x64xf32, #tpu.memory_space<vmem>> -> memref<1x1x128x64xf32, #tpu.memory_space<vmem>>
      %dma_wait3A_623 = tpu.memref_squeeze %dma_wait3A_622 : memref<1x1x128x64xf32, #tpu.memory_space<vmem>> -> memref<128x64xf32, #tpu.memory_space<vmem>>
      tpu.wait_dma2 semaphore(%run_scoped3A_8 : memref<!tpu.dma_semaphore, #tpu.memory_space<semaphore_mem>>) src(%dma_wait3A_623 : memref<128x64xf32, #tpu.memory_space<vmem>>) dst(%dma_wait3A_619 : memref<128x64xf32, #tpu.memory_space<hbm>>)
      %add3A_624 = arith.constant 23936 : i32
      %add3A_625 = arith.addi %mul3A_2, %add3A_624 : i32
      %dma_wait3A_626 = arith.constant 1 : i32
      %dma_wait3A_627 = arith.constant 3 : i32
      %dma_wait3A_628 = arith.constant 0 : i32
      %dma_wait3A_629 = arith.constant 0 : i32
      %dma_wait3A_630 = tpu.memref_slice %run_scoped3A_3[%dma_wait3A_626, %dma_wait3A_627, %dma_wait3A_628, %dma_wait3A_629] : memref<3x4x128x64xf32, #tpu.memory_space<vmem>> -> memref<1x1x128x64xf32, #tpu.memory_space<vmem>>
      %dma_wait3A_631 = tpu.memref_squeeze %dma_wait3A_630 : memref<1x1x128x64xf32, #tpu.memory_space<vmem>> -> memref<128x64xf32, #tpu.memory_space<vmem>>
      %dma_wait3A_632 = arith.constant 0 : i32
      %dma_wait3A_633 = tpu.memref_slice %arg4[%add3A_625, %dma_wait3A_632] : memref<819200x64xf32, #tpu.memory_space<hbm>> -> memref<128x64xf32, #tpu.memory_space<hbm>>
      %dma_wait3A_634 = arith.constant 0 : i32
      %dma_wait3A_635 = tpu.memref_slice %arg4[%add3A_625, %dma_wait3A_634] : memref<819200x64xf32, #tpu.memory_space<hbm>> -> memref<128x64xf32, #tpu.memory_space<hbm>>
      %dma_wait3A_636 = arith.constant 0 : i32
      %dma_wait3A_637 = arith.constant 0 : i32
      %dma_wait3A_638 = tpu.memref_slice %run_scoped3A_3[%dma_wait3A_626, %dma_wait3A_627, %dma_wait3A_636, %dma_wait3A_637] : memref<3x4x128x64xf32, #tpu.memory_space<vmem>> -> memref<1x1x128x64xf32, #tpu.memory_space<vmem>>
      %dma_wait3A_639 = tpu.memref_squeeze %dma_wait3A_638 : memref<1x1x128x64xf32, #tpu.memory_space<vmem>> -> memref<128x64xf32, #tpu.memory_space<vmem>>
      tpu.wait_dma2 semaphore(%run_scoped3A_8 : memref<!tpu.dma_semaphore, #tpu.memory_space<semaphore_mem>>) src(%dma_wait3A_639 : memref<128x64xf32, #tpu.memory_space<vmem>>) dst(%dma_wait3A_635 : memref<128x64xf32, #tpu.memory_space<hbm>>)
      %dma_start3A_640 = arith.constant 1 : i32
      %dma_start3A_641 = arith.constant 0 : i32
      %dma_start3A_642 = arith.constant 0 : i32
      %dma_start3A_643 = arith.constant 0 : i32
      %dma_start3A_644 = tpu.memref_slice %run_scoped3A_3[%dma_start3A_640, %dma_start3A_641, %dma_start3A_642, %dma_start3A_643] : memref<3x4x128x64xf32, #tpu.memory_space<vmem>> -> memref<1x1x128x64xf32, #tpu.memory_space<vmem>>
      %dma_start3A_645 = tpu.memref_squeeze %dma_start3A_644 : memref<1x1x128x64xf32, #tpu.memory_space<vmem>> -> memref<128x64xf32, #tpu.memory_space<vmem>>
      %dma_start3A_646 = arith.constant 25088 : i32
      %dma_start3A_647 = tpu.memref_slice %run_scoped3A[%dma_start3A_646] : memref<25600xi32, #tpu.memory_space<vmem>> -> memref<128xi32, #tpu.memory_space<vmem>>
      %dma_start3A_648 = arith.constant 0 : i32
      %dma_start3A_649 = arith.constant 0 : i32
      %dma_start3A_650 = tpu.memref_slice %arg3[%dma_start3A_648, %dma_start3A_649] : memref<1000000x64xf32, #tpu.memory_space<hbm>> -> memref<1000000x64xf32, #tpu.memory_space<hbm>>
      tpu.enqueue_indirect_dma source(%dma_start3A_650 : memref<1000000x64xf32, #tpu.memory_space<hbm>>) target(%dma_start3A_645 : memref<128x64xf32, #tpu.memory_space<vmem>>) offsets(%dma_start3A_647 : memref<128xi32, #tpu.memory_space<vmem>>) semaphore(%run_scoped3A_5 : memref<!tpu.dma_semaphore, #tpu.memory_space<semaphore_mem>>)
      %dma_start3A_651 = arith.constant 1 : i32
      %dma_start3A_652 = arith.constant 1 : i32
      %dma_start3A_653 = arith.constant 0 : i32
      %dma_start3A_654 = arith.constant 0 : i32
      %dma_start3A_655 = tpu.memref_slice %run_scoped3A_3[%dma_start3A_651, %dma_start3A_652, %dma_start3A_653, %dma_start3A_654] : memref<3x4x128x64xf32, #tpu.memory_space<vmem>> -> memref<1x1x128x64xf32, #tpu.memory_space<vmem>>
      %dma_start3A_656 = tpu.memref_squeeze %dma_start3A_655 : memref<1x1x128x64xf32, #tpu.memory_space<vmem>> -> memref<128x64xf32, #tpu.memory_space<vmem>>
      %dma_start3A_657 = arith.constant 25216 : i32
      %dma_start3A_658 = tpu.memref_slice %run_scoped3A[%dma_start3A_657] : memref<25600xi32, #tpu.memory_space<vmem>> -> memref<128xi32, #tpu.memory_space<vmem>>
      %dma_start3A_659 = arith.constant 0 : i32
      %dma_start3A_660 = arith.constant 0 : i32
      %dma_start3A_661 = tpu.memref_slice %arg3[%dma_start3A_659, %dma_start3A_660] : memref<1000000x64xf32, #tpu.memory_space<hbm>> -> memref<1000000x64xf32, #tpu.memory_space<hbm>>
      tpu.enqueue_indirect_dma source(%dma_start3A_661 : memref<1000000x64xf32, #tpu.memory_space<hbm>>) target(%dma_start3A_656 : memref<128x64xf32, #tpu.memory_space<vmem>>) offsets(%dma_start3A_658 : memref<128xi32, #tpu.memory_space<vmem>>) semaphore(%run_scoped3A_5 : memref<!tpu.dma_semaphore, #tpu.memory_space<semaphore_mem>>)
      %dma_start3A_662 = arith.constant 1 : i32
      %dma_start3A_663 = arith.constant 2 : i32
      %dma_start3A_664 = arith.constant 0 : i32
      %dma_start3A_665 = arith.constant 0 : i32
      %dma_start3A_666 = tpu.memref_slice %run_scoped3A_3[%dma_start3A_662, %dma_start3A_663, %dma_start3A_664, %dma_start3A_665] : memref<3x4x128x64xf32, #tpu.memory_space<vmem>> -> memref<1x1x128x64xf32, #tpu.memory_space<vmem>>
      %dma_start3A_667 = tpu.memref_squeeze %dma_start3A_666 : memref<1x1x128x64xf32, #tpu.memory_space<vmem>> -> memref<128x64xf32, #tpu.memory_space<vmem>>
      %dma_start3A_668 = arith.constant 25344 : i32
      %dma_start3A_669 = tpu.memref_slice %run_scoped3A[%dma_start3A_668] : memref<25600xi32, #tpu.memory_space<vmem>> -> memref<128xi32, #tpu.memory_space<vmem>>
      %dma_start3A_670 = arith.constant 0 : i32
      %dma_start3A_671 = arith.constant 0 : i32
      %dma_start3A_672 = tpu.memref_slice %arg3[%dma_start3A_670, %dma_start3A_671] : memref<1000000x64xf32, #tpu.memory_space<hbm>> -> memref<1000000x64xf32, #tpu.memory_space<hbm>>
      tpu.enqueue_indirect_dma source(%dma_start3A_672 : memref<1000000x64xf32, #tpu.memory_space<hbm>>) target(%dma_start3A_667 : memref<128x64xf32, #tpu.memory_space<vmem>>) offsets(%dma_start3A_669 : memref<128xi32, #tpu.memory_space<vmem>>) semaphore(%run_scoped3A_5 : memref<!tpu.dma_semaphore, #tpu.memory_space<semaphore_mem>>)
      %dma_start3A_673 = arith.constant 1 : i32
      %dma_start3A_674 = arith.constant 3 : i32
      %dma_start3A_675 = arith.constant 0 : i32
      %dma_start3A_676 = arith.constant 0 : i32
      %dma_start3A_677 = tpu.memref_slice %run_scoped3A_3[%dma_start3A_673, %dma_start3A_674, %dma_start3A_675, %dma_start3A_676] : memref<3x4x128x64xf32, #tpu.memory_space<vmem>> -> memref<1x1x128x64xf32, #tpu.memory_space<vmem>>
      %dma_start3A_678 = tpu.memref_squeeze %dma_start3A_677 : memref<1x1x128x64xf32, #tpu.memory_space<vmem>> -> memref<128x64xf32, #tpu.memory_space<vmem>>
      %dma_start3A_679 = arith.constant 25472 : i32
      %dma_start3A_680 = tpu.memref_slice %run_scoped3A[%dma_start3A_679] : memref<25600xi32, #tpu.memory_space<vmem>> -> memref<128xi32, #tpu.memory_space<vmem>>
      %dma_start3A_681 = arith.constant 0 : i32
      %dma_start3A_682 = arith.constant 0 : i32
      %dma_start3A_683 = tpu.memref_slice %arg3[%dma_start3A_681, %dma_start3A_682] : memref<1000000x64xf32, #tpu.memory_space<hbm>> -> memref<1000000x64xf32, #tpu.memory_space<hbm>>
      tpu.enqueue_indirect_dma source(%dma_start3A_683 : memref<1000000x64xf32, #tpu.memory_space<hbm>>) target(%dma_start3A_678 : memref<128x64xf32, #tpu.memory_space<vmem>>) offsets(%dma_start3A_680 : memref<128xi32, #tpu.memory_space<vmem>>) semaphore(%run_scoped3A_5 : memref<!tpu.dma_semaphore, #tpu.memory_space<semaphore_mem>>)
      %dma_wait3A_684 = arith.constant 0 : i32
      %dma_wait3A_685 = arith.constant 0 : i32
      %dma_wait3A_686 = arith.constant 0 : i32
      %dma_wait3A_687 = arith.constant 0 : i32
      %dma_wait3A_688 = tpu.memref_slice %run_scoped3A_3[%dma_wait3A_684, %dma_wait3A_685, %dma_wait3A_686, %dma_wait3A_687] : memref<3x4x128x64xf32, #tpu.memory_space<vmem>> -> memref<1x1x128x64xf32, #tpu.memory_space<vmem>>
      %dma_wait3A_689 = tpu.memref_squeeze %dma_wait3A_688 : memref<1x1x128x64xf32, #tpu.memory_space<vmem>> -> memref<128x64xf32, #tpu.memory_space<vmem>>
      %dma_wait3A_690 = arith.constant 24576 : i32
      %dma_wait3A_691 = tpu.memref_slice %run_scoped3A[%dma_wait3A_690] : memref<25600xi32, #tpu.memory_space<vmem>> -> memref<128xi32, #tpu.memory_space<vmem>>
      %dma_wait3A_692 = arith.constant 0 : i32
      %dma_wait3A_693 = arith.constant 0 : i32
      %dma_wait3A_694 = tpu.memref_slice %arg3[%dma_wait3A_692, %dma_wait3A_693] : memref<1000000x64xf32, #tpu.memory_space<hbm>> -> memref<1000000x64xf32, #tpu.memory_space<hbm>>
      tpu.wait_indirect_dma semaphore(%run_scoped3A_4 : memref<!tpu.dma_semaphore, #tpu.memory_space<semaphore_mem>>) src(%dma_wait3A_694 : memref<1000000x64xf32, #tpu.memory_space<hbm>>) dst(%dma_wait3A_689 : memref<128x64xf32, #tpu.memory_space<vmem>>)
      %dma_wait3A_695 = arith.constant 0 : i32
      %dma_wait3A_696 = arith.constant 1 : i32
      %dma_wait3A_697 = arith.constant 0 : i32
      %dma_wait3A_698 = arith.constant 0 : i32
      %dma_wait3A_699 = tpu.memref_slice %run_scoped3A_3[%dma_wait3A_695, %dma_wait3A_696, %dma_wait3A_697, %dma_wait3A_698] : memref<3x4x128x64xf32, #tpu.memory_space<vmem>> -> memref<1x1x128x64xf32, #tpu.memory_space<vmem>>
      %dma_wait3A_700 = tpu.memref_squeeze %dma_wait3A_699 : memref<1x1x128x64xf32, #tpu.memory_space<vmem>> -> memref<128x64xf32, #tpu.memory_space<vmem>>
      %dma_wait3A_701 = arith.constant 24704 : i32
      %dma_wait3A_702 = tpu.memref_slice %run_scoped3A[%dma_wait3A_701] : memref<25600xi32, #tpu.memory_space<vmem>> -> memref<128xi32, #tpu.memory_space<vmem>>
      %dma_wait3A_703 = arith.constant 0 : i32
      %dma_wait3A_704 = arith.constant 0 : i32
      %dma_wait3A_705 = tpu.memref_slice %arg3[%dma_wait3A_703, %dma_wait3A_704] : memref<1000000x64xf32, #tpu.memory_space<hbm>> -> memref<1000000x64xf32, #tpu.memory_space<hbm>>
      tpu.wait_indirect_dma semaphore(%run_scoped3A_4 : memref<!tpu.dma_semaphore, #tpu.memory_space<semaphore_mem>>) src(%dma_wait3A_705 : memref<1000000x64xf32, #tpu.memory_space<hbm>>) dst(%dma_wait3A_700 : memref<128x64xf32, #tpu.memory_space<vmem>>)
      %dma_wait3A_706 = arith.constant 0 : i32
      %dma_wait3A_707 = arith.constant 2 : i32
      %dma_wait3A_708 = arith.constant 0 : i32
      %dma_wait3A_709 = arith.constant 0 : i32
      %dma_wait3A_710 = tpu.memref_slice %run_scoped3A_3[%dma_wait3A_706, %dma_wait3A_707, %dma_wait3A_708, %dma_wait3A_709] : memref<3x4x128x64xf32, #tpu.memory_space<vmem>> -> memref<1x1x128x64xf32, #tpu.memory_space<vmem>>
      %dma_wait3A_711 = tpu.memref_squeeze %dma_wait3A_710 : memref<1x1x128x64xf32, #tpu.memory_space<vmem>> -> memref<128x64xf32, #tpu.memory_space<vmem>>
      %dma_wait3A_712 = arith.constant 24832 : i32
      %dma_wait3A_713 = tpu.memref_slice %run_scoped3A[%dma_wait3A_712] : memref<25600xi32, #tpu.memory_space<vmem>> -> memref<128xi32, #tpu.memory_space<vmem>>
      %dma_wait3A_714 = arith.constant 0 : i32
      %dma_wait3A_715 = arith.constant 0 : i32
      %dma_wait3A_716 = tpu.memref_slice %arg3[%dma_wait3A_714, %dma_wait3A_715] : memref<1000000x64xf32, #tpu.memory_space<hbm>> -> memref<1000000x64xf32, #tpu.memory_space<hbm>>
      tpu.wait_indirect_dma semaphore(%run_scoped3A_4 : memref<!tpu.dma_semaphore, #tpu.memory_space<semaphore_mem>>) src(%dma_wait3A_716 : memref<1000000x64xf32, #tpu.memory_space<hbm>>) dst(%dma_wait3A_711 : memref<128x64xf32, #tpu.memory_space<vmem>>)
      %dma_wait3A_717 = arith.constant 0 : i32
      %dma_wait3A_718 = arith.constant 3 : i32
      %dma_wait3A_719 = arith.constant 0 : i32
      %dma_wait3A_720 = arith.constant 0 : i32
      %dma_wait3A_721 = tpu.memref_slice %run_scoped3A_3[%dma_wait3A_717, %dma_wait3A_718, %dma_wait3A_719, %dma_wait3A_720] : memref<3x4x128x64xf32, #tpu.memory_space<vmem>> -> memref<1x1x128x64xf32, #tpu.memory_space<vmem>>
      %dma_wait3A_722 = tpu.memref_squeeze %dma_wait3A_721 : memref<1x1x128x64xf32, #tpu.memory_space<vmem>> -> memref<128x64xf32, #tpu.memory_space<vmem>>
      %dma_wait3A_723 = arith.constant 24960 : i32
      %dma_wait3A_724 = tpu.memref_slice %run_scoped3A[%dma_wait3A_723] : memref<25600xi32, #tpu.memory_space<vmem>> -> memref<128xi32, #tpu.memory_space<vmem>>
      %dma_wait3A_725 = arith.constant 0 : i32
      %dma_wait3A_726 = arith.constant 0 : i32
      %dma_wait3A_727 = tpu.memref_slice %arg3[%dma_wait3A_725, %dma_wait3A_726] : memref<1000000x64xf32, #tpu.memory_space<hbm>> -> memref<1000000x64xf32, #tpu.memory_space<hbm>>
      tpu.wait_indirect_dma semaphore(%run_scoped3A_4 : memref<!tpu.dma_semaphore, #tpu.memory_space<semaphore_mem>>) src(%dma_wait3A_727 : memref<1000000x64xf32, #tpu.memory_space<hbm>>) dst(%dma_wait3A_722 : memref<128x64xf32, #tpu.memory_space<vmem>>)
      %add3A_728 = arith.constant 24576 : i32
      %add3A_729 = arith.addi %mul3A_2, %add3A_728 : i32
      %dma_start3A_730 = arith.constant 0 : i32
      %dma_start3A_731 = arith.constant 0 : i32
      %dma_start3A_732 = arith.constant 0 : i32
      %dma_start3A_733 = arith.constant 0 : i32
      %dma_start3A_734 = tpu.memref_slice %run_scoped3A_3[%dma_start3A_730, %dma_start3A_731, %dma_start3A_732, %dma_start3A_733] : memref<3x4x128x64xf32, #tpu.memory_space<vmem>> -> memref<1x1x128x64xf32, #tpu.memory_space<vmem>>
      %dma_start3A_735 = tpu.memref_squeeze %dma_start3A_734 : memref<1x1x128x64xf32, #tpu.memory_space<vmem>> -> memref<128x64xf32, #tpu.memory_space<vmem>>
      %dma_start3A_736 = arith.constant 0 : i32
      %dma_start3A_737 = tpu.memref_slice %arg4[%add3A_729, %dma_start3A_736] : memref<819200x64xf32, #tpu.memory_space<hbm>> -> memref<128x64xf32, #tpu.memory_space<hbm>>
      %dma_start3A_738 = arith.constant 0 : i32
      %dma_start3A_739 = tpu.memref_slice %arg4[%add3A_729, %dma_start3A_738] : memref<819200x64xf32, #tpu.memory_space<hbm>> -> memref<128x64xf32, #tpu.memory_space<hbm>>
      %dma_start3A_740 = arith.constant 0 : i32
      %dma_start3A_741 = arith.constant 0 : i32
      %dma_start3A_742 = tpu.memref_slice %run_scoped3A_3[%dma_start3A_730, %dma_start3A_731, %dma_start3A_740, %dma_start3A_741] : memref<3x4x128x64xf32, #tpu.memory_space<vmem>> -> memref<1x1x128x64xf32, #tpu.memory_space<vmem>>
      %dma_start3A_743 = tpu.memref_squeeze %dma_start3A_742 : memref<1x1x128x64xf32, #tpu.memory_space<vmem>> -> memref<128x64xf32, #tpu.memory_space<vmem>>
      tpu.enqueue_dma source(%dma_start3A_743 : memref<128x64xf32, #tpu.memory_space<vmem>>) target(%dma_start3A_739 : memref<128x64xf32, #tpu.memory_space<hbm>>) target_semaphore(%run_scoped3A_7 : memref<!tpu.dma_semaphore, #tpu.memory_space<semaphore_mem>>)
      %add3A_744 = arith.constant 24704 : i32
      %add3A_745 = arith.addi %mul3A_2, %add3A_744 : i32
      %dma_start3A_746 = arith.constant 0 : i32
      %dma_start3A_747 = arith.constant 1 : i32
      %dma_start3A_748 = arith.constant 0 : i32
      %dma_start3A_749 = arith.constant 0 : i32
      %dma_start3A_750 = tpu.memref_slice %run_scoped3A_3[%dma_start3A_746, %dma_start3A_747, %dma_start3A_748, %dma_start3A_749] : memref<3x4x128x64xf32, #tpu.memory_space<vmem>> -> memref<1x1x128x64xf32, #tpu.memory_space<vmem>>
      %dma_start3A_751 = tpu.memref_squeeze %dma_start3A_750 : memref<1x1x128x64xf32, #tpu.memory_space<vmem>> -> memref<128x64xf32, #tpu.memory_space<vmem>>
      %dma_start3A_752 = arith.constant 0 : i32
      %dma_start3A_753 = tpu.memref_slice %arg4[%add3A_745, %dma_start3A_752] : memref<819200x64xf32, #tpu.memory_space<hbm>> -> memref<128x64xf32, #tpu.memory_space<hbm>>
      %dma_start3A_754 = arith.constant 0 : i32
      %dma_start3A_755 = tpu.memref_slice %arg4[%add3A_745, %dma_start3A_754] : memref<819200x64xf32, #tpu.memory_space<hbm>> -> memref<128x64xf32, #tpu.memory_space<hbm>>
      %dma_start3A_756 = arith.constant 0 : i32
      %dma_start3A_757 = arith.constant 0 : i32
      %dma_start3A_758 = tpu.memref_slice %run_scoped3A_3[%dma_start3A_746, %dma_start3A_747, %dma_start3A_756, %dma_start3A_757] : memref<3x4x128x64xf32, #tpu.memory_space<vmem>> -> memref<1x1x128x64xf32, #tpu.memory_space<vmem>>
      %dma_start3A_759 = tpu.memref_squeeze %dma_start3A_758 : memref<1x1x128x64xf32, #tpu.memory_space<vmem>> -> memref<128x64xf32, #tpu.memory_space<vmem>>
      tpu.enqueue_dma source(%dma_start3A_759 : memref<128x64xf32, #tpu.memory_space<vmem>>) target(%dma_start3A_755 : memref<128x64xf32, #tpu.memory_space<hbm>>) target_semaphore(%run_scoped3A_7 : memref<!tpu.dma_semaphore, #tpu.memory_space<semaphore_mem>>)
      %add3A_760 = arith.constant 24832 : i32
      %add3A_761 = arith.addi %mul3A_2, %add3A_760 : i32
      %dma_start3A_762 = arith.constant 0 : i32
      %dma_start3A_763 = arith.constant 2 : i32
      %dma_start3A_764 = arith.constant 0 : i32
      %dma_start3A_765 = arith.constant 0 : i32
      %dma_start3A_766 = tpu.memref_slice %run_scoped3A_3[%dma_start3A_762, %dma_start3A_763, %dma_start3A_764, %dma_start3A_765] : memref<3x4x128x64xf32, #tpu.memory_space<vmem>> -> memref<1x1x128x64xf32, #tpu.memory_space<vmem>>
      %dma_start3A_767 = tpu.memref_squeeze %dma_start3A_766 : memref<1x1x128x64xf32, #tpu.memory_space<vmem>> -> memref<128x64xf32, #tpu.memory_space<vmem>>
      %dma_start3A_768 = arith.constant 0 : i32
      %dma_start3A_769 = tpu.memref_slice %arg4[%add3A_761, %dma_start3A_768] : memref<819200x64xf32, #tpu.memory_space<hbm>> -> memref<128x64xf32, #tpu.memory_space<hbm>>
      %dma_start3A_770 = arith.constant 0 : i32
      %dma_start3A_771 = tpu.memref_slice %arg4[%add3A_761, %dma_start3A_770] : memref<819200x64xf32, #tpu.memory_space<hbm>> -> memref<128x64xf32, #tpu.memory_space<hbm>>
      %dma_start3A_772 = arith.constant 0 : i32
      %dma_start3A_773 = arith.constant 0 : i32
      %dma_start3A_774 = tpu.memref_slice %run_scoped3A_3[%dma_start3A_762, %dma_start3A_763, %dma_start3A_772, %dma_start3A_773] : memref<3x4x128x64xf32, #tpu.memory_space<vmem>> -> memref<1x1x128x64xf32, #tpu.memory_space<vmem>>
      %dma_start3A_775 = tpu.memref_squeeze %dma_start3A_774 : memref<1x1x128x64xf32, #tpu.memory_space<vmem>> -> memref<128x64xf32, #tpu.memory_space<vmem>>
      tpu.enqueue_dma source(%dma_start3A_775 : memref<128x64xf32, #tpu.memory_space<vmem>>) target(%dma_start3A_771 : memref<128x64xf32, #tpu.memory_space<hbm>>) target_semaphore(%run_scoped3A_7 : memref<!tpu.dma_semaphore, #tpu.memory_space<semaphore_mem>>)
      %add3A_776 = arith.constant 24960 : i32
      %add3A_777 = arith.addi %mul3A_2, %add3A_776 : i32
      %dma_start3A_778 = arith.constant 0 : i32
      %dma_start3A_779 = arith.constant 3 : i32
      %dma_start3A_780 = arith.constant 0 : i32
      %dma_start3A_781 = arith.constant 0 : i32
      %dma_start3A_782 = tpu.memref_slice %run_scoped3A_3[%dma_start3A_778, %dma_start3A_779, %dma_start3A_780, %dma_start3A_781] : memref<3x4x128x64xf32, #tpu.memory_space<vmem>> -> memref<1x1x128x64xf32, #tpu.memory_space<vmem>>
      %dma_start3A_783 = tpu.memref_squeeze %dma_start3A_782 : memref<1x1x128x64xf32, #tpu.memory_space<vmem>> -> memref<128x64xf32, #tpu.memory_space<vmem>>
      %dma_start3A_784 = arith.constant 0 : i32
      %dma_start3A_785 = tpu.memref_slice %arg4[%add3A_777, %dma_start3A_784] : memref<819200x64xf32, #tpu.memory_space<hbm>> -> memref<128x64xf32, #tpu.memory_space<hbm>>
      %dma_start3A_786 = arith.constant 0 : i32
      %dma_start3A_787 = tpu.memref_slice %arg4[%add3A_777, %dma_start3A_786] : memref<819200x64xf32, #tpu.memory_space<hbm>> -> memref<128x64xf32, #tpu.memory_space<hbm>>
      %dma_start3A_788 = arith.constant 0 : i32
      %dma_start3A_789 = arith.constant 0 : i32
      %dma_start3A_790 = tpu.memref_slice %run_scoped3A_3[%dma_start3A_778, %dma_start3A_779, %dma_start3A_788, %dma_start3A_789] : memref<3x4x128x64xf32, #tpu.memory_space<vmem>> -> memref<1x1x128x64xf32, #tpu.memory_space<vmem>>
      %dma_start3A_791 = tpu.memref_squeeze %dma_start3A_790 : memref<1x1x128x64xf32, #tpu.memory_space<vmem>> -> memref<128x64xf32, #tpu.memory_space<vmem>>
      tpu.enqueue_dma source(%dma_start3A_791 : memref<128x64xf32, #tpu.memory_space<vmem>>) target(%dma_start3A_787 : memref<128x64xf32, #tpu.memory_space<hbm>>) target_semaphore(%run_scoped3A_7 : memref<!tpu.dma_semaphore, #tpu.memory_space<semaphore_mem>>)
      %add3A_792 = arith.constant 24064 : i32
      %add3A_793 = arith.addi %mul3A_2, %add3A_792 : i32
      %dma_wait3A_794 = arith.constant 2 : i32
      %dma_wait3A_795 = arith.constant 0 : i32
      %dma_wait3A_796 = arith.constant 0 : i32
      %dma_wait3A_797 = arith.constant 0 : i32
      %dma_wait3A_798 = tpu.memref_slice %run_scoped3A_3[%dma_wait3A_794, %dma_wait3A_795, %dma_wait3A_796, %dma_wait3A_797] : memref<3x4x128x64xf32, #tpu.memory_space<vmem>> -> memref<1x1x128x64xf32, #tpu.memory_space<vmem>>
      %dma_wait3A_799 = tpu.memref_squeeze %dma_wait3A_798 : memref<1x1x128x64xf32, #tpu.memory_space<vmem>> -> memref<128x64xf32, #tpu.memory_space<vmem>>
      %dma_wait3A_800 = arith.constant 0 : i32
      %dma_wait3A_801 = tpu.memref_slice %arg4[%add3A_793, %dma_wait3A_800] : memref<819200x64xf32, #tpu.memory_space<hbm>> -> memref<128x64xf32, #tpu.memory_space<hbm>>
      %dma_wait3A_802 = arith.constant 0 : i32
      %dma_wait3A_803 = tpu.memref_slice %arg4[%add3A_793, %dma_wait3A_802] : memref<819200x64xf32, #tpu.memory_space<hbm>> -> memref<128x64xf32, #tpu.memory_space<hbm>>
      %dma_wait3A_804 = arith.constant 0 : i32
      %dma_wait3A_805 = arith.constant 0 : i32
      %dma_wait3A_806 = tpu.memref_slice %run_scoped3A_3[%dma_wait3A_794, %dma_wait3A_795, %dma_wait3A_804, %dma_wait3A_805] : memref<3x4x128x64xf32, #tpu.memory_space<vmem>> -> memref<1x1x128x64xf32, #tpu.memory_space<vmem>>
      %dma_wait3A_807 = tpu.memref_squeeze %dma_wait3A_806 : memref<1x1x128x64xf32, #tpu.memory_space<vmem>> -> memref<128x64xf32, #tpu.memory_space<vmem>>
      tpu.wait_dma2 semaphore(%run_scoped3A_9 : memref<!tpu.dma_semaphore, #tpu.memory_space<semaphore_mem>>) src(%dma_wait3A_807 : memref<128x64xf32, #tpu.memory_space<vmem>>) dst(%dma_wait3A_803 : memref<128x64xf32, #tpu.memory_space<hbm>>)
      %add3A_808 = arith.constant 24192 : i32
      %add3A_809 = arith.addi %mul3A_2, %add3A_808 : i32
      %dma_wait3A_810 = arith.constant 2 : i32
      %dma_wait3A_811 = arith.constant 1 : i32
      %dma_wait3A_812 = arith.constant 0 : i32
      %dma_wait3A_813 = arith.constant 0 : i32
      %dma_wait3A_814 = tpu.memref_slice %run_scoped3A_3[%dma_wait3A_810, %dma_wait3A_811, %dma_wait3A_812, %dma_wait3A_813] : memref<3x4x128x64xf32, #tpu.memory_space<vmem>> -> memref<1x1x128x64xf32, #tpu.memory_space<vmem>>
      %dma_wait3A_815 = tpu.memref_squeeze %dma_wait3A_814 : memref<1x1x128x64xf32, #tpu.memory_space<vmem>> -> memref<128x64xf32, #tpu.memory_space<vmem>>
      %dma_wait3A_816 = arith.constant 0 : i32
      %dma_wait3A_817 = tpu.memref_slice %arg4[%add3A_809, %dma_wait3A_816] : memref<819200x64xf32, #tpu.memory_space<hbm>> -> memref<128x64xf32, #tpu.memory_space<hbm>>
      %dma_wait3A_818 = arith.constant 0 : i32
      %dma_wait3A_819 = tpu.memref_slice %arg4[%add3A_809, %dma_wait3A_818] : memref<819200x64xf32, #tpu.memory_space<hbm>> -> memref<128x64xf32, #tpu.memory_space<hbm>>
      %dma_wait3A_820 = arith.constant 0 : i32
      %dma_wait3A_821 = arith.constant 0 : i32
      %dma_wait3A_822 = tpu.memref_slice %run_scoped3A_3[%dma_wait3A_810, %dma_wait3A_811, %dma_wait3A_820, %dma_wait3A_821] : memref<3x4x128x64xf32, #tpu.memory_space<vmem>> -> memref<1x1x128x64xf32, #tpu.memory_space<vmem>>
      %dma_wait3A_823 = tpu.memref_squeeze %dma_wait3A_822 : memref<1x1x128x64xf32, #tpu.memory_space<vmem>> -> memref<128x64xf32, #tpu.memory_space<vmem>>
      tpu.wait_dma2 semaphore(%run_scoped3A_9 : memref<!tpu.dma_semaphore, #tpu.memory_space<semaphore_mem>>) src(%dma_wait3A_823 : memref<128x64xf32, #tpu.memory_space<vmem>>) dst(%dma_wait3A_819 : memref<128x64xf32, #tpu.memory_space<hbm>>)
      %add3A_824 = arith.constant 24320 : i32
      %add3A_825 = arith.addi %mul3A_2, %add3A_824 : i32
      %dma_wait3A_826 = arith.constant 2 : i32
      %dma_wait3A_827 = arith.constant 2 : i32
      %dma_wait3A_828 = arith.constant 0 : i32
      %dma_wait3A_829 = arith.constant 0 : i32
      %dma_wait3A_830 = tpu.memref_slice %run_scoped3A_3[%dma_wait3A_826, %dma_wait3A_827, %dma_wait3A_828, %dma_wait3A_829] : memref<3x4x128x64xf32, #tpu.memory_space<vmem>> -> memref<1x1x128x64xf32, #tpu.memory_space<vmem>>
      %dma_wait3A_831 = tpu.memref_squeeze %dma_wait3A_830 : memref<1x1x128x64xf32, #tpu.memory_space<vmem>> -> memref<128x64xf32, #tpu.memory_space<vmem>>
      %dma_wait3A_832 = arith.constant 0 : i32
      %dma_wait3A_833 = tpu.memref_slice %arg4[%add3A_825, %dma_wait3A_832] : memref<819200x64xf32, #tpu.memory_space<hbm>> -> memref<128x64xf32, #tpu.memory_space<hbm>>
      %dma_wait3A_834 = arith.constant 0 : i32
      %dma_wait3A_835 = tpu.memref_slice %arg4[%add3A_825, %dma_wait3A_834] : memref<819200x64xf32, #tpu.memory_space<hbm>> -> memref<128x64xf32, #tpu.memory_space<hbm>>
      %dma_wait3A_836 = arith.constant 0 : i32
      %dma_wait3A_837 = arith.constant 0 : i32
      %dma_wait3A_838 = tpu.memref_slice %run_scoped3A_3[%dma_wait3A_826, %dma_wait3A_827, %dma_wait3A_836, %dma_wait3A_837] : memref<3x4x128x64xf32, #tpu.memory_space<vmem>> -> memref<1x1x128x64xf32, #tpu.memory_space<vmem>>
      %dma_wait3A_839 = tpu.memref_squeeze %dma_wait3A_838 : memref<1x1x128x64xf32, #tpu.memory_space<vmem>> -> memref<128x64xf32, #tpu.memory_space<vmem>>
      tpu.wait_dma2 semaphore(%run_scoped3A_9 : memref<!tpu.dma_semaphore, #tpu.memory_space<semaphore_mem>>) src(%dma_wait3A_839 : memref<128x64xf32, #tpu.memory_space<vmem>>) dst(%dma_wait3A_835 : memref<128x64xf32, #tpu.memory_space<hbm>>)
      %add3A_840 = arith.constant 24448 : i32
      %add3A_841 = arith.addi %mul3A_2, %add3A_840 : i32
      %dma_wait3A_842 = arith.constant 2 : i32
      %dma_wait3A_843 = arith.constant 3 : i32
      %dma_wait3A_844 = arith.constant 0 : i32
      %dma_wait3A_845 = arith.constant 0 : i32
      %dma_wait3A_846 = tpu.memref_slice %run_scoped3A_3[%dma_wait3A_842, %dma_wait3A_843, %dma_wait3A_844, %dma_wait3A_845] : memref<3x4x128x64xf32, #tpu.memory_space<vmem>> -> memref<1x1x128x64xf32, #tpu.memory_space<vmem>>
      %dma_wait3A_847 = tpu.memref_squeeze %dma_wait3A_846 : memref<1x1x128x64xf32, #tpu.memory_space<vmem>> -> memref<128x64xf32, #tpu.memory_space<vmem>>
      %dma_wait3A_848 = arith.constant 0 : i32
      %dma_wait3A_849 = tpu.memref_slice %arg4[%add3A_841, %dma_wait3A_848] : memref<819200x64xf32, #tpu.memory_space<hbm>> -> memref<128x64xf32, #tpu.memory_space<hbm>>
      %dma_wait3A_850 = arith.constant 0 : i32
      %dma_wait3A_851 = tpu.memref_slice %arg4[%add3A_841, %dma_wait3A_850] : memref<819200x64xf32, #tpu.memory_space<hbm>> -> memref<128x64xf32, #tpu.memory_space<hbm>>
      %dma_wait3A_852 = arith.constant 0 : i32
      %dma_wait3A_853 = arith.constant 0 : i32
      %dma_wait3A_854 = tpu.memref_slice %run_scoped3A_3[%dma_wait3A_842, %dma_wait3A_843, %dma_wait3A_852, %dma_wait3A_853] : memref<3x4x128x64xf32, #tpu.memory_space<vmem>> -> memref<1x1x128x64xf32, #tpu.memory_space<vmem>>
      %dma_wait3A_855 = tpu.memref_squeeze %dma_wait3A_854 : memref<1x1x128x64xf32, #tpu.memory_space<vmem>> -> memref<128x64xf32, #tpu.memory_space<vmem>>
      tpu.wait_dma2 semaphore(%run_scoped3A_9 : memref<!tpu.dma_semaphore, #tpu.memory_space<semaphore_mem>>) src(%dma_wait3A_855 : memref<128x64xf32, #tpu.memory_space<vmem>>) dst(%dma_wait3A_851 : memref<128x64xf32, #tpu.memory_space<hbm>>)
      %dma_wait3A_856 = arith.constant 1 : i32
      %dma_wait3A_857 = arith.constant 0 : i32
      %dma_wait3A_858 = arith.constant 0 : i32
      %dma_wait3A_859 = arith.constant 0 : i32
      %dma_wait3A_860 = tpu.memref_slice %run_scoped3A_3[%dma_wait3A_856, %dma_wait3A_857, %dma_wait3A_858, %dma_wait3A_859] : memref<3x4x128x64xf32, #tpu.memory_space<vmem>> -> memref<1x1x128x64xf32, #tpu.memory_space<vmem>>
      %dma_wait3A_861 = tpu.memref_squeeze %dma_wait3A_860 : memref<1x1x128x64xf32, #tpu.memory_space<vmem>> -> memref<128x64xf32, #tpu.memory_space<vmem>>
      %dma_wait3A_862 = arith.constant 25088 : i32
      %dma_wait3A_863 = tpu.memref_slice %run_scoped3A[%dma_wait3A_862] : memref<25600xi32, #tpu.memory_space<vmem>> -> memref<128xi32, #tpu.memory_space<vmem>>
      %dma_wait3A_864 = arith.constant 0 : i32
      %dma_wait3A_865 = arith.constant 0 : i32
      %dma_wait3A_866 = tpu.memref_slice %arg3[%dma_wait3A_864, %dma_wait3A_865] : memref<1000000x64xf32, #tpu.memory_space<hbm>> -> memref<1000000x64xf32, #tpu.memory_space<hbm>>
      tpu.wait_indirect_dma semaphore(%run_scoped3A_5 : memref<!tpu.dma_semaphore, #tpu.memory_space<semaphore_mem>>) src(%dma_wait3A_866 : memref<1000000x64xf32, #tpu.memory_space<hbm>>) dst(%dma_wait3A_861 : memref<128x64xf32, #tpu.memory_space<vmem>>)
      %dma_wait3A_867 = arith.constant 1 : i32
      %dma_wait3A_868 = arith.constant 1 : i32
      %dma_wait3A_869 = arith.constant 0 : i32
      %dma_wait3A_870 = arith.constant 0 : i32
      %dma_wait3A_871 = tpu.memref_slice %run_scoped3A_3[%dma_wait3A_867, %dma_wait3A_868, %dma_wait3A_869, %dma_wait3A_870] : memref<3x4x128x64xf32, #tpu.memory_space<vmem>> -> memref<1x1x128x64xf32, #tpu.memory_space<vmem>>
      %dma_wait3A_872 = tpu.memref_squeeze %dma_wait3A_871 : memref<1x1x128x64xf32, #tpu.memory_space<vmem>> -> memref<128x64xf32, #tpu.memory_space<vmem>>
      %dma_wait3A_873 = arith.constant 25216 : i32
      %dma_wait3A_874 = tpu.memref_slice %run_scoped3A[%dma_wait3A_873] : memref<25600xi32, #tpu.memory_space<vmem>> -> memref<128xi32, #tpu.memory_space<vmem>>
      %dma_wait3A_875 = arith.constant 0 : i32
      %dma_wait3A_876 = arith.constant 0 : i32
      %dma_wait3A_877 = tpu.memref_slice %arg3[%dma_wait3A_875, %dma_wait3A_876] : memref<1000000x64xf32, #tpu.memory_space<hbm>> -> memref<1000000x64xf32, #tpu.memory_space<hbm>>
      tpu.wait_indirect_dma semaphore(%run_scoped3A_5 : memref<!tpu.dma_semaphore, #tpu.memory_space<semaphore_mem>>) src(%dma_wait3A_877 : memref<1000000x64xf32, #tpu.memory_space<hbm>>) dst(%dma_wait3A_872 : memref<128x64xf32, #tpu.memory_space<vmem>>)
      %dma_wait3A_878 = arith.constant 1 : i32
      %dma_wait3A_879 = arith.constant 2 : i32
      %dma_wait3A_880 = arith.constant 0 : i32
      %dma_wait3A_881 = arith.constant 0 : i32
      %dma_wait3A_882 = tpu.memref_slice %run_scoped3A_3[%dma_wait3A_878, %dma_wait3A_879, %dma_wait3A_880, %dma_wait3A_881] : memref<3x4x128x64xf32, #tpu.memory_space<vmem>> -> memref<1x1x128x64xf32, #tpu.memory_space<vmem>>
      %dma_wait3A_883 = tpu.memref_squeeze %dma_wait3A_882 : memref<1x1x128x64xf32, #tpu.memory_space<vmem>> -> memref<128x64xf32, #tpu.memory_space<vmem>>
      %dma_wait3A_884 = arith.constant 25344 : i32
      %dma_wait3A_885 = tpu.memref_slice %run_scoped3A[%dma_wait3A_884] : memref<25600xi32, #tpu.memory_space<vmem>> -> memref<128xi32, #tpu.memory_space<vmem>>
      %dma_wait3A_886 = arith.constant 0 : i32
      %dma_wait3A_887 = arith.constant 0 : i32
      %dma_wait3A_888 = tpu.memref_slice %arg3[%dma_wait3A_886, %dma_wait3A_887] : memref<1000000x64xf32, #tpu.memory_space<hbm>> -> memref<1000000x64xf32, #tpu.memory_space<hbm>>
      tpu.wait_indirect_dma semaphore(%run_scoped3A_5 : memref<!tpu.dma_semaphore, #tpu.memory_space<semaphore_mem>>) src(%dma_wait3A_888 : memref<1000000x64xf32, #tpu.memory_space<hbm>>) dst(%dma_wait3A_883 : memref<128x64xf32, #tpu.memory_space<vmem>>)
      %dma_wait3A_889 = arith.constant 1 : i32
      %dma_wait3A_890 = arith.constant 3 : i32
      %dma_wait3A_891 = arith.constant 0 : i32
      %dma_wait3A_892 = arith.constant 0 : i32
      %dma_wait3A_893 = tpu.memref_slice %run_scoped3A_3[%dma_wait3A_889, %dma_wait3A_890, %dma_wait3A_891, %dma_wait3A_892] : memref<3x4x128x64xf32, #tpu.memory_space<vmem>> -> memref<1x1x128x64xf32, #tpu.memory_space<vmem>>
      %dma_wait3A_894 = tpu.memref_squeeze %dma_wait3A_893 : memref<1x1x128x64xf32, #tpu.memory_space<vmem>> -> memref<128x64xf32, #tpu.memory_space<vmem>>
      %dma_wait3A_895 = arith.constant 25472 : i32
      %dma_wait3A_896 = tpu.memref_slice %run_scoped3A[%dma_wait3A_895] : memref<25600xi32, #tpu.memory_space<vmem>> -> memref<128xi32, #tpu.memory_space<vmem>>
      %dma_wait3A_897 = arith.constant 0 : i32
      %dma_wait3A_898 = arith.constant 0 : i32
      %dma_wait3A_899 = tpu.memref_slice %arg3[%dma_wait3A_897, %dma_wait3A_898] : memref<1000000x64xf32, #tpu.memory_space<hbm>> -> memref<1000000x64xf32, #tpu.memory_space<hbm>>
      tpu.wait_indirect_dma semaphore(%run_scoped3A_5 : memref<!tpu.dma_semaphore, #tpu.memory_space<semaphore_mem>>) src(%dma_wait3A_899 : memref<1000000x64xf32, #tpu.memory_space<hbm>>) dst(%dma_wait3A_894 : memref<128x64xf32, #tpu.memory_space<vmem>>)
      %add3A_900 = arith.constant 25088 : i32
      %add3A_901 = arith.addi %mul3A_2, %add3A_900 : i32
      %dma_start3A_902 = arith.constant 1 : i32
      %dma_start3A_903 = arith.constant 0 : i32
      %dma_start3A_904 = arith.constant 0 : i32
      %dma_start3A_905 = arith.constant 0 : i32
      %dma_start3A_906 = tpu.memref_slice %run_scoped3A_3[%dma_start3A_902, %dma_start3A_903, %dma_start3A_904, %dma_start3A_905] : memref<3x4x128x64xf32, #tpu.memory_space<vmem>> -> memref<1x1x128x64xf32, #tpu.memory_space<vmem>>
      %dma_start3A_907 = tpu.memref_squeeze %dma_start3A_906 : memref<1x1x128x64xf32, #tpu.memory_space<vmem>> -> memref<128x64xf32, #tpu.memory_space<vmem>>
      %dma_start3A_908 = arith.constant 0 : i32
      %dma_start3A_909 = tpu.memref_slice %arg4[%add3A_901, %dma_start3A_908] : memref<819200x64xf32, #tpu.memory_space<hbm>> -> memref<128x64xf32, #tpu.memory_space<hbm>>
      %dma_start3A_910 = arith.constant 0 : i32
      %dma_start3A_911 = tpu.memref_slice %arg4[%add3A_901, %dma_start3A_910] : memref<819200x64xf32, #tpu.memory_space<hbm>> -> memref<128x64xf32, #tpu.memory_space<hbm>>
      %dma_start3A_912 = arith.constant 0 : i32
      %dma_start3A_913 = arith.constant 0 : i32
      %dma_start3A_914 = tpu.memref_slice %run_scoped3A_3[%dma_start3A_902, %dma_start3A_903, %dma_start3A_912, %dma_start3A_913] : memref<3x4x128x64xf32, #tpu.memory_space<vmem>> -> memref<1x1x128x64xf32, #tpu.memory_space<vmem>>
      %dma_start3A_915 = tpu.memref_squeeze %dma_start3A_914 : memref<1x1x128x64xf32, #tpu.memory_space<vmem>> -> memref<128x64xf32, #tpu.memory_space<vmem>>
      tpu.enqueue_dma source(%dma_start3A_915 : memref<128x64xf32, #tpu.memory_space<vmem>>) target(%dma_start3A_911 : memref<128x64xf32, #tpu.memory_space<hbm>>) target_semaphore(%run_scoped3A_8 : memref<!tpu.dma_semaphore, #tpu.memory_space<semaphore_mem>>)
      %add3A_916 = arith.constant 25216 : i32
      %add3A_917 = arith.addi %mul3A_2, %add3A_916 : i32
      %dma_start3A_918 = arith.constant 1 : i32
      %dma_start3A_919 = arith.constant 1 : i32
      %dma_start3A_920 = arith.constant 0 : i32
      %dma_start3A_921 = arith.constant 0 : i32
      %dma_start3A_922 = tpu.memref_slice %run_scoped3A_3[%dma_start3A_918, %dma_start3A_919, %dma_start3A_920, %dma_start3A_921] : memref<3x4x128x64xf32, #tpu.memory_space<vmem>> -> memref<1x1x128x64xf32, #tpu.memory_space<vmem>>
      %dma_start3A_923 = tpu.memref_squeeze %dma_start3A_922 : memref<1x1x128x64xf32, #tpu.memory_space<vmem>> -> memref<128x64xf32, #tpu.memory_space<vmem>>
      %dma_start3A_924 = arith.constant 0 : i32
      %dma_start3A_925 = tpu.memref_slice %arg4[%add3A_917, %dma_start3A_924] : memref<819200x64xf32, #tpu.memory_space<hbm>> -> memref<128x64xf32, #tpu.memory_space<hbm>>
      %dma_start3A_926 = arith.constant 0 : i32
      %dma_start3A_927 = tpu.memref_slice %arg4[%add3A_917, %dma_start3A_926] : memref<819200x64xf32, #tpu.memory_space<hbm>> -> memref<128x64xf32, #tpu.memory_space<hbm>>
      %dma_start3A_928 = arith.constant 0 : i32
      %dma_start3A_929 = arith.constant 0 : i32
      %dma_start3A_930 = tpu.memref_slice %run_scoped3A_3[%dma_start3A_918, %dma_start3A_919, %dma_start3A_928, %dma_start3A_929] : memref<3x4x128x64xf32, #tpu.memory_space<vmem>> -> memref<1x1x128x64xf32, #tpu.memory_space<vmem>>
      %dma_start3A_931 = tpu.memref_squeeze %dma_start3A_930 : memref<1x1x128x64xf32, #tpu.memory_space<vmem>> -> memref<128x64xf32, #tpu.memory_space<vmem>>
      tpu.enqueue_dma source(%dma_start3A_931 : memref<128x64xf32, #tpu.memory_space<vmem>>) target(%dma_start3A_927 : memref<128x64xf32, #tpu.memory_space<hbm>>) target_semaphore(%run_scoped3A_8 : memref<!tpu.dma_semaphore, #tpu.memory_space<semaphore_mem>>)
      %add3A_932 = arith.constant 25344 : i32
      %add3A_933 = arith.addi %mul3A_2, %add3A_932 : i32
      %dma_start3A_934 = arith.constant 1 : i32
      %dma_start3A_935 = arith.constant 2 : i32
      %dma_start3A_936 = arith.constant 0 : i32
      %dma_start3A_937 = arith.constant 0 : i32
      %dma_start3A_938 = tpu.memref_slice %run_scoped3A_3[%dma_start3A_934, %dma_start3A_935, %dma_start3A_936, %dma_start3A_937] : memref<3x4x128x64xf32, #tpu.memory_space<vmem>> -> memref<1x1x128x64xf32, #tpu.memory_space<vmem>>
      %dma_start3A_939 = tpu.memref_squeeze %dma_start3A_938 : memref<1x1x128x64xf32, #tpu.memory_space<vmem>> -> memref<128x64xf32, #tpu.memory_space<vmem>>
      %dma_start3A_940 = arith.constant 0 : i32
      %dma_start3A_941 = tpu.memref_slice %arg4[%add3A_933, %dma_start3A_940] : memref<819200x64xf32, #tpu.memory_space<hbm>> -> memref<128x64xf32, #tpu.memory_space<hbm>>
      %dma_start3A_942 = arith.constant 0 : i32
      %dma_start3A_943 = tpu.memref_slice %arg4[%add3A_933, %dma_start3A_942] : memref<819200x64xf32, #tpu.memory_space<hbm>> -> memref<128x64xf32, #tpu.memory_space<hbm>>
      %dma_start3A_944 = arith.constant 0 : i32
      %dma_start3A_945 = arith.constant 0 : i32
      %dma_start3A_946 = tpu.memref_slice %run_scoped3A_3[%dma_start3A_934, %dma_start3A_935, %dma_start3A_944, %dma_start3A_945] : memref<3x4x128x64xf32, #tpu.memory_space<vmem>> -> memref<1x1x128x64xf32, #tpu.memory_space<vmem>>
      %dma_start3A_947 = tpu.memref_squeeze %dma_start3A_946 : memref<1x1x128x64xf32, #tpu.memory_space<vmem>> -> memref<128x64xf32, #tpu.memory_space<vmem>>
      tpu.enqueue_dma source(%dma_start3A_947 : memref<128x64xf32, #tpu.memory_space<vmem>>) target(%dma_start3A_943 : memref<128x64xf32, #tpu.memory_space<hbm>>) target_semaphore(%run_scoped3A_8 : memref<!tpu.dma_semaphore, #tpu.memory_space<semaphore_mem>>)
      %add3A_948 = arith.constant 25472 : i32
      %add3A_949 = arith.addi %mul3A_2, %add3A_948 : i32
      %dma_start3A_950 = arith.constant 1 : i32
      %dma_start3A_951 = arith.constant 3 : i32
      %dma_start3A_952 = arith.constant 0 : i32
      %dma_start3A_953 = arith.constant 0 : i32
      %dma_start3A_954 = tpu.memref_slice %run_scoped3A_3[%dma_start3A_950, %dma_start3A_951, %dma_start3A_952, %dma_start3A_953] : memref<3x4x128x64xf32, #tpu.memory_space<vmem>> -> memref<1x1x128x64xf32, #tpu.memory_space<vmem>>
      %dma_start3A_955 = tpu.memref_squeeze %dma_start3A_954 : memref<1x1x128x64xf32, #tpu.memory_space<vmem>> -> memref<128x64xf32, #tpu.memory_space<vmem>>
      %dma_start3A_956 = arith.constant 0 : i32
      %dma_start3A_957 = tpu.memref_slice %arg4[%add3A_949, %dma_start3A_956] : memref<819200x64xf32, #tpu.memory_space<hbm>> -> memref<128x64xf32, #tpu.memory_space<hbm>>
      %dma_start3A_958 = arith.constant 0 : i32
      %dma_start3A_959 = tpu.memref_slice %arg4[%add3A_949, %dma_start3A_958] : memref<819200x64xf32, #tpu.memory_space<hbm>> -> memref<128x64xf32, #tpu.memory_space<hbm>>
      %dma_start3A_960 = arith.constant 0 : i32
      %dma_start3A_961 = arith.constant 0 : i32
      %dma_start3A_962 = tpu.memref_slice %run_scoped3A_3[%dma_start3A_950, %dma_start3A_951, %dma_start3A_960, %dma_start3A_961] : memref<3x4x128x64xf32, #tpu.memory_space<vmem>> -> memref<1x1x128x64xf32, #tpu.memory_space<vmem>>
      %dma_start3A_963 = tpu.memref_squeeze %dma_start3A_962 : memref<1x1x128x64xf32, #tpu.memory_space<vmem>> -> memref<128x64xf32, #tpu.memory_space<vmem>>
      tpu.enqueue_dma source(%dma_start3A_963 : memref<128x64xf32, #tpu.memory_space<vmem>>) target(%dma_start3A_959 : memref<128x64xf32, #tpu.memory_space<hbm>>) target_semaphore(%run_scoped3A_8 : memref<!tpu.dma_semaphore, #tpu.memory_space<semaphore_mem>>)
      %add3A_964 = arith.constant 24576 : i32
      %add3A_965 = arith.addi %mul3A_2, %add3A_964 : i32
      %dma_wait3A_966 = arith.constant 0 : i32
      %dma_wait3A_967 = arith.constant 0 : i32
      %dma_wait3A_968 = arith.constant 0 : i32
      %dma_wait3A_969 = arith.constant 0 : i32
      %dma_wait3A_970 = tpu.memref_slice %run_scoped3A_3[%dma_wait3A_966, %dma_wait3A_967, %dma_wait3A_968, %dma_wait3A_969] : memref<3x4x128x64xf32, #tpu.memory_space<vmem>> -> memref<1x1x128x64xf32, #tpu.memory_space<vmem>>
      %dma_wait3A_971 = tpu.memref_squeeze %dma_wait3A_970 : memref<1x1x128x64xf32, #tpu.memory_space<vmem>> -> memref<128x64xf32, #tpu.memory_space<vmem>>
      %dma_wait3A_972 = arith.constant 0 : i32
      %dma_wait3A_973 = tpu.memref_slice %arg4[%add3A_965, %dma_wait3A_972] : memref<819200x64xf32, #tpu.memory_space<hbm>> -> memref<128x64xf32, #tpu.memory_space<hbm>>
      %dma_wait3A_974 = arith.constant 0 : i32
      %dma_wait3A_975 = tpu.memref_slice %arg4[%add3A_965, %dma_wait3A_974] : memref<819200x64xf32, #tpu.memory_space<hbm>> -> memref<128x64xf32, #tpu.memory_space<hbm>>
      %dma_wait3A_976 = arith.constant 0 : i32
      %dma_wait3A_977 = arith.constant 0 : i32
      %dma_wait3A_978 = tpu.memref_slice %run_scoped3A_3[%dma_wait3A_966, %dma_wait3A_967, %dma_wait3A_976, %dma_wait3A_977] : memref<3x4x128x64xf32, #tpu.memory_space<vmem>> -> memref<1x1x128x64xf32, #tpu.memory_space<vmem>>
      %dma_wait3A_979 = tpu.memref_squeeze %dma_wait3A_978 : memref<1x1x128x64xf32, #tpu.memory_space<vmem>> -> memref<128x64xf32, #tpu.memory_space<vmem>>
      tpu.wait_dma2 semaphore(%run_scoped3A_7 : memref<!tpu.dma_semaphore, #tpu.memory_space<semaphore_mem>>) src(%dma_wait3A_979 : memref<128x64xf32, #tpu.memory_space<vmem>>) dst(%dma_wait3A_975 : memref<128x64xf32, #tpu.memory_space<hbm>>)
      %add3A_980 = arith.constant 24704 : i32
      %add3A_981 = arith.addi %mul3A_2, %add3A_980 : i32
      %dma_wait3A_982 = arith.constant 0 : i32
      %dma_wait3A_983 = arith.constant 1 : i32
      %dma_wait3A_984 = arith.constant 0 : i32
      %dma_wait3A_985 = arith.constant 0 : i32
      %dma_wait3A_986 = tpu.memref_slice %run_scoped3A_3[%dma_wait3A_982, %dma_wait3A_983, %dma_wait3A_984, %dma_wait3A_985] : memref<3x4x128x64xf32, #tpu.memory_space<vmem>> -> memref<1x1x128x64xf32, #tpu.memory_space<vmem>>
      %dma_wait3A_987 = tpu.memref_squeeze %dma_wait3A_986 : memref<1x1x128x64xf32, #tpu.memory_space<vmem>> -> memref<128x64xf32, #tpu.memory_space<vmem>>
      %dma_wait3A_988 = arith.constant 0 : i32
      %dma_wait3A_989 = tpu.memref_slice %arg4[%add3A_981, %dma_wait3A_988] : memref<819200x64xf32, #tpu.memory_space<hbm>> -> memref<128x64xf32, #tpu.memory_space<hbm>>
      %dma_wait3A_990 = arith.constant 0 : i32
      %dma_wait3A_991 = tpu.memref_slice %arg4[%add3A_981, %dma_wait3A_990] : memref<819200x64xf32, #tpu.memory_space<hbm>> -> memref<128x64xf32, #tpu.memory_space<hbm>>
      %dma_wait3A_992 = arith.constant 0 : i32
      %dma_wait3A_993 = arith.constant 0 : i32
      %dma_wait3A_994 = tpu.memref_slice %run_scoped3A_3[%dma_wait3A_982, %dma_wait3A_983, %dma_wait3A_992, %dma_wait3A_993] : memref<3x4x128x64xf32, #tpu.memory_space<vmem>> -> memref<1x1x128x64xf32, #tpu.memory_space<vmem>>
      %dma_wait3A_995 = tpu.memref_squeeze %dma_wait3A_994 : memref<1x1x128x64xf32, #tpu.memory_space<vmem>> -> memref<128x64xf32, #tpu.memory_space<vmem>>
      tpu.wait_dma2 semaphore(%run_scoped3A_7 : memref<!tpu.dma_semaphore, #tpu.memory_space<semaphore_mem>>) src(%dma_wait3A_995 : memref<128x64xf32, #tpu.memory_space<vmem>>) dst(%dma_wait3A_991 : memref<128x64xf32, #tpu.memory_space<hbm>>)
      %add3A_996 = arith.constant 24832 : i32
      %add3A_997 = arith.addi %mul3A_2, %add3A_996 : i32
      %dma_wait3A_998 = arith.constant 0 : i32
      %dma_wait3A_999 = arith.constant 2 : i32
      %dma_wait3A_1000 = arith.constant 0 : i32
      %dma_wait3A_1001 = arith.constant 0 : i32
      %dma_wait3A_1002 = tpu.memref_slice %run_scoped3A_3[%dma_wait3A_998, %dma_wait3A_999, %dma_wait3A_1000, %dma_wait3A_1001] : memref<3x4x128x64xf32, #tpu.memory_space<vmem>> -> memref<1x1x128x64xf32, #tpu.memory_space<vmem>>
      %dma_wait3A_1003 = tpu.memref_squeeze %dma_wait3A_1002 : memref<1x1x128x64xf32, #tpu.memory_space<vmem>> -> memref<128x64xf32, #tpu.memory_space<vmem>>
      %dma_wait3A_1004 = arith.constant 0 : i32
      %dma_wait3A_1005 = tpu.memref_slice %arg4[%add3A_997, %dma_wait3A_1004] : memref<819200x64xf32, #tpu.memory_space<hbm>> -> memref<128x64xf32, #tpu.memory_space<hbm>>
      %dma_wait3A_1006 = arith.constant 0 : i32
      %dma_wait3A_1007 = tpu.memref_slice %arg4[%add3A_997, %dma_wait3A_1006] : memref<819200x64xf32, #tpu.memory_space<hbm>> -> memref<128x64xf32, #tpu.memory_space<hbm>>
      %dma_wait3A_1008 = arith.constant 0 : i32
      %dma_wait3A_1009 = arith.constant 0 : i32
      %dma_wait3A_1010 = tpu.memref_slice %run_scoped3A_3[%dma_wait3A_998, %dma_wait3A_999, %dma_wait3A_1008, %dma_wait3A_1009] : memref<3x4x128x64xf32, #tpu.memory_space<vmem>> -> memref<1x1x128x64xf32, #tpu.memory_space<vmem>>
      %dma_wait3A_1011 = tpu.memref_squeeze %dma_wait3A_1010 : memref<1x1x128x64xf32, #tpu.memory_space<vmem>> -> memref<128x64xf32, #tpu.memory_space<vmem>>
      tpu.wait_dma2 semaphore(%run_scoped3A_7 : memref<!tpu.dma_semaphore, #tpu.memory_space<semaphore_mem>>) src(%dma_wait3A_1011 : memref<128x64xf32, #tpu.memory_space<vmem>>) dst(%dma_wait3A_1007 : memref<128x64xf32, #tpu.memory_space<hbm>>)
      %add3A_1012 = arith.constant 24960 : i32
      %add3A_1013 = arith.addi %mul3A_2, %add3A_1012 : i32
      %dma_wait3A_1014 = arith.constant 0 : i32
      %dma_wait3A_1015 = arith.constant 3 : i32
      %dma_wait3A_1016 = arith.constant 0 : i32
      %dma_wait3A_1017 = arith.constant 0 : i32
      %dma_wait3A_1018 = tpu.memref_slice %run_scoped3A_3[%dma_wait3A_1014, %dma_wait3A_1015, %dma_wait3A_1016, %dma_wait3A_1017] : memref<3x4x128x64xf32, #tpu.memory_space<vmem>> -> memref<1x1x128x64xf32, #tpu.memory_space<vmem>>
      %dma_wait3A_1019 = tpu.memref_squeeze %dma_wait3A_1018 : memref<1x1x128x64xf32, #tpu.memory_space<vmem>> -> memref<128x64xf32, #tpu.memory_space<vmem>>
      %dma_wait3A_1020 = arith.constant 0 : i32
      %dma_wait3A_1021 = tpu.memref_slice %arg4[%add3A_1013, %dma_wait3A_1020] : memref<819200x64xf32, #tpu.memory_space<hbm>> -> memref<128x64xf32, #tpu.memory_space<hbm>>
      %dma_wait3A_1022 = arith.constant 0 : i32
      %dma_wait3A_1023 = tpu.memref_slice %arg4[%add3A_1013, %dma_wait3A_1022] : memref<819200x64xf32, #tpu.memory_space<hbm>> -> memref<128x64xf32, #tpu.memory_space<hbm>>
      %dma_wait3A_1024 = arith.constant 0 : i32
      %dma_wait3A_1025 = arith.constant 0 : i32
      %dma_wait3A_1026 = tpu.memref_slice %run_scoped3A_3[%dma_wait3A_1014, %dma_wait3A_1015, %dma_wait3A_1024, %dma_wait3A_1025] : memref<3x4x128x64xf32, #tpu.memory_space<vmem>> -> memref<1x1x128x64xf32, #tpu.memory_space<vmem>>
      %dma_wait3A_1027 = tpu.memref_squeeze %dma_wait3A_1026 : memref<1x1x128x64xf32, #tpu.memory_space<vmem>> -> memref<128x64xf32, #tpu.memory_space<vmem>>
      tpu.wait_dma2 semaphore(%run_scoped3A_7 : memref<!tpu.dma_semaphore, #tpu.memory_space<semaphore_mem>>) src(%dma_wait3A_1027 : memref<128x64xf32, #tpu.memory_space<vmem>>) dst(%dma_wait3A_1023 : memref<128x64xf32, #tpu.memory_space<hbm>>)
      %add3A_1028 = arith.constant 25088 : i32
      %add3A_1029 = arith.addi %mul3A_2, %add3A_1028 : i32
      %dma_wait3A_1030 = arith.constant 1 : i32
      %dma_wait3A_1031 = arith.constant 0 : i32
      %dma_wait3A_1032 = arith.constant 0 : i32
      %dma_wait3A_1033 = arith.constant 0 : i32
      %dma_wait3A_1034 = tpu.memref_slice %run_scoped3A_3[%dma_wait3A_1030, %dma_wait3A_1031, %dma_wait3A_1032, %dma_wait3A_1033] : memref<3x4x128x64xf32, #tpu.memory_space<vmem>> -> memref<1x1x128x64xf32, #tpu.memory_space<vmem>>
      %dma_wait3A_1035 = tpu.memref_squeeze %dma_wait3A_1034 : memref<1x1x128x64xf32, #tpu.memory_space<vmem>> -> memref<128x64xf32, #tpu.memory_space<vmem>>
      %dma_wait3A_1036 = arith.constant 0 : i32
      %dma_wait3A_1037 = tpu.memref_slice %arg4[%add3A_1029, %dma_wait3A_1036] : memref<819200x64xf32, #tpu.memory_space<hbm>> -> memref<128x64xf32, #tpu.memory_space<hbm>>
      %dma_wait3A_1038 = arith.constant 0 : i32
      %dma_wait3A_1039 = tpu.memref_slice %arg4[%add3A_1029, %dma_wait3A_1038] : memref<819200x64xf32, #tpu.memory_space<hbm>> -> memref<128x64xf32, #tpu.memory_space<hbm>>
      %dma_wait3A_1040 = arith.constant 0 : i32
      %dma_wait3A_1041 = arith.constant 0 : i32
      %dma_wait3A_1042 = tpu.memref_slice %run_scoped3A_3[%dma_wait3A_1030, %dma_wait3A_1031, %dma_wait3A_1040, %dma_wait3A_1041] : memref<3x4x128x64xf32, #tpu.memory_space<vmem>> -> memref<1x1x128x64xf32, #tpu.memory_space<vmem>>
      %dma_wait3A_1043 = tpu.memref_squeeze %dma_wait3A_1042 : memref<1x1x128x64xf32, #tpu.memory_space<vmem>> -> memref<128x64xf32, #tpu.memory_space<vmem>>
      tpu.wait_dma2 semaphore(%run_scoped3A_8 : memref<!tpu.dma_semaphore, #tpu.memory_space<semaphore_mem>>) src(%dma_wait3A_1043 : memref<128x64xf32, #tpu.memory_space<vmem>>) dst(%dma_wait3A_1039 : memref<128x64xf32, #tpu.memory_space<hbm>>)
      %add3A_1044 = arith.constant 25216 : i32
      %add3A_1045 = arith.addi %mul3A_2, %add3A_1044 : i32
      %dma_wait3A_1046 = arith.constant 1 : i32
      %dma_wait3A_1047 = arith.constant 1 : i32
      %dma_wait3A_1048 = arith.constant 0 : i32
      %dma_wait3A_1049 = arith.constant 0 : i32
      %dma_wait3A_1050 = tpu.memref_slice %run_scoped3A_3[%dma_wait3A_1046, %dma_wait3A_1047, %dma_wait3A_1048, %dma_wait3A_1049] : memref<3x4x128x64xf32, #tpu.memory_space<vmem>> -> memref<1x1x128x64xf32, #tpu.memory_space<vmem>>
      %dma_wait3A_1051 = tpu.memref_squeeze %dma_wait3A_1050 : memref<1x1x128x64xf32, #tpu.memory_space<vmem>> -> memref<128x64xf32, #tpu.memory_space<vmem>>
      %dma_wait3A_1052 = arith.constant 0 : i32
      %dma_wait3A_1053 = tpu.memref_slice %arg4[%add3A_1045, %dma_wait3A_1052] : memref<819200x64xf32, #tpu.memory_space<hbm>> -> memref<128x64xf32, #tpu.memory_space<hbm>>
      %dma_wait3A_1054 = arith.constant 0 : i32
      %dma_wait3A_1055 = tpu.memref_slice %arg4[%add3A_1045, %dma_wait3A_1054] : memref<819200x64xf32, #tpu.memory_space<hbm>> -> memref<128x64xf32, #tpu.memory_space<hbm>>
      %dma_wait3A_1056 = arith.constant 0 : i32
      %dma_wait3A_1057 = arith.constant 0 : i32
      %dma_wait3A_1058 = tpu.memref_slice %run_scoped3A_3[%dma_wait3A_1046, %dma_wait3A_1047, %dma_wait3A_1056, %dma_wait3A_1057] : memref<3x4x128x64xf32, #tpu.memory_space<vmem>> -> memref<1x1x128x64xf32, #tpu.memory_space<vmem>>
      %dma_wait3A_1059 = tpu.memref_squeeze %dma_wait3A_1058 : memref<1x1x128x64xf32, #tpu.memory_space<vmem>> -> memref<128x64xf32, #tpu.memory_space<vmem>>
      tpu.wait_dma2 semaphore(%run_scoped3A_8 : memref<!tpu.dma_semaphore, #tpu.memory_space<semaphore_mem>>) src(%dma_wait3A_1059 : memref<128x64xf32, #tpu.memory_space<vmem>>) dst(%dma_wait3A_1055 : memref<128x64xf32, #tpu.memory_space<hbm>>)
      %add3A_1060 = arith.constant 25344 : i32
      %add3A_1061 = arith.addi %mul3A_2, %add3A_1060 : i32
      %dma_wait3A_1062 = arith.constant 1 : i32
      %dma_wait3A_1063 = arith.constant 2 : i32
      %dma_wait3A_1064 = arith.constant 0 : i32
      %dma_wait3A_1065 = arith.constant 0 : i32
      %dma_wait3A_1066 = tpu.memref_slice %run_scoped3A_3[%dma_wait3A_1062, %dma_wait3A_1063, %dma_wait3A_1064, %dma_wait3A_1065] : memref<3x4x128x64xf32, #tpu.memory_space<vmem>> -> memref<1x1x128x64xf32, #tpu.memory_space<vmem>>
      %dma_wait3A_1067 = tpu.memref_squeeze %dma_wait3A_1066 : memref<1x1x128x64xf32, #tpu.memory_space<vmem>> -> memref<128x64xf32, #tpu.memory_space<vmem>>
      %dma_wait3A_1068 = arith.constant 0 : i32
      %dma_wait3A_1069 = tpu.memref_slice %arg4[%add3A_1061, %dma_wait3A_1068] : memref<819200x64xf32, #tpu.memory_space<hbm>> -> memref<128x64xf32, #tpu.memory_space<hbm>>
      %dma_wait3A_1070 = arith.constant 0 : i32
      %dma_wait3A_1071 = tpu.memref_slice %arg4[%add3A_1061, %dma_wait3A_1070] : memref<819200x64xf32, #tpu.memory_space<hbm>> -> memref<128x64xf32, #tpu.memory_space<hbm>>
      %dma_wait3A_1072 = arith.constant 0 : i32
      %dma_wait3A_1073 = arith.constant 0 : i32
      %dma_wait3A_1074 = tpu.memref_slice %run_scoped3A_3[%dma_wait3A_1062, %dma_wait3A_1063, %dma_wait3A_1072, %dma_wait3A_1073] : memref<3x4x128x64xf32, #tpu.memory_space<vmem>> -> memref<1x1x128x64xf32, #tpu.memory_space<vmem>>
      %dma_wait3A_1075 = tpu.memref_squeeze %dma_wait3A_1074 : memref<1x1x128x64xf32, #tpu.memory_space<vmem>> -> memref<128x64xf32, #tpu.memory_space<vmem>>
      tpu.wait_dma2 semaphore(%run_scoped3A_8 : memref<!tpu.dma_semaphore, #tpu.memory_space<semaphore_mem>>) src(%dma_wait3A_1075 : memref<128x64xf32, #tpu.memory_space<vmem>>) dst(%dma_wait3A_1071 : memref<128x64xf32, #tpu.memory_space<hbm>>)
      %add3A_1076 = arith.constant 25472 : i32
      %add3A_1077 = arith.addi %mul3A_2, %add3A_1076 : i32
      %dma_wait3A_1078 = arith.constant 1 : i32
      %dma_wait3A_1079 = arith.constant 3 : i32
      %dma_wait3A_1080 = arith.constant 0 : i32
      %dma_wait3A_1081 = arith.constant 0 : i32
      %dma_wait3A_1082 = tpu.memref_slice %run_scoped3A_3[%dma_wait3A_1078, %dma_wait3A_1079, %dma_wait3A_1080, %dma_wait3A_1081] : memref<3x4x128x64xf32, #tpu.memory_space<vmem>> -> memref<1x1x128x64xf32, #tpu.memory_space<vmem>>
      %dma_wait3A_1083 = tpu.memref_squeeze %dma_wait3A_1082 : memref<1x1x128x64xf32, #tpu.memory_space<vmem>> -> memref<128x64xf32, #tpu.memory_space<vmem>>
      %dma_wait3A_1084 = arith.constant 0 : i32
      %dma_wait3A_1085 = tpu.memref_slice %arg4[%add3A_1077, %dma_wait3A_1084] : memref<819200x64xf32, #tpu.memory_space<hbm>> -> memref<128x64xf32, #tpu.memory_space<hbm>>
      %dma_wait3A_1086 = arith.constant 0 : i32
      %dma_wait3A_1087 = tpu.memref_slice %arg4[%add3A_1077, %dma_wait3A_1086] : memref<819200x64xf32, #tpu.memory_space<hbm>> -> memref<128x64xf32, #tpu.memory_space<hbm>>
      %dma_wait3A_1088 = arith.constant 0 : i32
      %dma_wait3A_1089 = arith.constant 0 : i32
      %dma_wait3A_1090 = tpu.memref_slice %run_scoped3A_3[%dma_wait3A_1078, %dma_wait3A_1079, %dma_wait3A_1088, %dma_wait3A_1089] : memref<3x4x128x64xf32, #tpu.memory_space<vmem>> -> memref<1x1x128x64xf32, #tpu.memory_space<vmem>>
      %dma_wait3A_1091 = tpu.memref_squeeze %dma_wait3A_1090 : memref<1x1x128x64xf32, #tpu.memory_space<vmem>> -> memref<128x64xf32, #tpu.memory_space<vmem>>
      tpu.wait_dma2 semaphore(%run_scoped3A_8 : memref<!tpu.dma_semaphore, #tpu.memory_space<semaphore_mem>>) src(%dma_wait3A_1091 : memref<128x64xf32, #tpu.memory_space<vmem>>) dst(%dma_wait3A_1087 : memref<128x64xf32, #tpu.memory_space<hbm>>)
      tpu.yield
    }) : () -> ()
    return
  }
}

</mosaic_0001>

<sc_bundles>
// kernel: kernel.3.cloned.1.call-start
scs
__scs_entry_jumppad:
0x0: {  	(pc) =	sbr.rel $0x88, $3  }
0x1: {  	(tag) =	ssettag $0x0;
	lr =	simm.s32 $0x1  }
0x2: {  	[smem:$0x3F9F] =	sst lr;
	_ =	strace $0xD0000000  }
0x3: {  	_ = 	snop  }
0x4: {  	_ = 	snop  }
0x5: {  	_ = 	snop  }
0x6: {  	_ = 	snop  }
0x7: {  	_ = 	snop  }
__scs_overlays_trampoline_lowered:
0x8: {  	[smem:$0x3FAE] =	sst s0  }
0x9: {  	[smem:$0x3FAF] =	sst s1  }
0xa: {  	[smem:$0x3FB0] =	sst s2  }
0xb: {  	[smem:$0x3FB1] =	sst s3  }
0xc: {  	[smem:$0x3FB2] =	sst s4  }
0xd: {  	[smem:$0x3FB3] =	sst s5  }
0xe: {  	[smem:$0x3FB4] =	sst s6  }
0xf: {  	[smem:$0x3FB5] =	sst s7  }
0x10: {  	[smem:$0x3FB6] =	sst s8  }
0x11: {  	[smem:$0x3FB7] =	sst s9;
	s0 =	simm.s32 @!p0 $0x0  }
0x12: {  	s1 =	sld [smem:$0x3F9D];
	s0 =	simm.s32 @p0 $0x1  }
0x13: {  	[smem:$0x3FB8] =	sst s0;
	s0 =	simm.s32 @!p1 $0x0  }
0x14: {  	s2 =	sld [smem:$0x3F9C];
	s0 =	simm.s32 @p1 $0x1  }
0x15: {  	[smem:$0x3FB9] =	sst s0;
	s0 =	simm.s32 @!p2 $0x0  }
0x16: {  	s3 =	sld [smem:$0x3FDB];
	s0 =	simm.s32 @p2 $0x1  }
0x17: {  	s4 =	simm.s32 $0x1BF5;
	[smem:$0x3FBB] =	sst s0  }
0x18: {  	s0 =	sld [smem:$0x3F9E];
	_ =	swait.ge [sflag:s4], $0x0  }
0x19: {  	s7 =	sld [smem:$0x3F9F]  }
0x1a: {  	s8 =	sadd.s32 $0xFFFFE003, lr  }
0x1b: {  	s9 =	sadd.s32 $0xFFFFFEF7, lr;
	s5 =	simm.s32 $0xFFFFFFFF;
	p2 =	slt.u32 s8, $0xFFFFF086  }
0x1c: {  	p1 =	slt.u32 s9, $0xF7A;
	s5 =	simm.s32 @!p2 $0x0  }
0x1d: {  	s5 =	simm.s32 @p1 $0x1;
	p0 =	seq.s32 s7, s2  }
0x1e: {  	s7 =	smul.u32 @!p0 $0xF7A, s2;
	p2 =	seq.s32 @!p0 s5, $0x0  }
0x1f: {  	s9 =	smul.u32 $0xF7A, s1;
	s8 =	simm.s32 @!p0 $0x1BF5;
	p2 =	por !p2, p0  }
0x20: {  	[sflag:s8] =	ssyncset.s32 @!p0 $0xFFFFF086;
	s6 =	sadd.s32 @!p0 s3, s7;
	s7 =	simm.s32 @!p0 $0x108  }
0x21: {  	s3 =	sadd.s32 s3, s9;
	s6 =	sadd.s32 @!p0 $0x88, s6;
	s7 =	simm.s32 @p2 $0x1082  }
0x22: {  	[simem:s7], [sflag:s8] =	dma.local @!p0 [hbm:s6], $0xF7A  }
0x23: {  	s9 =	sor.u32 $0xD0000000, s2;
	s6 =	simm.s32 $0x108;
	_ =	swait.ge @!p0 [sflag:s8], $0x0  }
0x24: {  	s3 =	sadd.s32 $0x88, s3;
	s6 =	simm.s32 @!p1 $0x1082;
	[sflag:s4] =	ssyncset.s32 $0xFFFFF086  }
0x25: {  	[simem:s6], [sflag:s4] =	dma.local [hbm:s3], $0xF7A  }
0x26: {  	[smem:$0x3F9F] =	sst s1;
	(tag) =	ssettag s2;
	_ =	strace s9  }
0x27: {  	s1 =	sld [smem:$0x3FAF]  }
0x28: {  	s2 =	sld [smem:$0x3FB0]  }
0x29: {  	s4 =	sld [smem:$0x3FB2]  }
0x2a: {  	p0 =	seq.s32 s5, $0x0;
	s5 =	sld [smem:$0x3FB3]  }
0x2b: {  	s6 =	sld [smem:$0x3FB4]  }
0x2c: {  	s7 =	sld [smem:$0x3FB5]  }
0x2d: {  	s3 =	simm.s32 $0x108;
	s8 =	sld [smem:$0x3FB6]  }
0x2e: {  	s3 =	simm.s32 @!p0 $0x1082;
	s9 =	sld [smem:$0x3FB7]  }
0x2f: {  	lr =	sadd.s32 s0, s3;
	s0 =	sld [smem:$0x3FAE]  }
0x30: {  	s3 =	sld [smem:$0x3FB1]  }
0x31: {  	[smem:$0x3FBA] =	sst s10  }
0x32: {  	s10 =	sld [smem:$0x3FB8];
	_ =	sdelay $0x3  }
0x33: {  	p0 =	seq.s32 s10, $0x1;
	s10 =	sld [smem:$0x3FBA];
	_ =	sdelay $0x3  }
0x34: {  	[smem:$0x3FBA] =	sst s10  }
0x35: {  	s10 =	sld [smem:$0x3FB9];
	_ =	sdelay $0x3  }
0x36: {  	p1 =	seq.s32 s10, $0x1;
	s10 =	sld [smem:$0x3FBA];
	_ =	sdelay $0x3  }
0x37: {  	[smem:$0x3FBA] =	sst s10  }
0x38: {  	s10 =	sld [smem:$0x3FBB]  }
0x39: {  	_ = 	snop;
	(pc) =	sbr.ind lr, $3  }
0x3a: {  	_ = 	snop  }
0x3b: {  	_ = 	snop  }
0x3c: {  	p2 =	seq.s32 s10, $0x1;
	s10 =	sld [smem:$0x3FBA]  }
0x3d: {  	_ =	shalt  }
0x3e: {  	_ =	shalt  }
0x3f: {  	_ =	shalt  }
0x40: {  	_ =	shalt  }
0x41: {  	_ =	shalt  }
0x42: {  	_ =	shalt  }
0x43: {  	_ =	shalt  }
0x44: {  	_ =	shalt  }
0x45: {  	_ =	shalt  }
0x46: {  	_ =	shalt  }
0x47: {  	_ =	shalt  }
0x48: {  	_ =	shalt  }
0x49: {  	_ =	shalt  }
0x4a: {  	_ =	shalt  }
0x4b: {  	_ =	shalt  }
0x4c: {  	_ =	shalt  }
0x4d: {  	_ =	shalt  }
0x4e: {  	_ =	shalt  }
0x4f: {  	_ =	shalt  }
0x50: {  	_ =	shalt  }
0x51: {  	_ =	shalt  }
0x52: {  	_ =	shalt  }
0x53: {  	_ =	shalt  }
0x54: {  	_ =	shalt  }
0x55: {  	_ =	shalt  }
0x56: {  	_ =	shalt  }
0x57: {  	_ =	shalt  }
0x58: {  	_ =	shalt  }
0x59: {  	_ =	shalt  }
0x5a: {  	_ =	shalt  }
0x5b: {  	_ =	shalt  }
0x5c: {  	_ =	shalt  }
0x5d: {  	_ =	shalt  }
0x5e: {  	_ =	shalt  }
0x5f: {  	_ =	shalt  }
0x60: {  	_ =	shalt  }
0x61: {  	_ =	shalt  }
0x62: {  	_ =	shalt  }
0x63: {  	_ =	shalt  }
0x64: {  	_ =	shalt  }
0x65: {  	_ =	shalt  }
0x66: {  	_ =	shalt  }
0x67: {  	_ =	shalt  }
0x68: {  	_ =	shalt  }
0x69: {  	_ =	shalt  }
0x6a: {  	_ =	shalt  }
0x6b: {  	_ =	shalt  }
0x6c: {  	_ =	shalt  }
0x6d: {  	_ =	shalt  }
0x6e: {  	_ =	shalt  }
0x6f: {  	_ =	shalt  }
0x70: {  	_ =	shalt  }
0x71: {  	_ =	shalt  }
0x72: {  	_ =	shalt  }
0x73: {  	_ =	shalt  }
0x74: {  	_ =	shalt  }
0x75: {  	_ =	shalt  }
0x76: {  	_ =	shalt  }
0x77: {  	_ =	shalt  }
0x78: {  	_ =	shalt  }
0x79: {  	_ =	shalt  }
0x7a: {  	_ =	shalt  }
0x7b: {  	_ =	shalt  }
0x7c: {  	_ =	shalt  }
0x7d: {  	_ =	shalt  }
0x7e: {  	_ =	shalt  }
0x7f: {  	_ =	shalt  }
0x80: {  	_ =	shalt  }
0x81: {  	_ =	shalt  }
0x82: {  	_ =	shalt  }
0x83: {  	_ =	shalt  }
0x84: {  	_ =	shalt  }
0x85: {  	_ =	shalt  }
0x86: {  	_ =	shalt  }
0x87: {  	_ =	shalt  }
.Lfunc_end0:
.L_simem_size_0:
called_computation.1_lowered:
.L_overlay_start_0:
0x88: {  	s2 =	sld [smem:$0x3FD9]  }
0x89: {  	s3 =	sld [smem:$0x3FFE];
	_ =	sdelay $0x1  }
0x8a: {  	s1 =	srdreg.scid  }
0x8b: {  	s0 =	sand.u32 $0x1, s1  }
0x8c: {  	s17 =	sshll.u32 s0, $0xA;
	s2 =	sadd.s32 s3, s2  }
0x8d: {  	s2 =	sadd.s32 s2, s17  }
0x8e: {  	[smem:$0x3FC6] =	sst s2  }
0x8f: {  	_ = 	snop  }
0x90: {  	s2 =	sld [smem:$0x3FD0];
	(tm) =	ssettm $0x1  }
0x91: {  	s18 =	sld [smem:$0x3FFB];
	_ =	sdelay $0x3  }
0x92: {  	_ =	strace s18  }
0x93: {  	s3 =	sld [smem:$0x3FFC];
	_ =	sdelay $0x3  }
0x94: {  	_ =	strace s3  }
0x95: {  	s3 =	sld [smem:$0x3FFD];
	_ =	sdelay $0x3  }
0x96: {  	_ =	strace s3  }
0x97: {  	_ =	strace $0x8FFFFFFF  }
0x98: {  	s19 =	sld [smem:$0x3FDB];
	_ =	sdelay $0x1  }
0x99: {  	s4 =	simm.s32 $_scs_section_size  }
0x9a: {  	s5 =	simm.s32 $_size__tile_overlayer_lowered;
	s6 =	simm.s32 $_tile_overlayer_lowered  }
0x9b: {  	s22 =	simm.s32 $0x1BFF;
	s21 =	sshll.u32 s6, $0x1;
	s3 =	sadd.s32 s4, s19  }
0x9c: {  	s7 =	simm.s32 $0x0;
	s20 =	sshll.u32 s5, $0x1;
	s5 =	sadd.s32 s21, s3  }
0x9d: {  	[timem:s7], [sflag:s22] =	dma.local [hbm:s5], s20  }
0x9e: {  	_ =	swait.ge [sflag:s22], s20  }
0x9f: {  	s4 =	ssub.s32 $0x0, s20;
	[sflag:s22] =	ssyncset.done $0x0  }
0xa0: {  	[sflag:s22] =	ssyncadd.s32 s4;
	_ =	sdelay $0x1  }
0xa1: {  	s23 =	simm.s32 $0x1B8B  }
0xa2: {  	_ =	swait.ge [sflag:s23], $0x1  }
0xa3: {  	[sflag:s23] =	ssyncset.done $0x0  }
0xa4: {  	s25 =	simm.s32 $0x1B8E;
	s24 =	sld [smem:$0x3FFE];
	[sflag:s23] =	ssyncadd.s32 $0xFFFFFFFF  }
0xa5: {  	s26 =	simm.s32 $execute0_lowered;
	[smem:$0x3FD2] =	sst s25  }
0xa6: {  	s5 =	sshll.u32 s26, $0x1;
	_ =	strace $0x80000046;
	[dreg:$0x1] =	wrdreg $0xFFFFFFFF  }
0xa7: {  	s28 =	simm.s32 $_size_execute0_lowered;
	s3 =	sadd.s32 s3, s5;
	[dreg:$0x0] =	wrdreg $0x0  }
0xa8: {  	s5 =	sshll.u32 s28, $0x1;
	[dreg:$0x2] =	wrdreg s3  }
0xa9: {  	[dreg:$0x3] =	wrdreg s5  }
0xaa: {  	[dreg:$0x4] =	wrdreg $0xC0  }
0xab: {  	_ =	task [dreg:s7], $0x5FFFF  }
0xac: {  	[dreg:$0x1] =	wrdreg $0xFFFFFFFF  }
0xad: {  	[dreg:$0x0] =	wrdreg $0x60  }
0xae: {  	[dreg:$0x2] =	wrdreg s24  }
0xaf: {  	[dreg:$0x3] =	wrdreg s2  }
0xb0: {  	[dreg:$0x4] =	wrdreg $0x9  }
0xb1: {  	_ =	task.clear_ibuf [dreg:s7], $0x5FFFF;
	_ =	strace $0x90000046  }
0xb2: {  	s29 =	simm.s32 $0x9;
	_ =	strace $0x80000048  }
0xb3: {  	_ =	swait.ge [sflag:s29], $0x1  }
0xb4: {  	[sflag:s29] =	ssyncadd.s32 $0xFFFFFFFF  }
0xb5: {  	_ =	strace $0x90000048  }
0xb6: {  	_ =	sfence  }
0xb7: {  	s30 =	sld [smem:$0x0];
	_ =	sdelay $0x2  }
0xb8: {  	s31 =	sshll.u32 s1, $0xD;
	s1 =	sshrl.u32 s1, $0x2  }
0xb9: {  	s3 =	sand.u32 $0x4000, s31;
	s1 =	sadd.s32 s1, s30  }
0xba: {  	s0 =	sor.u32 s3, s0;
	s1 =	sshll.u32 s1, $0x11  }
0xbb: {  	s0 =	sor.u32 s1, s0  }
0xbc: {  	s0 =	sadd.s32 $0x8F2B, s0  }
0xbd: {  	[sflag:s0] =	ssyncadd.remote.s32 $0x1  }
0xbe: {  	_ =	sfence.sel $0xFFFF  }
0xbf: {  	[dreg:$0x0] =	wrdreg $0xFFFFFFFF;
	(pc) =	sbr.abs _section_cstart, $3  }
0xc0: {  	[dreg:$0x1] =	wrdreg $0xFFFFFFFF  }
0xc1: {  	_ =	task.clear_ibuf [dreg:s7], $0x2FFFF;
	_ =	strace $0x9FFFFFFF  }
0xc2: {  	(tm) =	ssettm $0x7FFFFFFF  }
0xc3: {  	_ =	shalt  }
tec
execute0_lowered:
.L_overlay_start_1:
0x0: {  	(tag) =	ssettag $0x1  }
0x1: {  	s1 =	srdreg.scid;
	s11 =	stileid.u32  }
0x2: {  	s1 =	sand.u32 $0x1, s1;
	s3 =	sshll.u32 s11, $0x1  }
0x3: {  	s0 =	rddreg [dreg:$0x0];
	s6 =	sor.u32 s1, s3  }
0x4: {  	s4 =	rddreg [dreg:$0x1];
	s2 =	simm.s32 $0x0;
	s3 =	smul.u32 $0x6400, s6  }
0x5: {  	[smem:$0x7FF] =	sst s2;
	s14 =	smul.u32 $0xC800, s11  }
0x6: {  	s5 =	ssub.s32 $0x2, s1;
	s7 =	smul.u32 $0x32000, s6;
	s3 =	sshrl.u32 s3, $0x3  }
0x7: {  	s9 =	sshrl.u32 s5, $0x1;
	s8 =	sadd.s32 s3, s0;
	s3 =	sadd.s32 $0xF42E00, s0  }
0x8: {  	s0 =	ssub.s32 s5, s9;
	s5 =	sadd.s32 s4, s7;
	s13 =	sadd.s32 $0xA00, s8  }
0x9: {  	_ =	strace $0x80000047;
	s15 =	sadd.s32 $0x400, s5;
	[dreg:$0xf] =	wrdreg s13  }
0xa: {  	s12 =	smul.u32 $0x190000, s1;
	s16 =	sadd.s32 $0x800, s5;
	[dreg:$0x10] =	wrdreg s15  }
0xb: {  	s1 =	smul.u32 $0x6400, s1;
	s17 =	sadd.s32 $0xC00, s5;
	[dreg:$0x11] =	wrdreg s16  }
0xc: {  	s18 =	sadd.s32 $0x1000, s5;
	[dreg:$0x12] =	wrdreg s17  }
0xd: {  	s1 =	sadd.s32 s1, s14;
	s20 =	sadd.s32 $0x1400, s5;
	[dreg:$0x13] =	wrdreg s18  }
0xe: {  	s1 =	sshll.u32 s1, $0x3;
	s21 =	sadd.s32 $0x1800, s5;
	[dreg:$0x14] =	wrdreg s20  }
0xf: {  	s1 =	sadd.s32 s4, s1;
	s23 =	sadd.s32 $0x1C00, s5;
	[dreg:$0x15] =	wrdreg s21  }
0x10: {  	s24 =	sadd.s32 $0x2C00, s1;
	[dreg:$0x16] =	wrdreg s23  }
0x11: {  	s25 =	sadd.s32 $0x2800, s1;
	[dreg:$0x4] =	wrdreg s24  }
0x12: {  	s10 =	smul.u32 $0x320000, s11;
	s26 =	sadd.s32 $0x2400, s1;
	[dreg:$0x5] =	wrdreg s25  }
0x13: {  	s9 =	sadd.s32 $0x4000, s1;
	[dreg:$0x6] =	wrdreg s26  }
0x14: {  	s19 =	sadd.s32 s12, s10;
	s11 =	sadd.s32 $0x4C00, s1;
	[dreg:$0x7] =	wrdreg s9  }
0x15: {  	s8 =	sadd.s32 $0x10000, s19;
	s19 =	sadd.s32 $0x3C00, s1;
	[dreg:$0x8] =	wrdreg s11  }
0x16: {  	s0 =	smax.u32 s0, $0x1;
	[dreg:$0xc] =	wrdreg s19  }
0x17: {  	s13 =	sadd.s32 $0x4400, s1;
	[smem:$0x7FD] =	sst s0  }
0x18: {  	s6 =	smul.u32 $0x190000, s6;
	s15 =	sadd.s32 $0x4800, s1;
	[dreg:$0x9] =	wrdreg s13  }
0x19: {  	s28 =	simm.s32 $0x80;
	s17 =	sadd.s32 $0x3000, s1;
	[dreg:$0xa] =	wrdreg s15  }
0x1a: {  	s6 =	sshrl.u32 s6, $0x3;
	s21 =	sadd.s32 $0x3400, s1;
	[dreg:$0xb] =	wrdreg s17  }
0x1b: {  	s22 =	sshrl.u32 s8, $0x3;
	s1 =	sadd.s32 $0x3800, s1;
	[dreg:$0xd] =	wrdreg s21  }
0x1c: {  	s7 =	sadd.s32 s22, s4;
	s4 =	sadd.s32 s4, s6;
	[dreg:$0xe] =	wrdreg s1  }
0x1d: {  	s29 =	simm.s32 $0x6400;
	[dreg:$0x3] =	wrdreg s7;
	s8 =	sadd.s32 $0x2F000, s4  }
0x1e: {  	s30 =	simm.s32 $0x8400;
	s10 =	sadd.s32 $0x2F400, s4;
	[dreg:$0x17] =	wrdreg s8  }
0x1f: {  	s31 =	simm.s32 $0xC400;
	s12 =	sadd.s32 $0x2F800, s4;
	[dreg:$0x18] =	wrdreg s10  }
0x20: {  	s0 =	simm.s32 $0xE400;
	s14 =	sadd.s32 $0x2FC00, s4;
	[dreg:$0x19] =	wrdreg s12  }
0x21: {  	s9 =	simm.s32 $0x16400;
	s16 =	sadd.s32 $0x30000, s4;
	[dreg:$0x1a] =	wrdreg s14  }
0x22: {  	s11 =	simm.s32 $0x1A400;
	s18 =	sadd.s32 $0x30400, s4;
	[dreg:$0x1b] =	wrdreg s16  }
0x23: {  	s1 =	simm.s32 $0xA400;
	s20 =	sadd.s32 $0x30800, s4;
	[dreg:$0x1c] =	wrdreg s18  }
0x24: {  	s6 =	simm.s32 $0x12400;
	s22 =	sadd.s32 $0x30C00, s4;
	[dreg:$0x1d] =	wrdreg s20  }
0x25: {  	s13 =	simm.s32 $0x2;
	s23 =	sadd.s32 $0x31000, s4;
	[dreg:$0x1e] =	wrdreg s22  }
0x26: {  	s15 =	simm.s32 $0x3;
	s24 =	sadd.s32 $0x31400, s4;
	[dreg:$0x1f] =	wrdreg s23  }
0x27: {  	s17 =	simm.s32 $0x6;
	s25 =	sadd.s32 $0x31800, s4;
	[smem:$0x7FA] =	sst s24  }
0x28: {  	s26 =	sadd.s32 $0x31C00, s4;
	s4 =	simm.s32 $0x10400;
	[smem:$0x7FB] =	sst s25  }
0x29: {  	s7 =	simm.s32 $0x14400;
	[smem:$0x7FC] =	sst s26;
	s26 =	simm.s32 $0x7  }
0x2a: {  	s8 =	simm.s32 $0x1;
	s10 =	simm.s32 $0x18400;
	s12 =	simm.s32 $0x1C400  }
0x2b: {  	s14 =	simm.s32 $0x4;
	s16 =	simm.s32 $0x5;
	s18 =	simm.s32 $0x0  }
.LBB2_1:
0x2c: {  	s19 =	rddreg [dreg:$0xf]  }
0x2d: {  	[tilespmem:s2], [sflag:$0x7] =	stream.linear.gather [hbm4b:s19+s2], $0x6400, $0x38;
	[tilespmem:$0x1E400] =	vst v63  }
0x2e: {  	_ =	swait.ge [sflag:s26], $0x6400  }
0x2f: {  	[sflag:s26] =	ssyncset.done $0x0  }
0x30: {  	[sflag:s26] =	ssyncadd.s32 $0xFFFF9C00  }
0x31: {  	[tilespmem:s29], [sflag:$0x1] =	stream.indirect.gather [hbm4b:s3+s28], $0x40, s2, s28, $0xb8;
	[tilespmem:$0x1E400] =	vst v63  }
0x32: {  	_ = 	snop  }
0x33: {  	[tilespmem:s30], [sflag:$0x1] =	stream.indirect.gather [hbm4b:s3+s28], $0x40, s28, s28, $0xb8;
	[tilespmem:$0x1E400] =	vst v63  }
0x34: {  	s25 =	simm.s32 $0x100  }
0x35: {  	[tilespmem:s1], [sflag:$0x1] =	stream.indirect.gather [hbm4b:s3+s28], $0x40, s25, s28, $0xb8;
	[tilespmem:$0x1E400] =	vst v63  }
0x36: {  	s20 =	simm.s32 $0x180  }
0x37: {  	[tilespmem:s31], [sflag:$0x1] =	stream.indirect.gather [hbm4b:s3+s28], $0x40, s20, s28, $0xb8;
	[tilespmem:$0x1E400] =	vst v63  }
0x38: {  	s21 =	simm.s32 $0x200  }
0x39: {  	[tilespmem:s0], [sflag:$0x2] =	stream.indirect.gather [hbm4b:s3+s28], $0x40, s21, s28, $0xb8;
	[tilespmem:$0x1E400] =	vst v63  }
0x3a: {  	s22 =	simm.s32 $0x280  }
0x3b: {  	[tilespmem:s4], [sflag:$0x2] =	stream.indirect.gather [hbm4b:s3+s28], $0x40, s22, s28, $0xb8;
	[tilespmem:$0x1E400] =	vst v63  }
0x3c: {  	s23 =	simm.s32 $0x300  }
0x3d: {  	[tilespmem:s6], [sflag:$0x2] =	stream.indirect.gather [hbm4b:s3+s28], $0x40, s23, s28, $0xb8;
	[tilespmem:$0x1E400] =	vst v63  }
0x3e: {  	s24 =	simm.s32 $0x380  }
0x3f: {  	[tilespmem:s7], [sflag:$0x2] =	stream.indirect.gather [hbm4b:s3+s28], $0x40, s24, s28, $0xb8;
	[tilespmem:$0x1E400] =	vst v63  }
0x40: {  	_ =	swait.ge [sflag:s8], $0x2000  }
0x41: {  	[sflag:s8] =	ssyncset.done $0x0  }
0x42: {  	[sflag:s8] =	ssyncadd.s32 $0xFFFFE000  }
0x43: {  	_ =	swait.ge [sflag:s8], $0x2000  }
0x44: {  	[sflag:s8] =	ssyncset.done $0x0  }
0x45: {  	[sflag:s8] =	ssyncadd.s32 $0xFFFFE000  }
0x46: {  	_ =	swait.ge [sflag:s8], $0x2000  }
0x47: {  	[sflag:s8] =	ssyncset.done $0x0  }
0x48: {  	[sflag:s8] =	ssyncadd.s32 $0xFFFFE000  }
0x49: {  	_ =	swait.ge [sflag:s8], $0x2000  }
0x4a: {  	[sflag:s8] =	ssyncset.done $0x0  }
0x4b: {  	[sflag:s8] =	ssyncadd.s32 $0xFFFFE000  }
0x4c: {  	[hbm4b:s5+s2] =	stream.linear.scatter [tilespmem:s29], [sflag:$0x4], $0x2000, $0x38;
	[tilespmem:$0x1E400] =	vst v63  }
0x4d: {  	s25 =	rddreg [dreg:$0x10]  }
0x4e: {  	[hbm4b:s25+s2] =	stream.linear.scatter [tilespmem:s30], [sflag:$0x4], $0x2000, $0x38;
	[tilespmem:$0x1E400] =	vst v63  }
0x4f: {  	s20 =	rddreg [dreg:$0x11]  }
0x50: {  	[hbm4b:s20+s2] =	stream.linear.scatter [tilespmem:s1], [sflag:$0x4], $0x2000, $0x38;
	[tilespmem:$0x1E400] =	vst v63  }
0x51: {  	s21 =	rddreg [dreg:$0x12]  }
0x52: {  	[hbm4b:s21+s2] =	stream.linear.scatter [tilespmem:s31], [sflag:$0x4], $0x2000, $0x38;
	[tilespmem:$0x1E400] =	vst v63  }
0x53: {  	s22 =	simm.s32 $0x400  }
0x54: {  	[tilespmem:s9], [sflag:$0x3] =	stream.indirect.gather [hbm4b:s3+s28], $0x40, s22, s28, $0xb8;
	[tilespmem:$0x1E400] =	vst v63  }
0x55: {  	s23 =	simm.s32 $0x480  }
0x56: {  	[tilespmem:s10], [sflag:$0x3] =	stream.indirect.gather [hbm4b:s3+s28], $0x40, s23, s28, $0xb8;
	[tilespmem:$0x1E400] =	vst v63  }
0x57: {  	s24 =	simm.s32 $0x500  }
0x58: {  	[tilespmem:s11], [sflag:$0x3] =	stream.indirect.gather [hbm4b:s3+s28], $0x40, s24, s28, $0xb8;
	[tilespmem:$0x1E400] =	vst v63  }
0x59: {  	s25 =	simm.s32 $0x580  }
0x5a: {  	[tilespmem:s12], [sflag:$0x3] =	stream.indirect.gather [hbm4b:s3+s28], $0x40, s25, s28, $0xb8;
	[tilespmem:$0x1E400] =	vst v63  }
0x5b: {  	_ =	swait.ge [sflag:s13], $0x2000  }
0x5c: {  	[sflag:s13] =	ssyncset.done $0x0  }
0x5d: {  	[sflag:s13] =	ssyncadd.s32 $0xFFFFE000  }
0x5e: {  	_ =	swait.ge [sflag:s13], $0x2000  }
0x5f: {  	[sflag:s13] =	ssyncset.done $0x0  }
0x60: {  	[sflag:s13] =	ssyncadd.s32 $0xFFFFE000  }
0x61: {  	_ =	swait.ge [sflag:s13], $0x2000  }
0x62: {  	[sflag:s13] =	ssyncset.done $0x0  }
0x63: {  	[sflag:s13] =	ssyncadd.s32 $0xFFFFE000  }
0x64: {  	_ =	swait.ge [sflag:s13], $0x2000  }
0x65: {  	[sflag:s13] =	ssyncset.done $0x0  }
0x66: {  	s20 =	rddreg [dreg:$0x13];
	[sflag:s13] =	ssyncadd.s32 $0xFFFFE000  }
0x67: {  	[hbm4b:s20+s2] =	stream.linear.scatter [tilespmem:s0], [sflag:$0x5], $0x2000, $0x38;
	[tilespmem:$0x1E400] =	vst v63  }
0x68: {  	s21 =	rddreg [dreg:$0x14]  }
0x69: {  	[hbm4b:s21+s2] =	stream.linear.scatter [tilespmem:s4], [sflag:$0x5], $0x2000, $0x38;
	[tilespmem:$0x1E400] =	vst v63  }
0x6a: {  	s22 =	rddreg [dreg:$0x15]  }
0x6b: {  	[hbm4b:s22+s2] =	stream.linear.scatter [tilespmem:s6], [sflag:$0x5], $0x2000, $0x38;
	[tilespmem:$0x1E400] =	vst v63  }
0x6c: {  	s23 =	rddreg [dreg:$0x16]  }
0x6d: {  	[hbm4b:s23+s2] =	stream.linear.scatter [tilespmem:s7], [sflag:$0x5], $0x2000, $0x38;
	[tilespmem:$0x1E400] =	vst v63  }
0x6e: {  	_ =	swait.ge [sflag:s14], $0x2000  }
0x6f: {  	[sflag:s14] =	ssyncset.done $0x0  }
0x70: {  	[sflag:s14] =	ssyncadd.s32 $0xFFFFE000  }
0x71: {  	_ =	swait.ge [sflag:s14], $0x2000  }
0x72: {  	[sflag:s14] =	ssyncset.done $0x0  }
0x73: {  	[sflag:s14] =	ssyncadd.s32 $0xFFFFE000  }
0x74: {  	_ =	swait.ge [sflag:s14], $0x2000  }
0x75: {  	[sflag:s14] =	ssyncset.done $0x0  }
0x76: {  	[sflag:s14] =	ssyncadd.s32 $0xFFFFE000  }
0x77: {  	_ =	swait.ge [sflag:s14], $0x2000  }
0x78: {  	[sflag:s14] =	ssyncset.done $0x0  }
0x79: {  	s24 =	simm.s32 $0x600;
	[sflag:s14] =	ssyncadd.s32 $0xFFFFE000  }
0x7a: {  	[tilespmem:s29], [sflag:$0x1] =	stream.indirect.gather [hbm4b:s3+s28], $0x40, s24, s28, $0xb8;
	[tilespmem:$0x1E400] =	vst v63  }
0x7b: {  	s25 =	simm.s32 $0x680  }
0x7c: {  	[tilespmem:s30], [sflag:$0x1] =	stream.indirect.gather [hbm4b:s3+s28], $0x40, s25, s28, $0xb8;
	[tilespmem:$0x1E400] =	vst v63  }
0x7d: {  	s20 =	simm.s32 $0x700  }
0x7e: {  	[tilespmem:s1], [sflag:$0x1] =	stream.indirect.gather [hbm4b:s3+s28], $0x40, s20, s28, $0xb8;
	[tilespmem:$0x1E400] =	vst v63  }
0x7f: {  	s21 =	simm.s32 $0x780  }
0x80: {  	[tilespmem:s31], [sflag:$0x1] =	stream.indirect.gather [hbm4b:s3+s28], $0x40, s21, s28, $0xb8;
	[tilespmem:$0x1E400] =	vst v63  }
0x81: {  	_ =	swait.ge [sflag:s15], $0x2000  }
0x82: {  	[sflag:s15] =	ssyncset.done $0x0  }
0x83: {  	[sflag:s15] =	ssyncadd.s32 $0xFFFFE000  }
0x84: {  	_ =	swait.ge [sflag:s15], $0x2000  }
0x85: {  	[sflag:s15] =	ssyncset.done $0x0  }
0x86: {  	[sflag:s15] =	ssyncadd.s32 $0xFFFFE000  }
0x87: {  	_ =	swait.ge [sflag:s15], $0x2000  }
0x88: {  	[sflag:s15] =	ssyncset.done $0x0  }
0x89: {  	[sflag:s15] =	ssyncadd.s32 $0xFFFFE000  }
0x8a: {  	_ =	swait.ge [sflag:s15], $0x2000  }
0x8b: {  	s22 =	rddreg [dreg:$0x3];
	[sflag:s15] =	ssyncset.done $0x0  }
0x8c: {  	s20 =	rddreg [dreg:$0x6];
	[sflag:s15] =	ssyncadd.s32 $0xFFFFE000;
	s19 =	sadd.s32 $0x0, s22  }
0x8d: {  	[hbm4b:s19+s2] =	stream.linear.scatter [tilespmem:s9], [sflag:$0x6], $0x2000, $0x38;
	[tilespmem:$0x1E400] =	vst v63  }
0x8e: {  	s21 =	rddreg [dreg:$0x5];
	s23 =	sadd.s32 $0x0, s20  }
0x8f: {  	[hbm4b:s23+s2] =	stream.linear.scatter [tilespmem:s10], [sflag:$0x6], $0x2000, $0x38;
	[tilespmem:$0x1E400] =	vst v63  }
0x90: {  	s24 =	rddreg [dreg:$0x4];
	s25 =	sadd.s32 $0x0, s21  }
0x91: {  	[hbm4b:s25+s2] =	stream.linear.scatter [tilespmem:s11], [sflag:$0x6], $0x2000, $0x38;
	[tilespmem:$0x1E400] =	vst v63  }
0x92: {  	s21 =	sadd.s32 $0x0, s24  }
0x93: {  	[hbm4b:s21+s2] =	stream.linear.scatter [tilespmem:s12], [sflag:$0x6], $0x2000, $0x38;
	[tilespmem:$0x1E400] =	vst v63  }
0x94: {  	_ =	swait.ge [sflag:s16], $0x2000  }
0x95: {  	[sflag:s16] =	ssyncset.done $0x0  }
0x96: {  	[sflag:s16] =	ssyncadd.s32 $0xFFFFE000  }
0x97: {  	_ =	swait.ge [sflag:s16], $0x2000  }
0x98: {  	[sflag:s16] =	ssyncset.done $0x0  }
0x99: {  	[sflag:s16] =	ssyncadd.s32 $0xFFFFE000  }
0x9a: {  	_ =	swait.ge [sflag:s16], $0x2000  }
0x9b: {  	[sflag:s16] =	ssyncset.done $0x0  }
0x9c: {  	[sflag:s16] =	ssyncadd.s32 $0xFFFFE000  }
0x9d: {  	_ =	swait.ge [sflag:s16], $0x2000  }
0x9e: {  	[sflag:s16] =	ssyncset.done $0x0  }
0x9f: {  	s22 =	simm.s32 $0x800;
	[sflag:s16] =	ssyncadd.s32 $0xFFFFE000  }
0xa0: {  	[tilespmem:s0], [sflag:$0x2] =	stream.indirect.gather [hbm4b:s3+s28], $0x40, s22, s28, $0xb8;
	[tilespmem:$0x1E400] =	vst v63  }
0xa1: {  	s23 =	simm.s32 $0x880  }
0xa2: {  	[tilespmem:s4], [sflag:$0x2] =	stream.indirect.gather [hbm4b:s3+s28], $0x40, s23, s28, $0xb8;
	[tilespmem:$0x1E400] =	vst v63  }
0xa3: {  	s24 =	simm.s32 $0x900  }
0xa4: {  	[tilespmem:s6], [sflag:$0x2] =	stream.indirect.gather [hbm4b:s3+s28], $0x40, s24, s28, $0xb8;
	[tilespmem:$0x1E400] =	vst v63  }
0xa5: {  	s25 =	simm.s32 $0x980  }
0xa6: {  	[tilespmem:s7], [sflag:$0x2] =	stream.indirect.gather [hbm4b:s3+s28], $0x40, s25, s28, $0xb8;
	[tilespmem:$0x1E400] =	vst v63  }
0xa7: {  	_ =	swait.ge [sflag:s8], $0x2000  }
0xa8: {  	[sflag:s8] =	ssyncset.done $0x0  }
0xa9: {  	[sflag:s8] =	ssyncadd.s32 $0xFFFFE000  }
0xaa: {  	_ =	swait.ge [sflag:s8], $0x2000  }
0xab: {  	[sflag:s8] =	ssyncset.done $0x0  }
0xac: {  	[sflag:s8] =	ssyncadd.s32 $0xFFFFE000  }
0xad: {  	_ =	swait.ge [sflag:s8], $0x2000  }
0xae: {  	[sflag:s8] =	ssyncset.done $0x0  }
0xaf: {  	[sflag:s8] =	ssyncadd.s32 $0xFFFFE000  }
0xb0: {  	_ =	swait.ge [sflag:s8], $0x2000  }
0xb1: {  	s20 =	rddreg [dreg:$0xb];
	[sflag:s8] =	ssyncset.done $0x0  }
0xb2: {  	s21 =	rddreg [dreg:$0xd];
	[sflag:s8] =	ssyncadd.s32 $0xFFFFE000;
	s19 =	sadd.s32 $0x0, s20  }
0xb3: {  	[hbm4b:s19+s2] =	stream.linear.scatter [tilespmem:s29], [sflag:$0x4], $0x2000, $0x38;
	[tilespmem:$0x1E400] =	vst v63  }
0xb4: {  	s22 =	rddreg [dreg:$0xe];
	s23 =	sadd.s32 $0x0, s21  }
0xb5: {  	[hbm4b:s23+s2] =	stream.linear.scatter [tilespmem:s30], [sflag:$0x4], $0x2000, $0x38;
	[tilespmem:$0x1E400] =	vst v63  }
0xb6: {  	s24 =	rddreg [dreg:$0xc];
	s25 =	sadd.s32 $0x0, s22  }
0xb7: {  	[hbm4b:s25+s2] =	stream.linear.scatter [tilespmem:s1], [sflag:$0x4], $0x2000, $0x38;
	[tilespmem:$0x1E400] =	vst v63  }
0xb8: {  	s21 =	sadd.s32 $0x0, s24  }
0xb9: {  	[hbm4b:s21+s2] =	stream.linear.scatter [tilespmem:s31], [sflag:$0x4], $0x2000, $0x38;
	[tilespmem:$0x1E400] =	vst v63  }
0xba: {  	_ =	swait.ge [sflag:s17], $0x2000  }
0xbb: {  	[sflag:s17] =	ssyncset.done $0x0  }
0xbc: {  	[sflag:s17] =	ssyncadd.s32 $0xFFFFE000  }
0xbd: {  	_ =	swait.ge [sflag:s17], $0x2000  }
0xbe: {  	[sflag:s17] =	ssyncset.done $0x0  }
0xbf: {  	[sflag:s17] =	ssyncadd.s32 $0xFFFFE000  }
0xc0: {  	_ =	swait.ge [sflag:s17], $0x2000  }
0xc1: {  	[sflag:s17] =	ssyncset.done $0x0  }
0xc2: {  	[sflag:s17] =	ssyncadd.s32 $0xFFFFE000  }
0xc3: {  	_ =	swait.ge [sflag:s17], $0x2000  }
0xc4: {  	[sflag:s17] =	ssyncset.done $0x0  }
0xc5: {  	s22 =	simm.s32 $0xA00;
	[sflag:s17] =	ssyncadd.s32 $0xFFFFE000  }
0xc6: {  	[tilespmem:s9], [sflag:$0x3] =	stream.indirect.gather [hbm4b:s3+s28], $0x40, s22, s28, $0xb8;
	[tilespmem:$0x1E400] =	vst v63  }
0xc7: {  	s23 =	simm.s32 $0xA80  }
0xc8: {  	[tilespmem:s10], [sflag:$0x3] =	stream.indirect.gather [hbm4b:s3+s28], $0x40, s23, s28, $0xb8;
	[tilespmem:$0x1E400] =	vst v63  }
0xc9: {  	s24 =	simm.s32 $0xB00  }
0xca: {  	[tilespmem:s11], [sflag:$0x3] =	stream.indirect.gather [hbm4b:s3+s28], $0x40, s24, s28, $0xb8;
	[tilespmem:$0x1E400] =	vst v63  }
0xcb: {  	s25 =	simm.s32 $0xB80  }
0xcc: {  	[tilespmem:s12], [sflag:$0x3] =	stream.indirect.gather [hbm4b:s3+s28], $0x40, s25, s28, $0xb8;
	[tilespmem:$0x1E400] =	vst v63  }
0xcd: {  	_ =	swait.ge [sflag:s13], $0x2000  }
0xce: {  	[sflag:s13] =	ssyncset.done $0x0  }
0xcf: {  	[sflag:s13] =	ssyncadd.s32 $0xFFFFE000  }
0xd0: {  	_ =	swait.ge [sflag:s13], $0x2000  }
0xd1: {  	[sflag:s13] =	ssyncset.done $0x0  }
0xd2: {  	[sflag:s13] =	ssyncadd.s32 $0xFFFFE000  }
0xd3: {  	_ =	swait.ge [sflag:s13], $0x2000  }
0xd4: {  	[sflag:s13] =	ssyncset.done $0x0  }
0xd5: {  	[sflag:s13] =	ssyncadd.s32 $0xFFFFE000  }
0xd6: {  	_ =	swait.ge [sflag:s13], $0x2000  }
0xd7: {  	s20 =	rddreg [dreg:$0x7]  }
0xd8: {  	s21 =	rddreg [dreg:$0x9];
	[sflag:s13] =	ssyncset.done $0x0  }
0xd9: {  	s22 =	rddreg [dreg:$0xa];
	[sflag:s13] =	ssyncadd.s32 $0xFFFFE000;
	s19 =	sadd.s32 $0x0, s20  }
0xda: {  	[hbm4b:s19+s2] =	stream.linear.scatter [tilespmem:s0], [sflag:$0x5], $0x2000, $0x38;
	[tilespmem:$0x1E400] =	vst v63  }
0xdb: {  	s24 =	rddreg [dreg:$0x8];
	s23 =	sadd.s32 $0x0, s21;
	s25 =	sadd.s32 $0x0, s22  }
0xdc: {  	[hbm4b:s23+s2] =	stream.linear.scatter [tilespmem:s4], [sflag:$0x5], $0x2000, $0x38;
	[tilespmem:$0x1E400] =	vst v63  }
0xdd: {  	s21 =	sadd.s32 $0x0, s24;
	s20 =	simm.s32 $0xC00;
	s19 =	simm.s32 $0x3000  }
0xde: {  	[hbm4b:s25+s2] =	stream.linear.scatter [tilespmem:s6], [sflag:$0x5], $0x2000, $0x38;
	[tilespmem:$0x1E400] =	vst v63  }
.LBB2_2:
0xdf: {  	[hbm4b:s21+s2] =	stream.linear.scatter [tilespmem:s7], [sflag:$0x5], $0x2000, $0x38;
	[tilespmem:$0x1E400] =	vst v63  }
0xe0: {  	_ =	swait.ge [sflag:s14], $0x2000  }
0xe1: {  	[sflag:s14] =	ssyncset.done $0x0  }
0xe2: {  	[sflag:s14] =	ssyncadd.s32 $0xFFFFE000  }
0xe3: {  	_ =	swait.ge [sflag:s14], $0x2000  }
0xe4: {  	[sflag:s14] =	ssyncset.done $0x0  }
0xe5: {  	[sflag:s14] =	ssyncadd.s32 $0xFFFFE000  }
0xe6: {  	_ =	swait.ge [sflag:s14], $0x2000  }
0xe7: {  	[sflag:s14] =	ssyncset.done $0x0  }
0xe8: {  	[sflag:s14] =	ssyncadd.s32 $0xFFFFE000  }
0xe9: {  	_ =	swait.ge [sflag:s14], $0x2000  }
0xea: {  	[sflag:s14] =	ssyncset.done $0x0  }
0xeb: {  	[sflag:s14] =	ssyncadd.s32 $0xFFFFE000  }
0xec: {  	[tilespmem:s29], [sflag:$0x1] =	stream.indirect.gather [hbm4b:s3+s28], $0x40, s20, s28, $0xb8;
	[tilespmem:$0x1E400] =	vst v63  }
0xed: {  	s22 =	sadd.s32 $0x80, s20  }
0xee: {  	[tilespmem:s30], [sflag:$0x1] =	stream.indirect.gather [hbm4b:s3+s28], $0x40, s22, s28, $0xb8;
	[tilespmem:$0x1E400] =	vst v63  }
0xef: {  	s23 =	sadd.s32 $0x100, s20  }
0xf0: {  	[tilespmem:s1], [sflag:$0x1] =	stream.indirect.gather [hbm4b:s3+s28], $0x40, s23, s28, $0xb8;
	[tilespmem:$0x1E400] =	vst v63  }
0xf1: {  	s24 =	sadd.s32 $0x180, s20  }
0xf2: {  	[tilespmem:s31], [sflag:$0x1] =	stream.indirect.gather [hbm4b:s3+s28], $0x40, s24, s28, $0xb8;
	[tilespmem:$0x1E400] =	vst v63  }
0xf3: {  	_ =	swait.ge [sflag:s15], $0x2000  }
0xf4: {  	[sflag:s15] =	ssyncset.done $0x0  }
0xf5: {  	[sflag:s15] =	ssyncadd.s32 $0xFFFFE000  }
0xf6: {  	_ =	swait.ge [sflag:s15], $0x2000  }
0xf7: {  	[sflag:s15] =	ssyncset.done $0x0  }
0xf8: {  	[sflag:s15] =	ssyncadd.s32 $0xFFFFE000  }
0xf9: {  	_ =	swait.ge [sflag:s15], $0x2000  }
0xfa: {  	[sflag:s15] =	ssyncset.done $0x0  }
0xfb: {  	[sflag:s15] =	ssyncadd.s32 $0xFFFFE000  }
0xfc: {  	_ =	swait.ge [sflag:s15], $0x2000  }
0xfd: {  	s21 =	smov.u32 s19;
	s25 =	rddreg [dreg:$0x3];
	[sflag:s15] =	ssyncset.done $0x0  }
0xfe: {  	s23 =	rddreg [dreg:$0x6];
	[sflag:s15] =	ssyncadd.s32 $0xFFFFE000;
	s22 =	sadd.s32 s21, s25  }
0xff: {  	[hbm4b:s22+s2] =	stream.linear.scatter [tilespmem:s9], [sflag:$0x6], $0x2000, $0x38;
	[tilespmem:$0x1E400] =	vst v63  }
0x100: {  	s24 =	rddreg [dreg:$0x5];
	s23 =	sadd.s32 s21, s23  }
0x101: {  	[hbm4b:s23+s2] =	stream.linear.scatter [tilespmem:s10], [sflag:$0x6], $0x2000, $0x38;
	[tilespmem:$0x1E400] =	vst v63  }
0x102: {  	s25 =	rddreg [dreg:$0x4];
	s24 =	sadd.s32 s21, s24  }
0x103: {  	[hbm4b:s24+s2] =	stream.linear.scatter [tilespmem:s11], [sflag:$0x6], $0x2000, $0x38;
	[tilespmem:$0x1E400] =	vst v63  }
0x104: {  	s25 =	sadd.s32 s21, s25  }
0x105: {  	[hbm4b:s25+s2] =	stream.linear.scatter [tilespmem:s12], [sflag:$0x6], $0x2000, $0x38;
	[tilespmem:$0x1E400] =	vst v63  }
0x106: {  	_ =	swait.ge [sflag:s16], $0x2000  }
0x107: {  	[sflag:s16] =	ssyncset.done $0x0  }
0x108: {  	[sflag:s16] =	ssyncadd.s32 $0xFFFFE000  }
0x109: {  	_ =	swait.ge [sflag:s16], $0x2000  }
0x10a: {  	[sflag:s16] =	ssyncset.done $0x0  }
0x10b: {  	[sflag:s16] =	ssyncadd.s32 $0xFFFFE000  }
0x10c: {  	_ =	swait.ge [sflag:s16], $0x2000  }
0x10d: {  	[sflag:s16] =	ssyncset.done $0x0  }
0x10e: {  	[sflag:s16] =	ssyncadd.s32 $0xFFFFE000  }
0x10f: {  	_ =	swait.ge [sflag:s16], $0x2000  }
0x110: {  	[sflag:s16] =	ssyncset.done $0x0  }
0x111: {  	s23 =	sadd.s32 $0x200, s20;
	[sflag:s16] =	ssyncadd.s32 $0xFFFFE000  }
0x112: {  	[tilespmem:s0], [sflag:$0x2] =	stream.indirect.gather [hbm4b:s3+s28], $0x40, s23, s28, $0xb8;
	[tilespmem:$0x1E400] =	vst v63  }
0x113: {  	s24 =	sadd.s32 $0x280, s20  }
0x114: {  	[tilespmem:s4], [sflag:$0x2] =	stream.indirect.gather [hbm4b:s3+s28], $0x40, s24, s28, $0xb8;
	[tilespmem:$0x1E400] =	vst v63  }
0x115: {  	s25 =	sadd.s32 $0x300, s20  }
0x116: {  	[tilespmem:s6], [sflag:$0x2] =	stream.indirect.gather [hbm4b:s3+s28], $0x40, s25, s28, $0xb8;
	[tilespmem:$0x1E400] =	vst v63  }
0x117: {  	s23 =	sadd.s32 $0x380, s20  }
0x118: {  	[tilespmem:s7], [sflag:$0x2] =	stream.indirect.gather [hbm4b:s3+s28], $0x40, s23, s28, $0xb8;
	[tilespmem:$0x1E400] =	vst v63  }
0x119: {  	_ =	swait.ge [sflag:s8], $0x2000  }
0x11a: {  	[sflag:s8] =	ssyncset.done $0x0  }
0x11b: {  	[sflag:s8] =	ssyncadd.s32 $0xFFFFE000  }
0x11c: {  	_ =	swait.ge [sflag:s8], $0x2000  }
0x11d: {  	[sflag:s8] =	ssyncset.done $0x0  }
0x11e: {  	[sflag:s8] =	ssyncadd.s32 $0xFFFFE000  }
0x11f: {  	_ =	swait.ge [sflag:s8], $0x2000  }
0x120: {  	[sflag:s8] =	ssyncset.done $0x0  }
0x121: {  	[sflag:s8] =	ssyncadd.s32 $0xFFFFE000  }
0x122: {  	_ =	swait.ge [sflag:s8], $0x2000  }
0x123: {  	s24 =	rddreg [dreg:$0xb];
	[sflag:s8] =	ssyncset.done $0x0  }
0x124: {  	s25 =	rddreg [dreg:$0xd];
	[sflag:s8] =	ssyncadd.s32 $0xFFFFE000;
	s22 =	sadd.s32 s21, s24  }
0x125: {  	[hbm4b:s22+s2] =	stream.linear.scatter [tilespmem:s29], [sflag:$0x4], $0x2000, $0x38;
	[tilespmem:$0x1E400] =	vst v63  }
0x126: {  	s24 =	rddreg [dreg:$0xe];
	s25 =	sadd.s32 s21, s25  }
0x127: {  	[hbm4b:s25+s2] =	stream.linear.scatter [tilespmem:s30], [sflag:$0x4], $0x2000, $0x38;
	[tilespmem:$0x1E400] =	vst v63  }
0x128: {  	s23 =	rddreg [dreg:$0xc];
	s25 =	sadd.s32 s21, s24  }
0x129: {  	[hbm4b:s25+s2] =	stream.linear.scatter [tilespmem:s1], [sflag:$0x4], $0x2000, $0x38;
	[tilespmem:$0x1E400] =	vst v63  }
0x12a: {  	s23 =	sadd.s32 s21, s23  }
0x12b: {  	[hbm4b:s23+s2] =	stream.linear.scatter [tilespmem:s31], [sflag:$0x4], $0x2000, $0x38;
	[tilespmem:$0x1E400] =	vst v63  }
0x12c: {  	_ =	swait.ge [sflag:s17], $0x2000  }
0x12d: {  	[sflag:s17] =	ssyncset.done $0x0  }
0x12e: {  	[sflag:s17] =	ssyncadd.s32 $0xFFFFE000  }
0x12f: {  	_ =	swait.ge [sflag:s17], $0x2000  }
0x130: {  	[sflag:s17] =	ssyncset.done $0x0  }
0x131: {  	[sflag:s17] =	ssyncadd.s32 $0xFFFFE000  }
0x132: {  	_ =	swait.ge [sflag:s17], $0x2000  }
0x133: {  	[sflag:s17] =	ssyncset.done $0x0  }
0x134: {  	[sflag:s17] =	ssyncadd.s32 $0xFFFFE000  }
0x135: {  	_ =	swait.ge [sflag:s17], $0x2000  }
0x136: {  	[sflag:s17] =	ssyncset.done $0x0  }
0x137: {  	s24 =	sadd.s32 $0x400, s20;
	[sflag:s17] =	ssyncadd.s32 $0xFFFFE000  }
0x138: {  	[tilespmem:s9], [sflag:$0x3] =	stream.indirect.gather [hbm4b:s3+s28], $0x40, s24, s28, $0xb8;
	[tilespmem:$0x1E400] =	vst v63  }
0x139: {  	s25 =	sadd.s32 $0x480, s20  }
0x13a: {  	[tilespmem:s10], [sflag:$0x3] =	stream.indirect.gather [hbm4b:s3+s28], $0x40, s25, s28, $0xb8;
	[tilespmem:$0x1E400] =	vst v63  }
0x13b: {  	s23 =	sadd.s32 $0x500, s20  }
0x13c: {  	[tilespmem:s11], [sflag:$0x3] =	stream.indirect.gather [hbm4b:s3+s28], $0x40, s23, s28, $0xb8;
	[tilespmem:$0x1E400] =	vst v63  }
0x13d: {  	s24 =	sadd.s32 $0x580, s20  }
0x13e: {  	[tilespmem:s12], [sflag:$0x3] =	stream.indirect.gather [hbm4b:s3+s28], $0x40, s24, s28, $0xb8;
	[tilespmem:$0x1E400] =	vst v63  }
0x13f: {  	_ =	swait.ge [sflag:s13], $0x2000  }
0x140: {  	[sflag:s13] =	ssyncset.done $0x0  }
0x141: {  	[sflag:s13] =	ssyncadd.s32 $0xFFFFE000  }
0x142: {  	_ =	swait.ge [sflag:s13], $0x2000  }
0x143: {  	[sflag:s13] =	ssyncset.done $0x0  }
0x144: {  	[sflag:s13] =	ssyncadd.s32 $0xFFFFE000  }
0x145: {  	_ =	swait.ge [sflag:s13], $0x2000  }
0x146: {  	[sflag:s13] =	ssyncset.done $0x0  }
0x147: {  	[sflag:s13] =	ssyncadd.s32 $0xFFFFE000  }
0x148: {  	_ =	swait.ge [sflag:s13], $0x2000  }
0x149: {  	p0 =	sne.s32 s19, $0x2A000;
	s25 =	rddreg [dreg:$0x7];
	[sflag:s13] =	ssyncset.done $0x0  }
0x14a: {  	s23 =	rddreg [dreg:$0x9];
	[sflag:s13] =	ssyncadd.s32 $0xFFFFE000;
	s22 =	sadd.s32 s21, s25  }
0x14b: {  	[hbm4b:s22+s2] =	stream.linear.scatter [tilespmem:s0], [sflag:$0x5], $0x2000, $0x38;
	[tilespmem:$0x1E400] =	vst v63  }
.Ltmp0:
0x14c: {  	s24 =	rddreg [dreg:$0xa];
	(pc) =	sbr.rel @p0 .LBB2_2-.Ltmp0, $4  }
0x14d: {  	s19 =	sadd.s32 $0x3000, s19;
	s25 =	rddreg [dreg:$0x8];
	s23 =	sadd.s32 s21, s23  }
0x14e: {  	[hbm4b:s23+s2] =	stream.linear.scatter [tilespmem:s4], [sflag:$0x5], $0x2000, $0x38;
	[tilespmem:$0x1E400] =	vst v63  }
0x14f: {  	s20 =	sadd.s32 $0x600, s20;
	s24 =	sadd.s32 s21, s24;
	s21 =	sadd.s32 s21, s25  }
0x150: {  	[hbm4b:s24+s2] =	stream.linear.scatter [tilespmem:s6], [sflag:$0x5], $0x2000, $0x38;
	[tilespmem:$0x1E400] =	vst v63  }
0x151: {  	[hbm4b:s21+s2] =	stream.linear.scatter [tilespmem:s7], [sflag:$0x5], $0x2000, $0x38;
	[tilespmem:$0x1E400] =	vst v63  }
0x152: {  	_ =	swait.ge [sflag:s14], $0x2000  }
0x153: {  	[sflag:s14] =	ssyncset.done $0x0  }
0x154: {  	[sflag:s14] =	ssyncadd.s32 $0xFFFFE000  }
0x155: {  	_ =	swait.ge [sflag:s14], $0x2000  }
0x156: {  	[sflag:s14] =	ssyncset.done $0x0  }
0x157: {  	[sflag:s14] =	ssyncadd.s32 $0xFFFFE000  }
0x158: {  	_ =	swait.ge [sflag:s14], $0x2000  }
0x159: {  	[sflag:s14] =	ssyncset.done $0x0  }
0x15a: {  	[sflag:s14] =	ssyncadd.s32 $0xFFFFE000  }
0x15b: {  	_ =	swait.ge [sflag:s14], $0x2000  }
0x15c: {  	[sflag:s14] =	ssyncset.done $0x0  }
0x15d: {  	s19 =	simm.s32 $0x6000;
	[sflag:s14] =	ssyncadd.s32 $0xFFFFE000  }
0x15e: {  	[tilespmem:s29], [sflag:$0x1] =	stream.indirect.gather [hbm4b:s3+s28], $0x40, s19, s28, $0xb8;
	[tilespmem:$0x1E400] =	vst v63  }
0x15f: {  	s24 =	simm.s32 $0x6080  }
0x160: {  	[tilespmem:s30], [sflag:$0x1] =	stream.indirect.gather [hbm4b:s3+s28], $0x40, s24, s28, $0xb8;
	[tilespmem:$0x1E400] =	vst v63  }
0x161: {  	s25 =	simm.s32 $0x6100  }
0x162: {  	[tilespmem:s1], [sflag:$0x1] =	stream.indirect.gather [hbm4b:s3+s28], $0x40, s25, s28, $0xb8;
	[tilespmem:$0x1E400] =	vst v63  }
0x163: {  	s20 =	simm.s32 $0x6180  }
0x164: {  	[tilespmem:s31], [sflag:$0x1] =	stream.indirect.gather [hbm4b:s3+s28], $0x40, s20, s28, $0xb8;
	[tilespmem:$0x1E400] =	vst v63  }
0x165: {  	_ =	swait.ge [sflag:s15], $0x2000  }
0x166: {  	[sflag:s15] =	ssyncset.done $0x0  }
0x167: {  	[sflag:s15] =	ssyncadd.s32 $0xFFFFE000  }
0x168: {  	_ =	swait.ge [sflag:s15], $0x2000  }
0x169: {  	[sflag:s15] =	ssyncset.done $0x0  }
0x16a: {  	[sflag:s15] =	ssyncadd.s32 $0xFFFFE000  }
0x16b: {  	_ =	swait.ge [sflag:s15], $0x2000  }
0x16c: {  	[sflag:s15] =	ssyncset.done $0x0  }
0x16d: {  	[sflag:s15] =	ssyncadd.s32 $0xFFFFE000  }
0x16e: {  	_ =	swait.ge [sflag:s15], $0x2000  }
0x16f: {  	[sflag:s15] =	ssyncset.done $0x0  }
0x170: {  	s21 =	rddreg [dreg:$0x17];
	[sflag:s15] =	ssyncadd.s32 $0xFFFFE000  }
0x171: {  	[hbm4b:s21+s2] =	stream.linear.scatter [tilespmem:s9], [sflag:$0x6], $0x2000, $0x38;
	[tilespmem:$0x1E400] =	vst v63  }
0x172: {  	s22 =	rddreg [dreg:$0x18]  }
0x173: {  	[hbm4b:s22+s2] =	stream.linear.scatter [tilespmem:s10], [sflag:$0x6], $0x2000, $0x38;
	[tilespmem:$0x1E400] =	vst v63  }
0x174: {  	s23 =	rddreg [dreg:$0x19]  }
0x175: {  	[hbm4b:s23+s2] =	stream.linear.scatter [tilespmem:s11], [sflag:$0x6], $0x2000, $0x38;
	[tilespmem:$0x1E400] =	vst v63  }
0x176: {  	s24 =	rddreg [dreg:$0x1a]  }
0x177: {  	[hbm4b:s24+s2] =	stream.linear.scatter [tilespmem:s12], [sflag:$0x6], $0x2000, $0x38;
	[tilespmem:$0x1E400] =	vst v63  }
0x178: {  	_ =	swait.ge [sflag:s16], $0x2000  }
0x179: {  	[sflag:s16] =	ssyncset.done $0x0  }
0x17a: {  	[sflag:s16] =	ssyncadd.s32 $0xFFFFE000  }
0x17b: {  	_ =	swait.ge [sflag:s16], $0x2000  }
0x17c: {  	[sflag:s16] =	ssyncset.done $0x0  }
0x17d: {  	[sflag:s16] =	ssyncadd.s32 $0xFFFFE000  }
0x17e: {  	_ =	swait.ge [sflag:s16], $0x2000  }
0x17f: {  	[sflag:s16] =	ssyncset.done $0x0  }
0x180: {  	[sflag:s16] =	ssyncadd.s32 $0xFFFFE000  }
0x181: {  	_ =	swait.ge [sflag:s16], $0x2000  }
0x182: {  	[sflag:s16] =	ssyncset.done $0x0  }
0x183: {  	s25 =	simm.s32 $0x6200;
	[sflag:s16] =	ssyncadd.s32 $0xFFFFE000  }
0x184: {  	[tilespmem:s0], [sflag:$0x2] =	stream.indirect.gather [hbm4b:s3+s28], $0x40, s25, s28, $0xb8;
	[tilespmem:$0x1E400] =	vst v63  }
0x185: {  	s20 =	simm.s32 $0x6280  }
0x186: {  	[tilespmem:s4], [sflag:$0x2] =	stream.indirect.gather [hbm4b:s3+s28], $0x40, s20, s28, $0xb8;
	[tilespmem:$0x1E400] =	vst v63  }
0x187: {  	s21 =	simm.s32 $0x6300  }
0x188: {  	[tilespmem:s6], [sflag:$0x2] =	stream.indirect.gather [hbm4b:s3+s28], $0x40, s21, s28, $0xb8;
	[tilespmem:$0x1E400] =	vst v63  }
0x189: {  	s22 =	simm.s32 $0x6380  }
0x18a: {  	[tilespmem:s7], [sflag:$0x2] =	stream.indirect.gather [hbm4b:s3+s28], $0x40, s22, s28, $0xb8;
	[tilespmem:$0x1E400] =	vst v63  }
0x18b: {  	_ =	swait.ge [sflag:s8], $0x2000  }
0x18c: {  	[sflag:s8] =	ssyncset.done $0x0  }
0x18d: {  	[sflag:s8] =	ssyncadd.s32 $0xFFFFE000  }
0x18e: {  	_ =	swait.ge [sflag:s8], $0x2000  }
0x18f: {  	[sflag:s8] =	ssyncset.done $0x0  }
0x190: {  	[sflag:s8] =	ssyncadd.s32 $0xFFFFE000  }
0x191: {  	_ =	swait.ge [sflag:s8], $0x2000  }
0x192: {  	[sflag:s8] =	ssyncset.done $0x0  }
0x193: {  	[sflag:s8] =	ssyncadd.s32 $0xFFFFE000  }
0x194: {  	_ =	swait.ge [sflag:s8], $0x2000  }
0x195: {  	[sflag:s8] =	ssyncset.done $0x0  }
0x196: {  	s23 =	rddreg [dreg:$0x1b];
	[sflag:s8] =	ssyncadd.s32 $0xFFFFE000  }
0x197: {  	[hbm4b:s23+s2] =	stream.linear.scatter [tilespmem:s29], [sflag:$0x4], $0x2000, $0x38;
	[tilespmem:$0x1E400] =	vst v63  }
0x198: {  	s24 =	rddreg [dreg:$0x1c]  }
0x199: {  	[hbm4b:s24+s2] =	stream.linear.scatter [tilespmem:s30], [sflag:$0x4], $0x2000, $0x38;
	[tilespmem:$0x1E400] =	vst v63  }
0x19a: {  	s25 =	rddreg [dreg:$0x1d]  }
0x19b: {  	[hbm4b:s25+s2] =	stream.linear.scatter [tilespmem:s1], [sflag:$0x4], $0x2000, $0x38;
	[tilespmem:$0x1E400] =	vst v63  }
0x19c: {  	s20 =	rddreg [dreg:$0x1e]  }
0x19d: {  	[hbm4b:s20+s2] =	stream.linear.scatter [tilespmem:s31], [sflag:$0x4], $0x2000, $0x38;
	[tilespmem:$0x1E400] =	vst v63  }
0x19e: {  	_ =	swait.ge [sflag:s17], $0x2000  }
0x19f: {  	[sflag:s17] =	ssyncset.done $0x0  }
0x1a0: {  	[sflag:s17] =	ssyncadd.s32 $0xFFFFE000  }
0x1a1: {  	_ =	swait.ge [sflag:s17], $0x2000  }
0x1a2: {  	[sflag:s17] =	ssyncset.done $0x0  }
0x1a3: {  	[sflag:s17] =	ssyncadd.s32 $0xFFFFE000  }
0x1a4: {  	_ =	swait.ge [sflag:s17], $0x2000  }
0x1a5: {  	[sflag:s17] =	ssyncset.done $0x0  }
0x1a6: {  	[sflag:s17] =	ssyncadd.s32 $0xFFFFE000  }
0x1a7: {  	_ =	swait.ge [sflag:s17], $0x2000  }
0x1a8: {  	[sflag:s17] =	ssyncset.done $0x0  }
0x1a9: {  	[sflag:s17] =	ssyncadd.s32 $0xFFFFE000  }
0x1aa: {  	_ =	swait.ge [sflag:s13], $0x2000  }
0x1ab: {  	[sflag:s13] =	ssyncset.done $0x0  }
0x1ac: {  	[sflag:s13] =	ssyncadd.s32 $0xFFFFE000  }
0x1ad: {  	_ =	swait.ge [sflag:s13], $0x2000  }
0x1ae: {  	[sflag:s13] =	ssyncset.done $0x0  }
0x1af: {  	[sflag:s13] =	ssyncadd.s32 $0xFFFFE000  }
0x1b0: {  	_ =	swait.ge [sflag:s13], $0x2000  }
0x1b1: {  	[sflag:s13] =	ssyncset.done $0x0  }
0x1b2: {  	[sflag:s13] =	ssyncadd.s32 $0xFFFFE000  }
0x1b3: {  	_ =	swait.ge [sflag:s13], $0x2000  }
0x1b4: {  	[sflag:s13] =	ssyncset.done $0x0;
	s21 =	rddreg [dreg:$0x1f]  }
0x1b5: {  	s22 =	sld [smem:$0x7FA];
	[sflag:s13] =	ssyncadd.s32 $0xFFFFE000  }
0x1b6: {  	[hbm4b:s21+s2] =	stream.linear.scatter [tilespmem:s0], [sflag:$0x5], $0x2000, $0x38;
	[tilespmem:$0x1E400] =	vst v63  }
0x1b7: {  	s23 =	sld [smem:$0x7FB]  }
0x1b8: {  	[hbm4b:s22+s2] =	stream.linear.scatter [tilespmem:s4], [sflag:$0x5], $0x2000, $0x38;
	[tilespmem:$0x1E400] =	vst v63  }
0x1b9: {  	s24 =	sld [smem:$0x7FC]  }
0x1ba: {  	[hbm4b:s23+s2] =	stream.linear.scatter [tilespmem:s6], [sflag:$0x5], $0x2000, $0x38;
	[tilespmem:$0x1E400] =	vst v63  }
0x1bb: {  	_ = 	snop  }
0x1bc: {  	[hbm4b:s24+s2] =	stream.linear.scatter [tilespmem:s7], [sflag:$0x5], $0x2000, $0x38;
	[tilespmem:$0x1E400] =	vst v63  }
0x1bd: {  	_ =	swait.ge [sflag:s14], $0x2000  }
0x1be: {  	[sflag:s14] =	ssyncset.done $0x0  }
0x1bf: {  	[sflag:s14] =	ssyncadd.s32 $0xFFFFE000  }
0x1c0: {  	_ =	swait.ge [sflag:s14], $0x2000  }
0x1c1: {  	[sflag:s14] =	ssyncset.done $0x0  }
0x1c2: {  	[sflag:s14] =	ssyncadd.s32 $0xFFFFE000  }
0x1c3: {  	_ =	swait.ge [sflag:s14], $0x2000  }
0x1c4: {  	[sflag:s14] =	ssyncset.done $0x0  }
0x1c5: {  	[sflag:s14] =	ssyncadd.s32 $0xFFFFE000  }
0x1c6: {  	_ =	swait.ge [sflag:s14], $0x2000  }
0x1c7: {  	[sflag:s14] =	ssyncset.done $0x0  }
0x1c8: {  	[sflag:s14] =	ssyncadd.s32 $0xFFFFE000  }
0x1c9: {  	_ =	swait.ge [sflag:s16], $0x2000  }
0x1ca: {  	[sflag:s16] =	ssyncset.done $0x0  }
0x1cb: {  	[sflag:s16] =	ssyncadd.s32 $0xFFFFE000  }
0x1cc: {  	_ =	swait.ge [sflag:s16], $0x2000  }
0x1cd: {  	[sflag:s16] =	ssyncset.done $0x0  }
0x1ce: {  	[sflag:s16] =	ssyncadd.s32 $0xFFFFE000  }
0x1cf: {  	_ =	swait.ge [sflag:s16], $0x2000  }
0x1d0: {  	[sflag:s16] =	ssyncset.done $0x0  }
0x1d1: {  	[sflag:s16] =	ssyncadd.s32 $0xFFFFE000  }
0x1d2: {  	_ =	swait.ge [sflag:s16], $0x2000  }
0x1d3: {  	s25 =	sld [smem:$0x7FD];
	_ =	sdelay $0x1  }
0x1d4: {  	s18 =	sadd.s32 $0x1, s18  }
0x1d5: {  	p0 =	sne.s32 s18, s25  }
.Ltmp1:
0x1d6: {  	_ = 	snop;
	(pc) =	sbr.rel @p0 .LBB2_1-.Ltmp1, $3  }
0x1d7: {  	_ =	sdelay $0x1  }
0x1d8: {  	[sflag:s16] =	ssyncset.done $0x0  }
0x1d9: {  	[sflag:s16] =	ssyncadd.s32 $0xFFFFE000  }
0x1da: {  	_ =	sfence.sel $0x180000  }
0x1db: {  	[bflag:$0x0] =	sbarrier.arrive $0xFFFF  }
0x1dc: {  	_ =	strace $0x90000047  }
0x1dd: {  	s0 =	stileid.u32;
	[bflag:$0x2] =	sbarrier.arrive $0xFFFF  }
0x1de: {  	p0 =	sne.s32 s0, $0x0;
	s0 =	rddreg [dreg:$0x2]  }
0x1df: {  	s0 =	sadd.s32 @!p0 $0x100000, s0  }
0x1e0: {  	[sflag:s0] =	ssyncadd.tile.s32 @!p0 $0x1;
	_ =	shalt  }
.Lfunc_end2:
_tile_overlayer_lowered:
.L_overlay_start_2:
0x1e1: {  	(tag) =	ssettag $0x2  }
0x1e2: {  	s0 =	rddreg [dreg:$0x0];
	s2 =	stileid.u32  }
0x1e3: {  	s1 =	rddreg [dreg:$0x1];
	p0 =	sne.s32 s2, $0x0  }
0x1e4: {  	s3 =	rddreg [dreg:$0x2];
	[bflag:$0x3] =	sbarrier.arrive $0xFFFF;
	s2 =	simm.s32 @!p0 $0x1C01  }
0x1e5: {  	[timem:s3], [sflag:s2] =	dma.local @!p0 [hbm:s0], s1  }
0x1e6: {  	s0 =	simm.s32 @!p0 $0x1  }
0x1e7: {  	_ =	swait.ge @!p0 [sflag:s0], s1  }
0x1e8: {  	s1 =	ssub.s32 @!p0 $0x0, s1;
	[sflag:s0] =	ssyncset.done @!p0 $0x0  }
0x1e9: {  	[sflag:s0] =	ssyncadd.s32 @!p0 s1  }
0x1ea: {  	[bflag:$0x3] =	sbarrier.arrive $0xFFFF  }
0x1eb: {  	_ =	shalt  }

// kernel: sparse-core-data-format-call.cloned.1.call-start
scs
called_computation_lowered:
.L_overlay_start_0:
0x0: {  	s2 =	sld [smem:$0x3FD9]  }
0x1: {  	s3 =	sld [smem:$0x3FFE];
	_ =	sdelay $0x1  }
0x2: {  	s1 =	srdreg.scid  }
0x3: {  	s0 =	sand.u32 $0x1, s1  }
0x4: {  	s18 =	sshll.u32 s0, $0xA;
	s2 =	sadd.s32 s3, s2  }
0x5: {  	s2 =	sadd.s32 s2, s18  }
0x6: {  	[smem:$0x3FC6] =	sst s2  }
0x7: {  	_ = 	snop  }
0x8: {  	s2 =	sld [smem:$0x3FD0];
	(tm) =	ssettm $0x1  }
0x9: {  	s19 =	sld [smem:$0x3FFB];
	_ =	sdelay $0x3  }
0xa: {  	_ =	strace s19  }
0xb: {  	s3 =	sld [smem:$0x3FFC];
	_ =	sdelay $0x3  }
0xc: {  	_ =	strace s3  }
0xd: {  	s3 =	sld [smem:$0x3FFD];
	_ =	sdelay $0x3  }
0xe: {  	_ =	strace s3  }
0xf: {  	_ =	strace $0x8FFFFFFF  }
0x10: {  	s20 =	sld [smem:$0x3FDB];
	_ =	sdelay $0x1  }
0x11: {  	s4 =	simm.s32 $_scs_section_size  }
0x12: {  	s5 =	simm.s32 $_size__tile_overlayer_lowered;
	s6 =	simm.s32 $_tile_overlayer_lowered  }
0x13: {  	s23 =	simm.s32 $0x1BFF;
	s22 =	sshll.u32 s6, $0x1;
	s3 =	sadd.s32 s4, s20  }
0x14: {  	s7 =	simm.s32 $0x0;
	s21 =	sshll.u32 s5, $0x1;
	s5 =	sadd.s32 s22, s3  }
0x15: {  	[timem:s7], [sflag:s23] =	dma.local [hbm:s5], s21  }
0x16: {  	_ =	swait.ge [sflag:s23], s21  }
0x17: {  	s4 =	ssub.s32 $0x0, s21;
	[sflag:s23] =	ssyncset.done $0x0  }
0x18: {  	[sflag:s23] =	ssyncadd.s32 s4;
	_ =	sdelay $0x1  }
0x19: {  	s24 =	simm.s32 $0x1B8B  }
0x1a: {  	_ =	swait.ge [sflag:s24], $0x1  }
0x1b: {  	[sflag:s24] =	ssyncset.done $0x0  }
0x1c: {  	s26 =	simm.s32 $0x1B8E;
	s25 =	sld [smem:$0x3FFE];
	[sflag:s24] =	ssyncadd.s32 $0xFFFFFFFF  }
0x1d: {  	s27 =	simm.s32 $execute0_lowered;
	[smem:$0x3FD2] =	sst s26  }
0x1e: {  	s5 =	sshll.u32 s27, $0x1;
	_ =	strace $0x80000049;
	[dreg:$0x1] =	wrdreg $0xFFFFFFFF  }
0x1f: {  	s28 =	simm.s32 $_size_execute0_lowered;
	s3 =	sadd.s32 s3, s5;
	[dreg:$0x0] =	wrdreg $0x0  }
0x20: {  	s5 =	sshll.u32 s28, $0x1;
	[dreg:$0x2] =	wrdreg s3  }
0x21: {  	[dreg:$0x3] =	wrdreg s5  }
0x22: {  	[dreg:$0x4] =	wrdreg $0xC0  }
0x23: {  	_ =	task [dreg:s7], $0x5FFFF  }
0x24: {  	[dreg:$0x1] =	wrdreg $0xFFFFFFFF  }
0x25: {  	[dreg:$0x0] =	wrdreg $0x60  }
0x26: {  	[dreg:$0x2] =	wrdreg s25  }
0x27: {  	[dreg:$0x3] =	wrdreg s2  }
0x28: {  	[dreg:$0x4] =	wrdreg $0x9  }
0x29: {  	_ =	task.clear_ibuf [dreg:s7], $0x5FFFF;
	_ =	strace $0x90000049  }
0x2a: {  	s29 =	simm.s32 $0x9;
	_ =	strace $0x8000004B  }
0x2b: {  	_ =	swait.ge [sflag:s29], $0x1  }
0x2c: {  	[sflag:s29] =	ssyncadd.s32 $0xFFFFFFFF  }
0x2d: {  	_ =	strace $0x9000004B  }
0x2e: {  	_ =	sfence  }
0x2f: {  	s30 =	sld [smem:$0x0];
	_ =	sdelay $0x2  }
0x30: {  	s31 =	sshll.u32 s1, $0xD;
	s1 =	sshrl.u32 s1, $0x2  }
0x31: {  	s3 =	sand.u32 $0x4000, s31;
	s1 =	sadd.s32 s1, s30  }
0x32: {  	s0 =	sor.u32 s3, s0;
	s1 =	sshll.u32 s1, $0x11  }
0x33: {  	s0 =	sor.u32 s1, s0  }
0x34: {  	s0 =	sadd.s32 $0x8F2B, s0  }
0x35: {  	[sflag:s0] =	ssyncadd.remote.s32 $0x1  }
0x36: {  	_ =	sfence.sel $0xFFFF  }
0x37: {  	[dreg:$0x0] =	wrdreg $0xFFFFFFFF;
	(pc) =	sbr.abs _section_cstart, $3  }
0x38: {  	[dreg:$0x1] =	wrdreg $0xFFFFFFFF  }
0x39: {  	_ =	task.clear_ibuf [dreg:s7], $0x2FFFF;
	_ =	strace $0x9FFFFFFF  }
0x3a: {  	(tm) =	ssettm $0x7FFFFFFF  }
0x3b: {  	_ =	shalt  }
tec
execute0_lowered:
.L_overlay_start_1:
0x0: {  	(tag) =	ssettag $0x1  }
0x1: {  	s0 =	srdreg.scid  }
0x2: {  	s1 =	sshll.u32 s0, $0x4  }
0x3: {  	s0 =	stileid.u32;
	s1 =	sand.u32 $0x10, s1  }
0x4: {  	s1 =	sor.u32 s0, s1  }
0x5: {  	s6 =	rddreg [dreg:$0x0];
	s4 =	simm.s32 $0x1;
	s2 =	sshll.u32 s1, $0x7  }
0x6: {  	s7 =	simm.s32 $0x2;
	s12 =	simm.s32 $0x0;
	s1 =	ssub.s32 $0x1000, s2  }
0x7: {  	s8 =	simm.s32 $0x8000;
	s13 =	simm.s32 $0x0;
	s3 =	sand.u32 $0xF80, s1  }
0x8: {  	s9 =	simm.s32 $0x0;
	s5 =	sshrl.u32 s1, $0xC;
	p0 =	sne.s32 s3, $0x0  }
.Ltmp0:
0x9: {  	s1 =	rddreg [dreg:$0x2];
	s4 =	simm.s32 @!p0 $0x0;
	(pc) =	sbr.rel .LBB1_1-.Ltmp0, $4  }
0xa: {  	s11 =	simm.s32 $0x0;
	s3 =	rddreg [dreg:$0x1];
	s5 =	sadd.s32 s4, s5  }
0xb: {  	_ =	strace $0x8000004A;
	s4 =	simm.s32 $0x1;
	s5 =	smul.u32 $0xC8, s5  }
0xc: {  	s6 =	sadd.s32 $0xA00, s6;
	s10 =	smov.u32 s2;
	[sflag:s4] =	ssyncpa.u1 $0x0  }
0xd: {  	p0 =	por $0x0, $0x0;
	[sflag:s7] =	ssyncpa.u1 $0x0;
	s7 =	sor.u32 $0x1, s5  }
.LBB1_4:
0xe: {  	s16 =	sshll.u32 s13, $0x3;
	s17 =	sand.u32 $0x78, s13  }
0xf: {  	s30 =	sand.u32 $0x7E00, s13;
	s12 =	sshll.u32 s12, $0xF;
	s16 =	sand.u32 $0xC00, s16  }
0x10: {  	[tilespmem:s15+$0x810 ss:$0x81] =	vst.msk $0xffff, v2;
	s31 =	sand.u32 $0x7, s13;
	s16 =	sor.u32 s17, s16;
	s17 =	sadd.s32 s3, s30  }
0x11: {  	[tilespmem:s15+$0x1020 ss:$0x81] =	vst.msk $0xffff, v0;
	s13 =	sshll.u32 s31, $0x12;
	s12 =	sadd.s32 s12, s17;
	s16 =	sshrl.u32 s16, $0x3  }
0x12: {  	[tilespmem:s15+$0x0 ss:$0x81] =	vst.msk $0xffff, v1;
	s13 =	sor.u32 $0x400, s13;
	s12 =	sadd.s32 s16, s12  }
0x13: {  	[hbm4b:s12+s13] =	stream.strided.scatter [tilespmem:s14], [sflag:$0x2], $0x2000, s8, s13, $0x20;
	[tilespmem:$0x8080] =	vst v63  }
.LBB1_5:
0x14: {  	s14 =	sadd.s32 $0x1, s9  }
0x15: {  	s12 =	sadd.s32 $0x1000, s10;
	s16 =	smov.u32 s10;
	p2 =	sgt.s32 s14, $0xC7  }
0x16: {  	s16 =	smov.u32 @p2 s12  }
0x17: {  	s14 =	simm.s32 @p2 $0x0;
	p2 =	sgt.s32 s16, $0xFFF  }
0x18: {  	s16 =	smov.u32 @p2 s2;
	p2 =	sne.s32 s11, s7  }
.Ltmp1:
0x19: {  	p1 =	slt.u32 s11, $0x2;
	(pc) =	sbr.rel @!p2 .LBB1_6-.Ltmp1, $4  }
0x1a: {  	s15 =	simm.s32 @!p1 $0x2  }
0x1b: {  	s13 =	smov.u32 s10;
	p0 =	por !p0, !p0;
	_ =	swait.ge @!p1 [sflag:s15], $0x2000  }
0x1c: {  	s12 =	smov.u32 s9;
	[sflag:s15] =	ssyncset.done @!p1 $0x0;
	s9 =	smov.u32 s14  }
0x1d: {  	s11 =	sadd.s32 $0x1, s11;
	[sflag:s15] =	ssyncadd.s32 @!p1 $0xFFFFE000;
	s10 =	smov.u32 s16  }
.LBB1_1:
0x1e: {  	p1 =	sge.u32 s11, s5  }
0x1f: {  	s14 =	sand.u32 @!p1 $0x1FFFFFF, s9  }
0x20: {  	s15 =	smulhi.u32 @!p1 $0x147AE15, s14;
	_ =	sdelay $0x1  }
0x21: {  	s15 =	smul.u32 @!p1 $0xC8, s15  }
0x22: {  	s16 =	sxor.u32 @!p1 $0xFFFFFFFF, s11;
	s17 =	smul.u32 @!p1 $0xC80, s10  }
0x23: {  	s31 =	sadd.s32 $0xFFFFFFFF, s11;
	s16 =	sshll.u32 @!p1 s16, $0xD;
	s14 =	ssub.s32 @!p1 s14, s15  }
0x24: {  	s15 =	sand.u32 @!p1 $0x2000, s16;
	s16 =	sadd.s32 @!p1 s6, s17;
	s14 =	sshll.u32 @!p1 s14, $0x4  }
0x25: {  	s17 =	simm.s32 @!p1 $0x6400;
	s14 =	sadd.s32 @!p1 s14, s16;
	s16 =	simm.s32 @!p1 $0x40  }
0x26: {  	[tilespmem:s15], [sflag:$0x1] =	stream.strided.gather @!p1 [hbm4b:s14+s16], $0x2000, s17, s16, $0x38;
	[tilespmem:$0x8080] =	vst v63  }
0x27: {  	p1 =	sge.u32 s31, s5  }
.Ltmp2:
0x28: {  	_ = 	snop;
	(pc) =	sbr.rel @p1 .LBB1_5-.Ltmp2, $1  }
0x29: {  	_ =	sdelay $0x3  }
0x2a: {  	s14 =	simm.s32 $0x1  }
0x2b: {  	_ =	swait.ge [sflag:s4], $0x2000;
	s14 =	simm.s32 @!p0 $0x0  }
0x2c: {  	[sflag:s4] =	ssyncset.done $0x0;
	s15 =	sshll.u32 s14, $0xD  }
0x2d: {  	[sflag:s4] =	ssyncadd.s32 $0xFFFFE000;
	s18 =	sor.u32 $0x20, s15  }
0x2e: {  	s14 =	smul.u32 $0x8100, s14;
	v3 =	vld [tilespmem:s18+$0x10]  }
0x2f: {  	s30 =	sand.u32 $0x1, s11;
	v2 =	vld [tilespmem:s18+$0xFFFFFFF0]  }
0x30: {  	s15 =	smul.u32 $0x8100, s30;
	s14 =	sshrl.u32 s14, $0x2;
	v0 =	vld [tilespmem:s18+$0x0]  }
0x31: {  	v1 =	vld [tilespmem:s18+$0xFFFFFFE0];
	s16 =	sor.u32 $0x4000, s14  }
0x32: {  	s31 =	sshrl.u32 s15, $0x2;
	s15 =	sadd.s32 $0x0, s16  }
0x33: {  	s17 =	simm.s32 $0x4;
	s18 =	sadd.s32 $0x40, s18;
	s14 =	sor.u32 $0x4000, s31;
	[tilespmem:s15+$0x1830 ss:$0x81] =	vst.msk $0xffff, v3  }
.LBB1_3:
0x34: {  	v3 =	vld [tilespmem:s18+$0x10];
	p1 =	sne.s32 s17, $0x1FC;
	[tilespmem:s15+$0x810 ss:$0x81] =	vst.msk $0xffff, v2;
	s19 =	smov.u32 s17;
	s17 =	sadd.s32 $0x4, s17  }
.Ltmp3:
0x35: {  	v2 =	vld [tilespmem:s18+$0xFFFFFFF0];
	[tilespmem:s15+$0x1020 ss:$0x81] =	vst.msk $0xffff, v0;
	(pc) =	sbr.rel @p1 .LBB1_3-.Ltmp3, $4  }
0x36: {  	v0 =	vld [tilespmem:s18+$0x0];
	[tilespmem:s15+$0x0 ss:$0x81] =	vst.msk $0xffff, v1  }
0x37: {  	s15 =	sshra.s32 s19, $0x2;
	v1 =	vld [tilespmem:s18+$0xFFFFFFE0]  }
0x38: {  	s15 =	sadd.s32 s15, s16  }
0x39: {  	s18 =	sadd.s32 $0x40, s18;
	[tilespmem:s15+$0x1830 ss:$0x81] =	vst.msk $0xffff, v3  }
.Ltmp4:
0x3a: {  	_ = 	snop;
	(pc) =	sbr.rel .LBB1_4-.Ltmp4, $1  }
0x3b: {  	_ =	sdelay $0x3  }
.LBB1_6:
0x3c: {  	_ =	sfence.sel $0x180000  }
0x3d: {  	s2 =	simm.s32 $0x1;
	[bflag:$0x0] =	sbarrier.arrive $0xFFFF  }
0x3e: {  	s31 =	simm.s32 $0x2;
	[sflag:s2] =	ssyncpa.u1 $0x1  }
0x3f: {  	[sflag:s31] =	ssyncpa.u1 $0x1  }
0x40: {  	p0 =	sne.s32 s0, $0x0;
	_ =	strace $0x9000004A  }
0x41: {  	s0 =	sadd.s32 @!p0 $0x100000, s1;
	[bflag:$0x2] =	sbarrier.arrive $0xFFFF  }
0x42: {  	[sflag:s0] =	ssyncadd.tile.s32 @!p0 $0x1;
	_ =	shalt  }
.Lfunc_end1:
_tile_overlayer_lowered:
.L_overlay_start_2:
0x43: {  	(tag) =	ssettag $0x2  }
0x44: {  	s0 =	rddreg [dreg:$0x0];
	s2 =	stileid.u32  }
0x45: {  	s1 =	rddreg [dreg:$0x1];
	p0 =	sne.s32 s2, $0x0  }
0x46: {  	s3 =	rddreg [dreg:$0x2];
	[bflag:$0x3] =	sbarrier.arrive $0xFFFF;
	s2 =	simm.s32 @!p0 $0x1C01  }
0x47: {  	[timem:s3], [sflag:s2] =	dma.local @!p0 [hbm:s0], s1  }
0x48: {  	s0 =	simm.s32 @!p0 $0x1  }
0x49: {  	_ =	swait.ge @!p0 [sflag:s0], s1  }
0x4a: {  	s1 =	ssub.s32 @!p0 $0x0, s1;
	[sflag:s0] =	ssyncset.done @!p0 $0x0  }
0x4b: {  	[sflag:s0] =	ssyncadd.s32 @!p0 s1  }
0x4c: {  	[bflag:$0x3] =	sbarrier.arrive $0xFFFF  }
0x4d: {  	_ =	shalt  }

</sc_bundles>
